<compile_context>
chip_gen: v7x
topology: tpu7x:2x2x1
jax: 0.10.2.dev20260603
libtpu: 0.0.44.dev20260713+nightly
codegen_flags: <defaults>
</compile_context>

<pallas_src>
import functools
import math

import jax
import jax.numpy as jnp
from jax import lax
from jax.experimental import pallas as pl
from jax.experimental.pallas import tpu as pltpu
from jax.experimental.pallas import tpu_sc as plsc

_LANES = 16
_NBUF = 4
_SUB = 8
_LANE_TILE = 128


def _make_sc_gather(b: int, s: int, v2: int, d: int, scale: float,
                    num_cores: int, num_subcores: int):
    nw = num_cores * num_subcores
    bpw = b // nw
    d2 = 2 * d
    fh = d // _SUB
    groups = s // _NBUF
    nblk = bpw // _LANES
    mesh = plsc.VectorSubcoreMesh(core_axis_name="c", subcore_axis_name="s")

    @functools.partial(
        pl.kernel,
        out_type=jax.ShapeDtypeStruct((s, fh, nw, _SUB, bpw), jnp.float32),
        mesh=mesh,
        scratch_types=[
            pltpu.VMEM((s, bpw), jnp.int32),
            pltpu.VMEM((_NBUF, bpw, d), jnp.float32),
            pltpu.VMEM((_NBUF, fh, _SUB, bpw + 1), jnp.float32),
            pltpu.SemaphoreType.DMA((_NBUF,)),
            pltpu.SemaphoreType.DMA((_NBUF,)),
        ],
        compiler_params=pltpu.CompilerParams(use_tc_tiling_on_sc=False,
                                             needs_layout_passes=False),
    )
    def sc_gather(tok_hbm, table_hbm, out_hbm, idx_v, rows_v, trans_v,
                  gsem, ssem):
        wid = lax.axis_index("s") * num_cores + lax.axis_index("c")
        b0 = wid * bpw
        iota = lax.iota(jnp.int32, _LANES)
        pltpu.sync_copy(tok_hbm.at[pl.ds(0, s), pl.ds(b0, bpw)], idx_v)

        def issue_gather(step, buf):
            pltpu.async_copy(
                table_hbm.at[idx_v.at[step]], rows_v.at[buf], gsem.at[buf]
            )

        def wait_gather(buf):
            pltpu.make_async_copy(
                table_hbm.at[pl.ds(0, bpw)], rows_v.at[buf], gsem.at[buf]
            ).wait()

        def out_slab(step):
            return out_hbm.at[step, pl.ds(0, fh), wid, pl.ds(0, _SUB),
                              pl.ds(0, bpw)]

        def trans_src(buf):
            return trans_v.at[buf, pl.ds(0, fh), pl.ds(0, _SUB),
                              pl.ds(0, bpw)]

        def wait_store(buf):
            pltpu.make_async_copy(
                trans_src(buf), out_slab(0), ssem.at[buf]
            ).wait()

        for buf in range(_NBUF):
            issue_gather(buf, buf)

        def group_body(g, carry):
            i0 = g * _NBUF
            for buf in range(_NBUF):
                i = i0 + buf
                bprev = (buf - 1) % _NBUF

                @pl.when(jnp.logical_and(i >= 1, i + _NBUF - 1 < s))
                def _():
                    issue_gather(i + _NBUF - 1, bprev)

                wait_gather(buf)

                @pl.when(i >= _NBUF)
                def _():
                    wait_store(buf)

                fidx = [(((iota + f0) // _SUB), ((iota + f0) % _SUB))
                        for f0 in range(0, d, _LANES)]

                @plsc.parallel_loop(0, bpw, unroll=4)
                def _(t):
                    idx_t = iota * 0 + t
                    for k, f0 in enumerate(range(0, d, _LANES)):
                        x = rows_v[buf, t, pl.ds(f0, _LANES)] * scale
                        plsc.store_scatter(trans_v.at[buf],
                                           [fidx[k][0], fidx[k][1], idx_t],
                                           x)

                pltpu.async_copy(trans_src(buf), out_slab(i), ssem.at[buf])
            return carry

        lax.fori_loop(0, groups, group_body, 0)
        for buf in range(_NBUF):
            wait_store(buf)

    return sc_gather


def kernel(tokens, table):
    b, s = tokens.shape
    v, d = table.shape
    info = plsc.get_sparse_core_info()
    nw = info.num_cores * info.num_subcores
    assert b // nw == _LANE_TILE
    assert d % _LANES == 0 and s % _NBUF == 0 and d % _SUB == 0
    tok_t = jnp.swapaxes(tokens, 0, 1).astype(jnp.int32)
    out5 = _make_sc_gather(b, s, v, d, math.sqrt(d), info.num_cores,
                           info.num_subcores)(tok_t, table)
    return out5.transpose(2, 4, 0, 1, 3).reshape(b, s, d)

# --- scband reference (transcript-rebuilt; emitter-appended) ---
"""Pipeline reference for scband-embedding-12120397709605 (READ-ONLY COPY).

The authoritative reference and input builder live on the scoring server;
editing this copy changes nothing except your own understanding.
"""

import jax, jax.numpy as jnp
import numpy as np
import math

VOCAB = 1000000
MODEL_DIM = 64
BATCH = 4096
SEQ_LEN = 200
SCALE = math.sqrt(MODEL_DIM)


def setup_inputs(seed: int = 0) -> dict:
    key = jax.random.key(seed)
    k_tok, k_tab = jax.random.split(key)
    tokens = jax.random.randint(k_tok, (BATCH, SEQ_LEN), 0, VOCAB, dtype=jnp.int64) if jax.config.jax_enable_x64 else jax.random.randint(k_tok, (BATCH, SEQ_LEN), 0, VOCAB, dtype=jnp.int32)
    table = jax.random.normal(k_tab, (VOCAB, MODEL_DIM), dtype=jnp.float32)
    return {"tokens": tokens, "table": table}


def reference(tokens, table):
    # nn.Embedding lookup: table[tokens] -> [batch, seq_len, model_dim], then scale by sqrt(model_dim)
    embedding = jnp.take(table, tokens, axis=0) * SCALE
    return embedding

if __name__ == "__main__":
    import jax
    _d = setup_inputs()
    print(jax.jit(kernel)(*tuple(_d.values())))

</pallas_src>

<mosaic_0001>
#map = affine_map<(d0, d1) -> (0, 0)>
#map1 = affine_map<(d0, d1) -> (0, 0, 0, 0, 0)>
module attributes {stable_mosaic.version = 14 : i64} {
  func.func @sc_gather(%arg0: i32, %arg1: i32, %arg2: memref<200x4096xi32, #tpu.memory_space<hbm>>, %arg3: memref<1000000x64xf32, #tpu.memory_space<hbm>>, %arg4: memref<200x8x32x8x128xf32, #tpu.memory_space<hbm>>, %arg5: memref<200x128xi32, #tpu.memory_space<vmem>>, %arg6: memref<4x128x64xf32, #tpu.memory_space<vmem>>, %arg7: memref<4x8x8x129xf32, #tpu.memory_space<vmem>>, %arg8: memref<4x!tpu.dma_semaphore, #tpu.memory_space<semaphore_mem>>, %arg9: memref<4x!tpu.dma_semaphore, #tpu.memory_space<semaphore_mem>>) attributes {dimension_semantics = [#tpu.dimension_semantics<core_parallel>, #tpu.dimension_semantics<subcore_parallel>], iteration_bounds = array<i64: 2, 16>, scalar_prefetch = 0 : i64, scratch_operands = 5 : i64, tpu.core_type = #tpu.core_type<sc_vector_subcore>, window_params = [{transform_indices = #map}, {transform_indices = #map}, {transform_indices = #map1}]} {
    %mul3A = arith.constant 2 : i32
    %mul3A_0 = arith.muli %arg1, %mul3A : i32
    %add3A = arith.addi %mul3A_0, %arg0 : i32
    %mul3A_1 = arith.constant 128 : i32
    %mul3A_2 = arith.muli %add3A, %mul3A_1 : i32
    %iota3A = tpu.iota {dimensions = array<i32: 0>} : vector<16xi32>
    "tpu.region"() ({
      %run_scoped3A = tpu.sem_alloc : memref<!tpu.dma_semaphore, #tpu.memory_space<semaphore_mem>>
      %dma_start3A_166 = arith.constant 0 : i32
      %dma_start3A_167 = tpu.memref_slice %arg2[%dma_start3A_166, %mul3A_2] : memref<200x4096xi32, #tpu.memory_space<hbm>> -> memref<200x128xi32, #tpu.memory_space<hbm>>
      %dma_start3A_168 = arith.constant 0 : i32
      %dma_start3A_169 = tpu.memref_slice %arg2[%dma_start3A_168, %mul3A_2] : memref<200x4096xi32, #tpu.memory_space<hbm>> -> memref<200x128xi32, #tpu.memory_space<hbm>>
      tpu.enqueue_dma source(%dma_start3A_169 : memref<200x128xi32, #tpu.memory_space<hbm>>) target(%arg5 : memref<200x128xi32, #tpu.memory_space<vmem>>) target_semaphore(%run_scoped3A : memref<!tpu.dma_semaphore, #tpu.memory_space<semaphore_mem>>)
      %dma_wait3A_170 = arith.constant 0 : i32
      %dma_wait3A_171 = tpu.memref_slice %arg2[%dma_wait3A_170, %mul3A_2] : memref<200x4096xi32, #tpu.memory_space<hbm>> -> memref<200x128xi32, #tpu.memory_space<hbm>>
      %dma_wait3A_172 = arith.constant 0 : i32
      %dma_wait3A_173 = tpu.memref_slice %arg2[%dma_wait3A_172, %mul3A_2] : memref<200x4096xi32, #tpu.memory_space<hbm>> -> memref<200x128xi32, #tpu.memory_space<hbm>>
      tpu.wait_dma2 semaphore(%run_scoped3A : memref<!tpu.dma_semaphore, #tpu.memory_space<semaphore_mem>>) src(%dma_wait3A_173 : memref<200x128xi32, #tpu.memory_space<hbm>>) dst(%arg5 : memref<200x128xi32, #tpu.memory_space<vmem>>)
      tpu.yield
    }) : () -> ()
    %dma_start3A = arith.constant 0 : i32
    %dma_start3A_3 = arith.constant 0 : i32
    %dma_start3A_4 = arith.constant 0 : i32
    %dma_start3A_5 = arith.constant 0 : i32
    %dma_start3A_6 = arith.constant 0 : i32
    %dma_start3A_7 = tpu.memref_slice %arg6[%dma_start3A_3, %dma_start3A_5, %dma_start3A_6] : memref<4x128x64xf32, #tpu.memory_space<vmem>> -> memref<1x128x64xf32, #tpu.memory_space<vmem>>
    %dma_start3A_8 = tpu.memref_squeeze %dma_start3A_7 : memref<1x128x64xf32, #tpu.memory_space<vmem>> -> memref<128x64xf32, #tpu.memory_space<vmem>>
    %dma_start3A_9 = arith.constant 0 : i32
    %dma_start3A_10 = tpu.memref_slice %arg5[%dma_start3A, %dma_start3A_9] : memref<200x128xi32, #tpu.memory_space<vmem>> -> memref<1x128xi32, #tpu.memory_space<vmem>>
    %dma_start3A_11 = tpu.memref_squeeze %dma_start3A_10 : memref<1x128xi32, #tpu.memory_space<vmem>> -> memref<128xi32, #tpu.memory_space<vmem>>
    %dma_start3A_12 = arith.constant 0 : i32
    %dma_start3A_13 = arith.constant 0 : i32
    %dma_start3A_14 = tpu.memref_slice %arg3[%dma_start3A_12, %dma_start3A_13] : memref<1000000x64xf32, #tpu.memory_space<hbm>> -> memref<1000000x64xf32, #tpu.memory_space<hbm>>
    %dma_start3A_15 = tpu.memref_slice %arg8[%dma_start3A_4] : memref<4x!tpu.dma_semaphore, #tpu.memory_space<semaphore_mem>> -> memref<1x!tpu.dma_semaphore, #tpu.memory_space<semaphore_mem>>
    %dma_start3A_16 = tpu.memref_squeeze %dma_start3A_15 : memref<1x!tpu.dma_semaphore, #tpu.memory_space<semaphore_mem>> -> memref<!tpu.dma_semaphore, #tpu.memory_space<semaphore_mem>>
    tpu.enqueue_indirect_dma source(%dma_start3A_14 : memref<1000000x64xf32, #tpu.memory_space<hbm>>) target(%dma_start3A_8 : memref<128x64xf32, #tpu.memory_space<vmem>>) offsets(%dma_start3A_11 : memref<128xi32, #tpu.memory_space<vmem>>) semaphore(%dma_start3A_16 : memref<!tpu.dma_semaphore, #tpu.memory_space<semaphore_mem>>)
    %dma_start3A_17 = arith.constant 1 : i32
    %dma_start3A_18 = arith.constant 1 : i32
    %dma_start3A_19 = arith.constant 1 : i32
    %dma_start3A_20 = arith.constant 0 : i32
    %dma_start3A_21 = arith.constant 0 : i32
    %dma_start3A_22 = tpu.memref_slice %arg6[%dma_start3A_18, %dma_start3A_20, %dma_start3A_21] : memref<4x128x64xf32, #tpu.memory_space<vmem>> -> memref<1x128x64xf32, #tpu.memory_space<vmem>>
    %dma_start3A_23 = tpu.memref_squeeze %dma_start3A_22 : memref<1x128x64xf32, #tpu.memory_space<vmem>> -> memref<128x64xf32, #tpu.memory_space<vmem>>
    %dma_start3A_24 = arith.constant 0 : i32
    %dma_start3A_25 = tpu.memref_slice %arg5[%dma_start3A_17, %dma_start3A_24] : memref<200x128xi32, #tpu.memory_space<vmem>> -> memref<1x128xi32, #tpu.memory_space<vmem>>
    %dma_start3A_26 = tpu.memref_squeeze %dma_start3A_25 : memref<1x128xi32, #tpu.memory_space<vmem>> -> memref<128xi32, #tpu.memory_space<vmem>>
    %dma_start3A_27 = arith.constant 0 : i32
    %dma_start3A_28 = arith.constant 0 : i32
    %dma_start3A_29 = tpu.memref_slice %arg3[%dma_start3A_27, %dma_start3A_28] : memref<1000000x64xf32, #tpu.memory_space<hbm>> -> memref<1000000x64xf32, #tpu.memory_space<hbm>>
    %dma_start3A_30 = tpu.memref_slice %arg8[%dma_start3A_19] : memref<4x!tpu.dma_semaphore, #tpu.memory_space<semaphore_mem>> -> memref<1x!tpu.dma_semaphore, #tpu.memory_space<semaphore_mem>>
    %dma_start3A_31 = tpu.memref_squeeze %dma_start3A_30 : memref<1x!tpu.dma_semaphore, #tpu.memory_space<semaphore_mem>> -> memref<!tpu.dma_semaphore, #tpu.memory_space<semaphore_mem>>
    tpu.enqueue_indirect_dma source(%dma_start3A_29 : memref<1000000x64xf32, #tpu.memory_space<hbm>>) target(%dma_start3A_23 : memref<128x64xf32, #tpu.memory_space<vmem>>) offsets(%dma_start3A_26 : memref<128xi32, #tpu.memory_space<vmem>>) semaphore(%dma_start3A_31 : memref<!tpu.dma_semaphore, #tpu.memory_space<semaphore_mem>>)
    %dma_start3A_32 = arith.constant 2 : i32
    %dma_start3A_33 = arith.constant 2 : i32
    %dma_start3A_34 = arith.constant 2 : i32
    %dma_start3A_35 = arith.constant 0 : i32
    %dma_start3A_36 = arith.constant 0 : i32
    %dma_start3A_37 = tpu.memref_slice %arg6[%dma_start3A_33, %dma_start3A_35, %dma_start3A_36] : memref<4x128x64xf32, #tpu.memory_space<vmem>> -> memref<1x128x64xf32, #tpu.memory_space<vmem>>
    %dma_start3A_38 = tpu.memref_squeeze %dma_start3A_37 : memref<1x128x64xf32, #tpu.memory_space<vmem>> -> memref<128x64xf32, #tpu.memory_space<vmem>>
    %dma_start3A_39 = arith.constant 0 : i32
    %dma_start3A_40 = tpu.memref_slice %arg5[%dma_start3A_32, %dma_start3A_39] : memref<200x128xi32, #tpu.memory_space<vmem>> -> memref<1x128xi32, #tpu.memory_space<vmem>>
    %dma_start3A_41 = tpu.memref_squeeze %dma_start3A_40 : memref<1x128xi32, #tpu.memory_space<vmem>> -> memref<128xi32, #tpu.memory_space<vmem>>
    %dma_start3A_42 = arith.constant 0 : i32
    %dma_start3A_43 = arith.constant 0 : i32
    %dma_start3A_44 = tpu.memref_slice %arg3[%dma_start3A_42, %dma_start3A_43] : memref<1000000x64xf32, #tpu.memory_space<hbm>> -> memref<1000000x64xf32, #tpu.memory_space<hbm>>
    %dma_start3A_45 = tpu.memref_slice %arg8[%dma_start3A_34] : memref<4x!tpu.dma_semaphore, #tpu.memory_space<semaphore_mem>> -> memref<1x!tpu.dma_semaphore, #tpu.memory_space<semaphore_mem>>
    %dma_start3A_46 = tpu.memref_squeeze %dma_start3A_45 : memref<1x!tpu.dma_semaphore, #tpu.memory_space<semaphore_mem>> -> memref<!tpu.dma_semaphore, #tpu.memory_space<semaphore_mem>>
    tpu.enqueue_indirect_dma source(%dma_start3A_44 : memref<1000000x64xf32, #tpu.memory_space<hbm>>) target(%dma_start3A_38 : memref<128x64xf32, #tpu.memory_space<vmem>>) offsets(%dma_start3A_41 : memref<128xi32, #tpu.memory_space<vmem>>) semaphore(%dma_start3A_46 : memref<!tpu.dma_semaphore, #tpu.memory_space<semaphore_mem>>)
    %dma_start3A_47 = arith.constant 3 : i32
    %dma_start3A_48 = arith.constant 3 : i32
    %dma_start3A_49 = arith.constant 3 : i32
    %dma_start3A_50 = arith.constant 0 : i32
    %dma_start3A_51 = arith.constant 0 : i32
    %dma_start3A_52 = tpu.memref_slice %arg6[%dma_start3A_48, %dma_start3A_50, %dma_start3A_51] : memref<4x128x64xf32, #tpu.memory_space<vmem>> -> memref<1x128x64xf32, #tpu.memory_space<vmem>>
    %dma_start3A_53 = tpu.memref_squeeze %dma_start3A_52 : memref<1x128x64xf32, #tpu.memory_space<vmem>> -> memref<128x64xf32, #tpu.memory_space<vmem>>
    %dma_start3A_54 = arith.constant 0 : i32
    %dma_start3A_55 = tpu.memref_slice %arg5[%dma_start3A_47, %dma_start3A_54] : memref<200x128xi32, #tpu.memory_space<vmem>> -> memref<1x128xi32, #tpu.memory_space<vmem>>
    %dma_start3A_56 = tpu.memref_squeeze %dma_start3A_55 : memref<1x128xi32, #tpu.memory_space<vmem>> -> memref<128xi32, #tpu.memory_space<vmem>>
    %dma_start3A_57 = arith.constant 0 : i32
    %dma_start3A_58 = arith.constant 0 : i32
    %dma_start3A_59 = tpu.memref_slice %arg3[%dma_start3A_57, %dma_start3A_58] : memref<1000000x64xf32, #tpu.memory_space<hbm>> -> memref<1000000x64xf32, #tpu.memory_space<hbm>>
    %dma_start3A_60 = tpu.memref_slice %arg8[%dma_start3A_49] : memref<4x!tpu.dma_semaphore, #tpu.memory_space<semaphore_mem>> -> memref<1x!tpu.dma_semaphore, #tpu.memory_space<semaphore_mem>>
    %dma_start3A_61 = tpu.memref_squeeze %dma_start3A_60 : memref<1x!tpu.dma_semaphore, #tpu.memory_space<semaphore_mem>> -> memref<!tpu.dma_semaphore, #tpu.memory_space<semaphore_mem>>
    tpu.enqueue_indirect_dma source(%dma_start3A_59 : memref<1000000x64xf32, #tpu.memory_space<hbm>>) target(%dma_start3A_53 : memref<128x64xf32, #tpu.memory_space<vmem>>) offsets(%dma_start3A_56 : memref<128xi32, #tpu.memory_space<vmem>>) semaphore(%dma_start3A_61 : memref<!tpu.dma_semaphore, #tpu.memory_space<semaphore_mem>>)
    %scan3A = arith.constant 0 : i32
    %scan3A_62 = arith.constant 0 : i32
    %scan3A_63 = arith.constant 50 : i32
    %scan3A_64 = arith.addi %scan3A_62, %scan3A_63 : i32
    %scan3A_65 = arith.constant 1 : i32
    scf.for %scan3A_166 = %scan3A_62 to %scan3A_64 step %scan3A_65  : i32 {
      %mul3A_167 = arith.constant 4 : i32
      %mul3A_168 = arith.muli %scan3A_166, %mul3A_167 : i32
      %add3A_169 = arith.constant 0 : i32
      %add3A_170 = arith.addi %mul3A_168, %add3A_169 : i32
      %ge3A = arith.constant 1 : i32
      %ge3A_171 = arith.cmpi sge, %add3A_170, %ge3A : i32
      %add3A_172 = arith.constant 4 : i32
      %add3A_173 = arith.addi %add3A_170, %add3A_172 : i32
      %sub3A = arith.constant 1 : i32
      %sub3A_174 = arith.subi %add3A_173, %sub3A : i32
      %lt3A = arith.constant 200 : i32
      %lt3A_175 = arith.cmpi slt, %sub3A_174, %lt3A : i32
      %and3A = arith.andi %ge3A_171, %lt3A_175 : i1
      %convert_element_type3A = arith.extui %and3A : i1 to i32
      %cond3A = arith.constant 0 : i32
      %cond3A_176 = arith.cmpi ne, %convert_element_type3A, %cond3A : i32
      scf.if %cond3A_176 {
        %add3A_1355 = arith.constant 4 : i32
        %add3A_1356 = arith.addi %add3A_170, %add3A_1355 : i32
        %sub3A_1357 = arith.constant 1 : i32
        %sub3A_1358 = arith.subi %add3A_1356, %sub3A_1357 : i32
        %dma_start3A_1359 = arith.constant 3 : i32
        %dma_start3A_1360 = arith.constant 3 : i32
        %dma_start3A_1361 = arith.constant 0 : i32
        %dma_start3A_1362 = arith.constant 0 : i32
        %dma_start3A_1363 = tpu.memref_slice %arg6[%dma_start3A_1359, %dma_start3A_1361, %dma_start3A_1362] : memref<4x128x64xf32, #tpu.memory_space<vmem>> -> memref<1x128x64xf32, #tpu.memory_space<vmem>>
        %dma_start3A_1364 = tpu.memref_squeeze %dma_start3A_1363 : memref<1x128x64xf32, #tpu.memory_space<vmem>> -> memref<128x64xf32, #tpu.memory_space<vmem>>
        %dma_start3A_1365 = arith.constant 0 : i32
        %dma_start3A_1366 = tpu.memref_slice %arg5[%sub3A_1358, %dma_start3A_1365] : memref<200x128xi32, #tpu.memory_space<vmem>> -> memref<1x128xi32, #tpu.memory_space<vmem>>
        %dma_start3A_1367 = tpu.memref_squeeze %dma_start3A_1366 : memref<1x128xi32, #tpu.memory_space<vmem>> -> memref<128xi32, #tpu.memory_space<vmem>>
        %dma_start3A_1368 = arith.constant 0 : i32
        %dma_start3A_1369 = arith.constant 0 : i32
        %dma_start3A_1370 = tpu.memref_slice %arg3[%dma_start3A_1368, %dma_start3A_1369] : memref<1000000x64xf32, #tpu.memory_space<hbm>> -> memref<1000000x64xf32, #tpu.memory_space<hbm>>
        %dma_start3A_1371 = tpu.memref_slice %arg8[%dma_start3A_1360] : memref<4x!tpu.dma_semaphore, #tpu.memory_space<semaphore_mem>> -> memref<1x!tpu.dma_semaphore, #tpu.memory_space<semaphore_mem>>
        %dma_start3A_1372 = tpu.memref_squeeze %dma_start3A_1371 : memref<1x!tpu.dma_semaphore, #tpu.memory_space<semaphore_mem>> -> memref<!tpu.dma_semaphore, #tpu.memory_space<semaphore_mem>>
        tpu.enqueue_indirect_dma source(%dma_start3A_1370 : memref<1000000x64xf32, #tpu.memory_space<hbm>>) target(%dma_start3A_1364 : memref<128x64xf32, #tpu.memory_space<vmem>>) offsets(%dma_start3A_1367 : memref<128xi32, #tpu.memory_space<vmem>>) semaphore(%dma_start3A_1372 : memref<!tpu.dma_semaphore, #tpu.memory_space<semaphore_mem>>)
      } else {
      }
      %dma_wait3A_177 = arith.constant 0 : i32
      %dma_wait3A_178 = arith.constant 0 : i32
      %dma_wait3A_179 = arith.constant 0 : i32
      %dma_wait3A_180 = arith.constant 0 : i32
      %dma_wait3A_181 = tpu.memref_slice %arg6[%dma_wait3A_177, %dma_wait3A_179, %dma_wait3A_180] : memref<4x128x64xf32, #tpu.memory_space<vmem>> -> memref<1x128x64xf32, #tpu.memory_space<vmem>>
      %dma_wait3A_182 = tpu.memref_squeeze %dma_wait3A_181 : memref<1x128x64xf32, #tpu.memory_space<vmem>> -> memref<128x64xf32, #tpu.memory_space<vmem>>
      %dma_wait3A_183 = arith.constant 0 : i32
      %dma_wait3A_184 = arith.constant 0 : i32
      %dma_wait3A_185 = tpu.memref_slice %arg3[%dma_wait3A_183, %dma_wait3A_184] : memref<1000000x64xf32, #tpu.memory_space<hbm>> -> memref<128x64xf32, #tpu.memory_space<hbm>>
      %dma_wait3A_186 = tpu.memref_slice %arg8[%dma_wait3A_178] : memref<4x!tpu.dma_semaphore, #tpu.memory_space<semaphore_mem>> -> memref<1x!tpu.dma_semaphore, #tpu.memory_space<semaphore_mem>>
      %dma_wait3A_187 = tpu.memref_squeeze %dma_wait3A_186 : memref<1x!tpu.dma_semaphore, #tpu.memory_space<semaphore_mem>> -> memref<!tpu.dma_semaphore, #tpu.memory_space<semaphore_mem>>
      %dma_wait3A_188 = arith.constant 0 : i32
      %dma_wait3A_189 = arith.constant 0 : i32
      %dma_wait3A_190 = tpu.memref_slice %arg6[%dma_wait3A_177, %dma_wait3A_188, %dma_wait3A_189] : memref<4x128x64xf32, #tpu.memory_space<vmem>> -> memref<1x128x64xf32, #tpu.memory_space<vmem>>
      %dma_wait3A_191 = tpu.memref_squeeze %dma_wait3A_190 : memref<1x128x64xf32, #tpu.memory_space<vmem>> -> memref<128x64xf32, #tpu.memory_space<vmem>>
      %dma_wait3A_192 = arith.constant 0 : i32
      %dma_wait3A_193 = arith.constant 0 : i32
      %dma_wait3A_194 = tpu.memref_slice %arg3[%dma_wait3A_192, %dma_wait3A_193] : memref<1000000x64xf32, #tpu.memory_space<hbm>> -> memref<128x64xf32, #tpu.memory_space<hbm>>
      tpu.wait_dma2 semaphore(%dma_wait3A_187 : memref<!tpu.dma_semaphore, #tpu.memory_space<semaphore_mem>>) src(%dma_wait3A_194 : memref<128x64xf32, #tpu.memory_space<hbm>>) dst(%dma_wait3A_191 : memref<128x64xf32, #tpu.memory_space<vmem>>)
      %ge3A_195 = arith.constant 4 : i32
      %ge3A_196 = arith.cmpi sge, %add3A_170, %ge3A_195 : i32
      %convert_element_type3A_197 = arith.extui %ge3A_196 : i1 to i32
      %cond3A_198 = arith.constant 0 : i32
      %cond3A_199 = arith.cmpi ne, %convert_element_type3A_197, %cond3A_198 : i32
      scf.if %cond3A_199 {
        %dma_wait3A_1355 = arith.constant 0 : i32
        %dma_wait3A_1356 = arith.constant 0 : i32
        %dma_wait3A_1357 = arith.constant 0 : i32
        %dma_wait3A_1358 = arith.constant 0 : i32
        %dma_wait3A_1359 = arith.constant 0 : i32
        %dma_wait3A_1360 = arith.constant 0 : i32
        %dma_wait3A_1361 = tpu.memref_slice %arg7[%dma_wait3A_1355, %dma_wait3A_1358, %dma_wait3A_1359, %dma_wait3A_1360] : memref<4x8x8x129xf32, #tpu.memory_space<vmem>> -> memref<1x8x8x128xf32, #tpu.memory_space<vmem>>
        %dma_wait3A_1362 = tpu.memref_squeeze %dma_wait3A_1361 : memref<1x8x8x128xf32, #tpu.memory_space<vmem>> -> memref<8x8x128xf32, #tpu.memory_space<vmem>>
        %dma_wait3A_1363 = arith.constant 0 : i32
        %dma_wait3A_1364 = arith.constant 0 : i32
        %dma_wait3A_1365 = arith.constant 0 : i32
        %dma_wait3A_1366 = tpu.memref_slice %arg4[%dma_wait3A_1356, %dma_wait3A_1363, %add3A, %dma_wait3A_1364, %dma_wait3A_1365] : memref<200x8x32x8x128xf32, #tpu.memory_space<hbm>> -> memref<1x8x1x8x128xf32, #tpu.memory_space<hbm>>
        %dma_wait3A_1367 = tpu.memref_squeeze %dma_wait3A_1366 : memref<1x8x1x8x128xf32, #tpu.memory_space<hbm>> -> memref<8x8x128xf32, #tpu.memory_space<hbm>>
        %dma_wait3A_1368 = tpu.memref_slice %arg9[%dma_wait3A_1357] : memref<4x!tpu.dma_semaphore, #tpu.memory_space<semaphore_mem>> -> memref<1x!tpu.dma_semaphore, #tpu.memory_space<semaphore_mem>>
        %dma_wait3A_1369 = tpu.memref_squeeze %dma_wait3A_1368 : memref<1x!tpu.dma_semaphore, #tpu.memory_space<semaphore_mem>> -> memref<!tpu.dma_semaphore, #tpu.memory_space<semaphore_mem>>
        %dma_wait3A_1370 = arith.constant 0 : i32
        %dma_wait3A_1371 = arith.constant 0 : i32
        %dma_wait3A_1372 = arith.constant 0 : i32
        %dma_wait3A_1373 = tpu.memref_slice %arg4[%dma_wait3A_1356, %dma_wait3A_1370, %add3A, %dma_wait3A_1371, %dma_wait3A_1372] : memref<200x8x32x8x128xf32, #tpu.memory_space<hbm>> -> memref<1x8x1x8x128xf32, #tpu.memory_space<hbm>>
        %dma_wait3A_1374 = tpu.memref_squeeze %dma_wait3A_1373 : memref<1x8x1x8x128xf32, #tpu.memory_space<hbm>> -> memref<8x8x128xf32, #tpu.memory_space<hbm>>
        %dma_wait3A_1375 = arith.constant 0 : i32
        %dma_wait3A_1376 = arith.constant 0 : i32
        %dma_wait3A_1377 = arith.constant 0 : i32
        %dma_wait3A_1378 = tpu.memref_slice %arg7[%dma_wait3A_1355, %dma_wait3A_1375, %dma_wait3A_1376, %dma_wait3A_1377] : memref<4x8x8x129xf32, #tpu.memory_space<vmem>> -> memref<1x8x8x128xf32, #tpu.memory_space<vmem>>
        %dma_wait3A_1379 = tpu.memref_squeeze %dma_wait3A_1378 : memref<1x8x8x128xf32, #tpu.memory_space<vmem>> -> memref<8x8x128xf32, #tpu.memory_space<vmem>>
        tpu.wait_dma2 semaphore(%dma_wait3A_1369 : memref<!tpu.dma_semaphore, #tpu.memory_space<semaphore_mem>>) src(%dma_wait3A_1379 : memref<8x8x128xf32, #tpu.memory_space<vmem>>) dst(%dma_wait3A_1374 : memref<8x8x128xf32, #tpu.memory_space<hbm>>)
      } else {
      }
      %add3A_200 = arith.constant 0 : i32
      %add3A_201 = vector.broadcast %add3A_200 : i32 to vector<16xi32>
      %add3A_202 = arith.addi %iota3A, %add3A_201 : vector<16xi32>
      %jit3A = arith.constant 8 : i32
      %div3A = vector.broadcast %jit3A : i32 to vector<16xi32>
      %div3A_203 = arith.divsi %add3A_202, %div3A : vector<16xi32>
      %sign3A = arith.constant 0 : i32
      %sign3A_204 = vector.broadcast %sign3A : i32 to vector<16xi32>
      %sign3A_205 = arith.cmpi sgt, %add3A_202, %sign3A_204 : vector<16xi32>
      %sign3A_206 = arith.extui %sign3A_205 : vector<16xi1> to vector<16xi32>
      %sign3A_207 = arith.constant 0 : i32
      %sign3A_208 = vector.broadcast %sign3A_207 : i32 to vector<16xi32>
      %sign3A_209 = arith.cmpi slt, %add3A_202, %sign3A_208 : vector<16xi32>
      %sign3A_210 = arith.extui %sign3A_209 : vector<16xi1> to vector<16xi32>
      %sign3A_211 = arith.subi %sign3A_206, %sign3A_210 : vector<16xi32>
      %sign3A_212 = arith.constant 0 : i32
      %sign3A_213 = arith.cmpi sgt, %jit3A, %sign3A_212 : i32
      %sign3A_214 = arith.extui %sign3A_213 : i1 to i32
      %sign3A_215 = arith.constant 0 : i32
      %sign3A_216 = arith.cmpi slt, %jit3A, %sign3A_215 : i32
      %sign3A_217 = arith.extui %sign3A_216 : i1 to i32
      %sign3A_218 = arith.subi %sign3A_214, %sign3A_217 : i32
      %ne3A = vector.broadcast %sign3A_218 : i32 to vector<16xi32>
      %ne3A_219 = arith.cmpi ne, %sign3A_211, %ne3A : vector<16xi32>
      %rem3A = vector.broadcast %jit3A : i32 to vector<16xi32>
      %rem3A_220 = arith.remsi %add3A_202, %rem3A : vector<16xi32>
      %ne3A_221 = arith.constant 0 : i32
      %ne3A_222 = vector.broadcast %ne3A_221 : i32 to vector<16xi32>
      %ne3A_223 = arith.cmpi ne, %rem3A_220, %ne3A_222 : vector<16xi32>
      %and3A_224 = arith.andi %ne3A_219, %ne3A_223 : vector<16xi1>
      %sub3A_225 = arith.constant 1 : i32
      %sub3A_226 = vector.broadcast %sub3A_225 : i32 to vector<16xi32>
      %sub3A_227 = arith.subi %div3A_203, %sub3A_226 : vector<16xi32>
      %select_n3A = arith.select %and3A_224, %sub3A_227, %div3A_203 : vector<16xi1>, vector<16xi32>
      %add3A_228 = arith.constant 0 : i32
      %add3A_229 = vector.broadcast %add3A_228 : i32 to vector<16xi32>
      %add3A_230 = arith.addi %iota3A, %add3A_229 : vector<16xi32>
      %jit3A_231 = arith.constant 8 : i32
      %eq3A = arith.constant 0 : i32
      %eq3A_232 = arith.cmpi eq, %jit3A_231, %eq3A : i32
      %jit3A_233 = arith.constant 1 : i32
      %select_n3A_234 = arith.select %eq3A_232, %jit3A_233, %jit3A_231 : i32
      %rem3A_235 = vector.broadcast %select_n3A_234 : i32 to vector<16xi32>
      %rem3A_236 = arith.remsi %add3A_230, %rem3A_235 : vector<16xi32>
      %ne3A_237 = arith.constant 0 : i32
      %ne3A_238 = vector.broadcast %ne3A_237 : i32 to vector<16xi32>
      %ne3A_239 = arith.cmpi ne, %rem3A_236, %ne3A_238 : vector<16xi32>
      %lt3A_240 = arith.constant 0 : i32
      %lt3A_241 = vector.broadcast %lt3A_240 : i32 to vector<16xi32>
      %lt3A_242 = arith.cmpi slt, %rem3A_236, %lt3A_241 : vector<16xi32>
      %lt3A_243 = arith.constant 0 : i32
      %lt3A_244 = arith.cmpi slt, %select_n3A_234, %lt3A_243 : i32
      %ne3A_245 = vector.broadcast %lt3A_244 : i1 to vector<16xi1>
      %ne3A_246 = vector.broadcast %ne3A_245 : vector<16xi1> to vector<16xi1>
      %ne3A_247 = arith.xori %lt3A_242, %ne3A_246 : vector<16xi1>
      %and3A_248 = arith.andi %ne3A_247, %ne3A_239 : vector<16xi1>
      %add3A_249 = vector.broadcast %select_n3A_234 : i32 to vector<16xi32>
      %add3A_250 = arith.addi %rem3A_236, %add3A_249 : vector<16xi32>
      %select_n3A_251 = arith.select %and3A_248, %add3A_250, %rem3A_236 : vector<16xi1>, vector<16xi32>
      %add3A_252 = arith.constant 16 : i32
      %add3A_253 = vector.broadcast %add3A_252 : i32 to vector<16xi32>
      %add3A_254 = arith.addi %iota3A, %add3A_253 : vector<16xi32>
      %jit3A_255 = arith.constant 8 : i32
      %div3A_256 = vector.broadcast %jit3A_255 : i32 to vector<16xi32>
      %div3A_257 = arith.divsi %add3A_254, %div3A_256 : vector<16xi32>
      %sign3A_258 = arith.constant 0 : i32
      %sign3A_259 = vector.broadcast %sign3A_258 : i32 to vector<16xi32>
      %sign3A_260 = arith.cmpi sgt, %add3A_254, %sign3A_259 : vector<16xi32>
      %sign3A_261 = arith.extui %sign3A_260 : vector<16xi1> to vector<16xi32>
      %sign3A_262 = arith.constant 0 : i32
      %sign3A_263 = vector.broadcast %sign3A_262 : i32 to vector<16xi32>
      %sign3A_264 = arith.cmpi slt, %add3A_254, %sign3A_263 : vector<16xi32>
      %sign3A_265 = arith.extui %sign3A_264 : vector<16xi1> to vector<16xi32>
      %sign3A_266 = arith.subi %sign3A_261, %sign3A_265 : vector<16xi32>
      %sign3A_267 = arith.constant 0 : i32
      %sign3A_268 = arith.cmpi sgt, %jit3A_255, %sign3A_267 : i32
      %sign3A_269 = arith.extui %sign3A_268 : i1 to i32
      %sign3A_270 = arith.constant 0 : i32
      %sign3A_271 = arith.cmpi slt, %jit3A_255, %sign3A_270 : i32
      %sign3A_272 = arith.extui %sign3A_271 : i1 to i32
      %sign3A_273 = arith.subi %sign3A_269, %sign3A_272 : i32
      %ne3A_274 = vector.broadcast %sign3A_273 : i32 to vector<16xi32>
      %ne3A_275 = arith.cmpi ne, %sign3A_266, %ne3A_274 : vector<16xi32>
      %rem3A_276 = vector.broadcast %jit3A_255 : i32 to vector<16xi32>
      %rem3A_277 = arith.remsi %add3A_254, %rem3A_276 : vector<16xi32>
      %ne3A_278 = arith.constant 0 : i32
      %ne3A_279 = vector.broadcast %ne3A_278 : i32 to vector<16xi32>
      %ne3A_280 = arith.cmpi ne, %rem3A_277, %ne3A_279 : vector<16xi32>
      %and3A_281 = arith.andi %ne3A_275, %ne3A_280 : vector<16xi1>
      %sub3A_282 = arith.constant 1 : i32
      %sub3A_283 = vector.broadcast %sub3A_282 : i32 to vector<16xi32>
      %sub3A_284 = arith.subi %div3A_257, %sub3A_283 : vector<16xi32>
      %select_n3A_285 = arith.select %and3A_281, %sub3A_284, %div3A_257 : vector<16xi1>, vector<16xi32>
      %add3A_286 = arith.constant 16 : i32
      %add3A_287 = vector.broadcast %add3A_286 : i32 to vector<16xi32>
      %add3A_288 = arith.addi %iota3A, %add3A_287 : vector<16xi32>
      %jit3A_289 = arith.constant 8 : i32
      %eq3A_290 = arith.constant 0 : i32
      %eq3A_291 = arith.cmpi eq, %jit3A_289, %eq3A_290 : i32
      %jit3A_292 = arith.constant 1 : i32
      %select_n3A_293 = arith.select %eq3A_291, %jit3A_292, %jit3A_289 : i32
      %rem3A_294 = vector.broadcast %select_n3A_293 : i32 to vector<16xi32>
      %rem3A_295 = arith.remsi %add3A_288, %rem3A_294 : vector<16xi32>
      %ne3A_296 = arith.constant 0 : i32
      %ne3A_297 = vector.broadcast %ne3A_296 : i32 to vector<16xi32>
      %ne3A_298 = arith.cmpi ne, %rem3A_295, %ne3A_297 : vector<16xi32>
      %lt3A_299 = arith.constant 0 : i32
      %lt3A_300 = vector.broadcast %lt3A_299 : i32 to vector<16xi32>
      %lt3A_301 = arith.cmpi slt, %rem3A_295, %lt3A_300 : vector<16xi32>
      %lt3A_302 = arith.constant 0 : i32
      %lt3A_303 = arith.cmpi slt, %select_n3A_293, %lt3A_302 : i32
      %ne3A_304 = vector.broadcast %lt3A_303 : i1 to vector<16xi1>
      %ne3A_305 = vector.broadcast %ne3A_304 : vector<16xi1> to vector<16xi1>
      %ne3A_306 = arith.xori %lt3A_301, %ne3A_305 : vector<16xi1>
      %and3A_307 = arith.andi %ne3A_306, %ne3A_298 : vector<16xi1>
      %add3A_308 = vector.broadcast %select_n3A_293 : i32 to vector<16xi32>
      %add3A_309 = arith.addi %rem3A_295, %add3A_308 : vector<16xi32>
      %select_n3A_310 = arith.select %and3A_307, %add3A_309, %rem3A_295 : vector<16xi1>, vector<16xi32>
      %add3A_311 = arith.constant 32 : i32
      %add3A_312 = vector.broadcast %add3A_311 : i32 to vector<16xi32>
      %add3A_313 = arith.addi %iota3A, %add3A_312 : vector<16xi32>
      %jit3A_314 = arith.constant 8 : i32
      %div3A_315 = vector.broadcast %jit3A_314 : i32 to vector<16xi32>
      %div3A_316 = arith.divsi %add3A_313, %div3A_315 : vector<16xi32>
      %sign3A_317 = arith.constant 0 : i32
      %sign3A_318 = vector.broadcast %sign3A_317 : i32 to vector<16xi32>
      %sign3A_319 = arith.cmpi sgt, %add3A_313, %sign3A_318 : vector<16xi32>
      %sign3A_320 = arith.extui %sign3A_319 : vector<16xi1> to vector<16xi32>
      %sign3A_321 = arith.constant 0 : i32
      %sign3A_322 = vector.broadcast %sign3A_321 : i32 to vector<16xi32>
      %sign3A_323 = arith.cmpi slt, %add3A_313, %sign3A_322 : vector<16xi32>
      %sign3A_324 = arith.extui %sign3A_323 : vector<16xi1> to vector<16xi32>
      %sign3A_325 = arith.subi %sign3A_320, %sign3A_324 : vector<16xi32>
      %sign3A_326 = arith.constant 0 : i32
      %sign3A_327 = arith.cmpi sgt, %jit3A_314, %sign3A_326 : i32
      %sign3A_328 = arith.extui %sign3A_327 : i1 to i32
      %sign3A_329 = arith.constant 0 : i32
      %sign3A_330 = arith.cmpi slt, %jit3A_314, %sign3A_329 : i32
      %sign3A_331 = arith.extui %sign3A_330 : i1 to i32
      %sign3A_332 = arith.subi %sign3A_328, %sign3A_331 : i32
      %ne3A_333 = vector.broadcast %sign3A_332 : i32 to vector<16xi32>
      %ne3A_334 = arith.cmpi ne, %sign3A_325, %ne3A_333 : vector<16xi32>
      %rem3A_335 = vector.broadcast %jit3A_314 : i32 to vector<16xi32>
      %rem3A_336 = arith.remsi %add3A_313, %rem3A_335 : vector<16xi32>
      %ne3A_337 = arith.constant 0 : i32
      %ne3A_338 = vector.broadcast %ne3A_337 : i32 to vector<16xi32>
      %ne3A_339 = arith.cmpi ne, %rem3A_336, %ne3A_338 : vector<16xi32>
      %and3A_340 = arith.andi %ne3A_334, %ne3A_339 : vector<16xi1>
      %sub3A_341 = arith.constant 1 : i32
      %sub3A_342 = vector.broadcast %sub3A_341 : i32 to vector<16xi32>
      %sub3A_343 = arith.subi %div3A_316, %sub3A_342 : vector<16xi32>
      %select_n3A_344 = arith.select %and3A_340, %sub3A_343, %div3A_316 : vector<16xi1>, vector<16xi32>
      %add3A_345 = arith.constant 32 : i32
      %add3A_346 = vector.broadcast %add3A_345 : i32 to vector<16xi32>
      %add3A_347 = arith.addi %iota3A, %add3A_346 : vector<16xi32>
      %jit3A_348 = arith.constant 8 : i32
      %eq3A_349 = arith.constant 0 : i32
      %eq3A_350 = arith.cmpi eq, %jit3A_348, %eq3A_349 : i32
      %jit3A_351 = arith.constant 1 : i32
      %select_n3A_352 = arith.select %eq3A_350, %jit3A_351, %jit3A_348 : i32
      %rem3A_353 = vector.broadcast %select_n3A_352 : i32 to vector<16xi32>
      %rem3A_354 = arith.remsi %add3A_347, %rem3A_353 : vector<16xi32>
      %ne3A_355 = arith.constant 0 : i32
      %ne3A_356 = vector.broadcast %ne3A_355 : i32 to vector<16xi32>
      %ne3A_357 = arith.cmpi ne, %rem3A_354, %ne3A_356 : vector<16xi32>
      %lt3A_358 = arith.constant 0 : i32
      %lt3A_359 = vector.broadcast %lt3A_358 : i32 to vector<16xi32>
      %lt3A_360 = arith.cmpi slt, %rem3A_354, %lt3A_359 : vector<16xi32>
      %lt3A_361 = arith.constant 0 : i32
      %lt3A_362 = arith.cmpi slt, %select_n3A_352, %lt3A_361 : i32
      %ne3A_363 = vector.broadcast %lt3A_362 : i1 to vector<16xi1>
      %ne3A_364 = vector.broadcast %ne3A_363 : vector<16xi1> to vector<16xi1>
      %ne3A_365 = arith.xori %lt3A_360, %ne3A_364 : vector<16xi1>
      %and3A_366 = arith.andi %ne3A_365, %ne3A_357 : vector<16xi1>
      %add3A_367 = vector.broadcast %select_n3A_352 : i32 to vector<16xi32>
      %add3A_368 = arith.addi %rem3A_354, %add3A_367 : vector<16xi32>
      %select_n3A_369 = arith.select %and3A_366, %add3A_368, %rem3A_354 : vector<16xi1>, vector<16xi32>
      %add3A_370 = arith.constant 48 : i32
      %add3A_371 = vector.broadcast %add3A_370 : i32 to vector<16xi32>
      %add3A_372 = arith.addi %iota3A, %add3A_371 : vector<16xi32>
      %jit3A_373 = arith.constant 8 : i32
      %div3A_374 = vector.broadcast %jit3A_373 : i32 to vector<16xi32>
      %div3A_375 = arith.divsi %add3A_372, %div3A_374 : vector<16xi32>
      %sign3A_376 = arith.constant 0 : i32
      %sign3A_377 = vector.broadcast %sign3A_376 : i32 to vector<16xi32>
      %sign3A_378 = arith.cmpi sgt, %add3A_372, %sign3A_377 : vector<16xi32>
      %sign3A_379 = arith.extui %sign3A_378 : vector<16xi1> to vector<16xi32>
      %sign3A_380 = arith.constant 0 : i32
      %sign3A_381 = vector.broadcast %sign3A_380 : i32 to vector<16xi32>
      %sign3A_382 = arith.cmpi slt, %add3A_372, %sign3A_381 : vector<16xi32>
      %sign3A_383 = arith.extui %sign3A_382 : vector<16xi1> to vector<16xi32>
      %sign3A_384 = arith.subi %sign3A_379, %sign3A_383 : vector<16xi32>
      %sign3A_385 = arith.constant 0 : i32
      %sign3A_386 = arith.cmpi sgt, %jit3A_373, %sign3A_385 : i32
      %sign3A_387 = arith.extui %sign3A_386 : i1 to i32
      %sign3A_388 = arith.constant 0 : i32
      %sign3A_389 = arith.cmpi slt, %jit3A_373, %sign3A_388 : i32
      %sign3A_390 = arith.extui %sign3A_389 : i1 to i32
      %sign3A_391 = arith.subi %sign3A_387, %sign3A_390 : i32
      %ne3A_392 = vector.broadcast %sign3A_391 : i32 to vector<16xi32>
      %ne3A_393 = arith.cmpi ne, %sign3A_384, %ne3A_392 : vector<16xi32>
      %rem3A_394 = vector.broadcast %jit3A_373 : i32 to vector<16xi32>
      %rem3A_395 = arith.remsi %add3A_372, %rem3A_394 : vector<16xi32>
      %ne3A_396 = arith.constant 0 : i32
      %ne3A_397 = vector.broadcast %ne3A_396 : i32 to vector<16xi32>
      %ne3A_398 = arith.cmpi ne, %rem3A_395, %ne3A_397 : vector<16xi32>
      %and3A_399 = arith.andi %ne3A_393, %ne3A_398 : vector<16xi1>
      %sub3A_400 = arith.constant 1 : i32
      %sub3A_401 = vector.broadcast %sub3A_400 : i32 to vector<16xi32>
      %sub3A_402 = arith.subi %div3A_375, %sub3A_401 : vector<16xi32>
      %select_n3A_403 = arith.select %and3A_399, %sub3A_402, %div3A_375 : vector<16xi1>, vector<16xi32>
      %add3A_404 = arith.constant 48 : i32
      %add3A_405 = vector.broadcast %add3A_404 : i32 to vector<16xi32>
      %add3A_406 = arith.addi %iota3A, %add3A_405 : vector<16xi32>
      %jit3A_407 = arith.constant 8 : i32
      %eq3A_408 = arith.constant 0 : i32
      %eq3A_409 = arith.cmpi eq, %jit3A_407, %eq3A_408 : i32
      %jit3A_410 = arith.constant 1 : i32
      %select_n3A_411 = arith.select %eq3A_409, %jit3A_410, %jit3A_407 : i32
      %rem3A_412 = vector.broadcast %select_n3A_411 : i32 to vector<16xi32>
      %rem3A_413 = arith.remsi %add3A_406, %rem3A_412 : vector<16xi32>
      %ne3A_414 = arith.constant 0 : i32
      %ne3A_415 = vector.broadcast %ne3A_414 : i32 to vector<16xi32>
      %ne3A_416 = arith.cmpi ne, %rem3A_413, %ne3A_415 : vector<16xi32>
      %lt3A_417 = arith.constant 0 : i32
      %lt3A_418 = vector.broadcast %lt3A_417 : i32 to vector<16xi32>
      %lt3A_419 = arith.cmpi slt, %rem3A_413, %lt3A_418 : vector<16xi32>
      %lt3A_420 = arith.constant 0 : i32
      %lt3A_421 = arith.cmpi slt, %select_n3A_411, %lt3A_420 : i32
      %ne3A_422 = vector.broadcast %lt3A_421 : i1 to vector<16xi1>
      %ne3A_423 = vector.broadcast %ne3A_422 : vector<16xi1> to vector<16xi1>
      %ne3A_424 = arith.xori %lt3A_419, %ne3A_423 : vector<16xi1>
      %and3A_425 = arith.andi %ne3A_424, %ne3A_416 : vector<16xi1>
      %add3A_426 = vector.broadcast %select_n3A_411 : i32 to vector<16xi32>
      %add3A_427 = arith.addi %rem3A_413, %add3A_426 : vector<16xi32>
      %select_n3A_428 = arith.select %and3A_425, %add3A_427, %rem3A_413 : vector<16xi1>, vector<16xi32>
      %parallel_loop3A = arith.constant 0 : i32
      %parallel_loop3A_429 = arith.constant 128 : i32
      %parallel_loop3A_430 = arith.constant 1 : i32
      scf.for %parallel_loop3A_1355 = %parallel_loop3A to %parallel_loop3A_429 step %parallel_loop3A_430  : i32 {
        %parallel_loop3A_1356 = arith.constant 0 : i32
        %parallel_loop3A_1357 = vector.broadcast %parallel_loop3A_1356 : i32 to vector<16xi32>
        %parallel_loop3A_1358 = arith.muli %iota3A, %parallel_loop3A_1357 : vector<16xi32>
        %parallel_loop3A_1359 = vector.broadcast %parallel_loop3A_1355 : i32 to vector<16xi32>
        %parallel_loop3A_1360 = arith.addi %parallel_loop3A_1358, %parallel_loop3A_1359 : vector<16xi32>
        %parallel_loop3A_1361 = arith.constant 0 : i32
        %parallel_loop3A_1362 = arith.index_cast %parallel_loop3A_1361 : i32 to index
        %parallel_loop3A_1363 = arith.index_cast %parallel_loop3A_1355 : i32 to index
        %parallel_loop3A_1364 = arith.constant 0 : index
        %parallel_loop3A_1365 = tpu.vector_load %arg6[%parallel_loop3A_1362, %parallel_loop3A_1363, %parallel_loop3A_1364] {strides = array<i32>} : memref<4x128x64xf32, #tpu.memory_space<vmem>>, vector<16xf32>,
        %parallel_loop3A_1366 = arith.constant 8.000000e+00 : f32
        %parallel_loop3A_1367 = vector.broadcast %parallel_loop3A_1366 : f32 to vector<16xf32>
        %parallel_loop3A_1368 = arith.mulf %parallel_loop3A_1365, %parallel_loop3A_1367 : vector<16xf32>
        %parallel_loop3A_1369 = arith.constant 0 : i32
        %parallel_loop3A_1370 = arith.constant 0 : i32
        %parallel_loop3A_1371 = arith.constant 0 : i32
        %parallel_loop3A_1372 = arith.constant 0 : i32
        %parallel_loop3A_1373 = tpu.memref_slice %arg7[%parallel_loop3A_1369, %parallel_loop3A_1370, %parallel_loop3A_1371, %parallel_loop3A_1372] : memref<4x8x8x129xf32, #tpu.memory_space<vmem>> -> memref<1x8x8x129xf32, #tpu.memory_space<vmem>>
        %parallel_loop3A_1374 = tpu.memref_squeeze %parallel_loop3A_1373 : memref<1x8x8x129xf32, #tpu.memory_space<vmem>> -> memref<8x8x129xf32, #tpu.memory_space<vmem>>
        tpu.vector_store_idx %parallel_loop3A_1374[%select_n3A, %select_n3A_251, %parallel_loop3A_1360], %parallel_loop3A_1368 : memref<8x8x129xf32, #tpu.memory_space<vmem>>[vector<16xi32>, vector<16xi32>, vector<16xi32>], vector<16xf32>,
        %parallel_loop3A_1375 = arith.constant 0 : i32
        %parallel_loop3A_1376 = arith.index_cast %parallel_loop3A_1375 : i32 to index
        %parallel_loop3A_1377 = arith.index_cast %parallel_loop3A_1355 : i32 to index
        %parallel_loop3A_1378 = arith.constant 16 : index
        %parallel_loop3A_1379 = tpu.vector_load %arg6[%parallel_loop3A_1376, %parallel_loop3A_1377, %parallel_loop3A_1378] {strides = array<i32>} : memref<4x128x64xf32, #tpu.memory_space<vmem>>, vector<16xf32>,
        %parallel_loop3A_1380 = arith.constant 8.000000e+00 : f32
        %parallel_loop3A_1381 = vector.broadcast %parallel_loop3A_1380 : f32 to vector<16xf32>
        %parallel_loop3A_1382 = arith.mulf %parallel_loop3A_1379, %parallel_loop3A_1381 : vector<16xf32>
        %parallel_loop3A_1383 = arith.constant 0 : i32
        %parallel_loop3A_1384 = arith.constant 0 : i32
        %parallel_loop3A_1385 = arith.constant 0 : i32
        %parallel_loop3A_1386 = arith.constant 0 : i32
        %parallel_loop3A_1387 = tpu.memref_slice %arg7[%parallel_loop3A_1383, %parallel_loop3A_1384, %parallel_loop3A_1385, %parallel_loop3A_1386] : memref<4x8x8x129xf32, #tpu.memory_space<vmem>> -> memref<1x8x8x129xf32, #tpu.memory_space<vmem>>
        %parallel_loop3A_1388 = tpu.memref_squeeze %parallel_loop3A_1387 : memref<1x8x8x129xf32, #tpu.memory_space<vmem>> -> memref<8x8x129xf32, #tpu.memory_space<vmem>>
        tpu.vector_store_idx %parallel_loop3A_1388[%select_n3A_285, %select_n3A_310, %parallel_loop3A_1360], %parallel_loop3A_1382 : memref<8x8x129xf32, #tpu.memory_space<vmem>>[vector<16xi32>, vector<16xi32>, vector<16xi32>], vector<16xf32>,
        %parallel_loop3A_1389 = arith.constant 0 : i32
        %parallel_loop3A_1390 = arith.index_cast %parallel_loop3A_1389 : i32 to index
        %parallel_loop3A_1391 = arith.index_cast %parallel_loop3A_1355 : i32 to index
        %parallel_loop3A_1392 = arith.constant 32 : index
        %parallel_loop3A_1393 = tpu.vector_load %arg6[%parallel_loop3A_1390, %parallel_loop3A_1391, %parallel_loop3A_1392] {strides = array<i32>} : memref<4x128x64xf32, #tpu.memory_space<vmem>>, vector<16xf32>,
        %parallel_loop3A_1394 = arith.constant 8.000000e+00 : f32
        %parallel_loop3A_1395 = vector.broadcast %parallel_loop3A_1394 : f32 to vector<16xf32>
        %parallel_loop3A_1396 = arith.mulf %parallel_loop3A_1393, %parallel_loop3A_1395 : vector<16xf32>
        %parallel_loop3A_1397 = arith.constant 0 : i32
        %parallel_loop3A_1398 = arith.constant 0 : i32
        %parallel_loop3A_1399 = arith.constant 0 : i32
        %parallel_loop3A_1400 = arith.constant 0 : i32
        %parallel_loop3A_1401 = tpu.memref_slice %arg7[%parallel_loop3A_1397, %parallel_loop3A_1398, %parallel_loop3A_1399, %parallel_loop3A_1400] : memref<4x8x8x129xf32, #tpu.memory_space<vmem>> -> memref<1x8x8x129xf32, #tpu.memory_space<vmem>>
        %parallel_loop3A_1402 = tpu.memref_squeeze %parallel_loop3A_1401 : memref<1x8x8x129xf32, #tpu.memory_space<vmem>> -> memref<8x8x129xf32, #tpu.memory_space<vmem>>
        tpu.vector_store_idx %parallel_loop3A_1402[%select_n3A_344, %select_n3A_369, %parallel_loop3A_1360], %parallel_loop3A_1396 : memref<8x8x129xf32, #tpu.memory_space<vmem>>[vector<16xi32>, vector<16xi32>, vector<16xi32>], vector<16xf32>,
        %parallel_loop3A_1403 = arith.constant 0 : i32
        %parallel_loop3A_1404 = arith.index_cast %parallel_loop3A_1403 : i32 to index
        %parallel_loop3A_1405 = arith.index_cast %parallel_loop3A_1355 : i32 to index
        %parallel_loop3A_1406 = arith.constant 48 : index
        %parallel_loop3A_1407 = tpu.vector_load %arg6[%parallel_loop3A_1404, %parallel_loop3A_1405, %parallel_loop3A_1406] {strides = array<i32>} : memref<4x128x64xf32, #tpu.memory_space<vmem>>, vector<16xf32>,
        %parallel_loop3A_1408 = arith.constant 8.000000e+00 : f32
        %parallel_loop3A_1409 = vector.broadcast %parallel_loop3A_1408 : f32 to vector<16xf32>
        %parallel_loop3A_1410 = arith.mulf %parallel_loop3A_1407, %parallel_loop3A_1409 : vector<16xf32>
        %parallel_loop3A_1411 = arith.constant 0 : i32
        %parallel_loop3A_1412 = arith.constant 0 : i32
        %parallel_loop3A_1413 = arith.constant 0 : i32
        %parallel_loop3A_1414 = arith.constant 0 : i32
        %parallel_loop3A_1415 = tpu.memref_slice %arg7[%parallel_loop3A_1411, %parallel_loop3A_1412, %parallel_loop3A_1413, %parallel_loop3A_1414] : memref<4x8x8x129xf32, #tpu.memory_space<vmem>> -> memref<1x8x8x129xf32, #tpu.memory_space<vmem>>
        %parallel_loop3A_1416 = tpu.memref_squeeze %parallel_loop3A_1415 : memref<1x8x8x129xf32, #tpu.memory_space<vmem>> -> memref<8x8x129xf32, #tpu.memory_space<vmem>>
        tpu.vector_store_idx %parallel_loop3A_1416[%select_n3A_403, %select_n3A_428, %parallel_loop3A_1360], %parallel_loop3A_1410 : memref<8x8x129xf32, #tpu.memory_space<vmem>>[vector<16xi32>, vector<16xi32>, vector<16xi32>], vector<16xf32>,
      } {sc.loop_unroll_factor = 4 : i64, sc.parallel_access}
      %dma_start3A_431 = arith.constant 0 : i32
      %dma_start3A_432 = arith.constant 0 : i32
      %dma_start3A_433 = arith.constant 0 : i32
      %dma_start3A_434 = arith.constant 0 : i32
      %dma_start3A_435 = arith.constant 0 : i32
      %dma_start3A_436 = tpu.memref_slice %arg7[%dma_start3A_431, %dma_start3A_433, %dma_start3A_434, %dma_start3A_435] : memref<4x8x8x129xf32, #tpu.memory_space<vmem>> -> memref<1x8x8x128xf32, #tpu.memory_space<vmem>>
      %dma_start3A_437 = tpu.memref_squeeze %dma_start3A_436 : memref<1x8x8x128xf32, #tpu.memory_space<vmem>> -> memref<8x8x128xf32, #tpu.memory_space<vmem>>
      %dma_start3A_438 = arith.constant 0 : i32
      %dma_start3A_439 = arith.constant 0 : i32
      %dma_start3A_440 = arith.constant 0 : i32
      %dma_start3A_441 = tpu.memref_slice %arg4[%add3A_170, %dma_start3A_438, %add3A, %dma_start3A_439, %dma_start3A_440] : memref<200x8x32x8x128xf32, #tpu.memory_space<hbm>> -> memref<1x8x1x8x128xf32, #tpu.memory_space<hbm>>
      %dma_start3A_442 = tpu.memref_squeeze %dma_start3A_441 : memref<1x8x1x8x128xf32, #tpu.memory_space<hbm>> -> memref<8x8x128xf32, #tpu.memory_space<hbm>>
      %dma_start3A_443 = tpu.memref_slice %arg9[%dma_start3A_432] : memref<4x!tpu.dma_semaphore, #tpu.memory_space<semaphore_mem>> -> memref<1x!tpu.dma_semaphore, #tpu.memory_space<semaphore_mem>>
      %dma_start3A_444 = tpu.memref_squeeze %dma_start3A_443 : memref<1x!tpu.dma_semaphore, #tpu.memory_space<semaphore_mem>> -> memref<!tpu.dma_semaphore, #tpu.memory_space<semaphore_mem>>
      %dma_start3A_445 = arith.constant 0 : i32
      %dma_start3A_446 = arith.constant 0 : i32
      %dma_start3A_447 = arith.constant 0 : i32
      %dma_start3A_448 = tpu.memref_slice %arg4[%add3A_170, %dma_start3A_445, %add3A, %dma_start3A_446, %dma_start3A_447] : memref<200x8x32x8x128xf32, #tpu.memory_space<hbm>> -> memref<1x8x1x8x128xf32, #tpu.memory_space<hbm>>
      %dma_start3A_449 = tpu.memref_squeeze %dma_start3A_448 : memref<1x8x1x8x128xf32, #tpu.memory_space<hbm>> -> memref<8x8x128xf32, #tpu.memory_space<hbm>>
      %dma_start3A_450 = arith.constant 0 : i32
      %dma_start3A_451 = arith.constant 0 : i32
      %dma_start3A_452 = arith.constant 0 : i32
      %dma_start3A_453 = tpu.memref_slice %arg7[%dma_start3A_431, %dma_start3A_450, %dma_start3A_451, %dma_start3A_452] : memref<4x8x8x129xf32, #tpu.memory_space<vmem>> -> memref<1x8x8x128xf32, #tpu.memory_space<vmem>>
      %dma_start3A_454 = tpu.memref_squeeze %dma_start3A_453 : memref<1x8x8x128xf32, #tpu.memory_space<vmem>> -> memref<8x8x128xf32, #tpu.memory_space<vmem>>
      tpu.enqueue_dma source(%dma_start3A_454 : memref<8x8x128xf32, #tpu.memory_space<vmem>>) target(%dma_start3A_449 : memref<8x8x128xf32, #tpu.memory_space<hbm>>) target_semaphore(%dma_start3A_444 : memref<!tpu.dma_semaphore, #tpu.memory_space<semaphore_mem>>)
      %add3A_455 = arith.constant 1 : i32
      %add3A_456 = arith.addi %mul3A_168, %add3A_455 : i32
      %ge3A_457 = arith.constant 1 : i32
      %ge3A_458 = arith.cmpi sge, %add3A_456, %ge3A_457 : i32
      %add3A_459 = arith.constant 4 : i32
      %add3A_460 = arith.addi %add3A_456, %add3A_459 : i32
      %sub3A_461 = arith.constant 1 : i32
      %sub3A_462 = arith.subi %add3A_460, %sub3A_461 : i32
      %lt3A_463 = arith.constant 200 : i32
      %lt3A_464 = arith.cmpi slt, %sub3A_462, %lt3A_463 : i32
      %and3A_465 = arith.andi %ge3A_458, %lt3A_464 : i1
      %convert_element_type3A_466 = arith.extui %and3A_465 : i1 to i32
      %cond3A_467 = arith.constant 0 : i32
      %cond3A_468 = arith.cmpi ne, %convert_element_type3A_466, %cond3A_467 : i32
      scf.if %cond3A_468 {
        %add3A_1355 = arith.constant 4 : i32
        %add3A_1356 = arith.addi %add3A_456, %add3A_1355 : i32
        %sub3A_1357 = arith.constant 1 : i32
        %sub3A_1358 = arith.subi %add3A_1356, %sub3A_1357 : i32
        %dma_start3A_1359 = arith.constant 0 : i32
        %dma_start3A_1360 = arith.constant 0 : i32
        %dma_start3A_1361 = arith.constant 0 : i32
        %dma_start3A_1362 = arith.constant 0 : i32
        %dma_start3A_1363 = tpu.memref_slice %arg6[%dma_start3A_1359, %dma_start3A_1361, %dma_start3A_1362] : memref<4x128x64xf32, #tpu.memory_space<vmem>> -> memref<1x128x64xf32, #tpu.memory_space<vmem>>
        %dma_start3A_1364 = tpu.memref_squeeze %dma_start3A_1363 : memref<1x128x64xf32, #tpu.memory_space<vmem>> -> memref<128x64xf32, #tpu.memory_space<vmem>>
        %dma_start3A_1365 = arith.constant 0 : i32
        %dma_start3A_1366 = tpu.memref_slice %arg5[%sub3A_1358, %dma_start3A_1365] : memref<200x128xi32, #tpu.memory_space<vmem>> -> memref<1x128xi32, #tpu.memory_space<vmem>>
        %dma_start3A_1367 = tpu.memref_squeeze %dma_start3A_1366 : memref<1x128xi32, #tpu.memory_space<vmem>> -> memref<128xi32, #tpu.memory_space<vmem>>
        %dma_start3A_1368 = arith.constant 0 : i32
        %dma_start3A_1369 = arith.constant 0 : i32
        %dma_start3A_1370 = tpu.memref_slice %arg3[%dma_start3A_1368, %dma_start3A_1369] : memref<1000000x64xf32, #tpu.memory_space<hbm>> -> memref<1000000x64xf32, #tpu.memory_space<hbm>>
        %dma_start3A_1371 = tpu.memref_slice %arg8[%dma_start3A_1360] : memref<4x!tpu.dma_semaphore, #tpu.memory_space<semaphore_mem>> -> memref<1x!tpu.dma_semaphore, #tpu.memory_space<semaphore_mem>>
        %dma_start3A_1372 = tpu.memref_squeeze %dma_start3A_1371 : memref<1x!tpu.dma_semaphore, #tpu.memory_space<semaphore_mem>> -> memref<!tpu.dma_semaphore, #tpu.memory_space<semaphore_mem>>
        tpu.enqueue_indirect_dma source(%dma_start3A_1370 : memref<1000000x64xf32, #tpu.memory_space<hbm>>) target(%dma_start3A_1364 : memref<128x64xf32, #tpu.memory_space<vmem>>) offsets(%dma_start3A_1367 : memref<128xi32, #tpu.memory_space<vmem>>) semaphore(%dma_start3A_1372 : memref<!tpu.dma_semaphore, #tpu.memory_space<semaphore_mem>>)
      } else {
      }
      %dma_wait3A_469 = arith.constant 1 : i32
      %dma_wait3A_470 = arith.constant 1 : i32
      %dma_wait3A_471 = arith.constant 0 : i32
      %dma_wait3A_472 = arith.constant 0 : i32
      %dma_wait3A_473 = tpu.memref_slice %arg6[%dma_wait3A_469, %dma_wait3A_471, %dma_wait3A_472] : memref<4x128x64xf32, #tpu.memory_space<vmem>> -> memref<1x128x64xf32, #tpu.memory_space<vmem>>
      %dma_wait3A_474 = tpu.memref_squeeze %dma_wait3A_473 : memref<1x128x64xf32, #tpu.memory_space<vmem>> -> memref<128x64xf32, #tpu.memory_space<vmem>>
      %dma_wait3A_475 = arith.constant 0 : i32
      %dma_wait3A_476 = arith.constant 0 : i32
      %dma_wait3A_477 = tpu.memref_slice %arg3[%dma_wait3A_475, %dma_wait3A_476] : memref<1000000x64xf32, #tpu.memory_space<hbm>> -> memref<128x64xf32, #tpu.memory_space<hbm>>
      %dma_wait3A_478 = tpu.memref_slice %arg8[%dma_wait3A_470] : memref<4x!tpu.dma_semaphore, #tpu.memory_space<semaphore_mem>> -> memref<1x!tpu.dma_semaphore, #tpu.memory_space<semaphore_mem>>
      %dma_wait3A_479 = tpu.memref_squeeze %dma_wait3A_478 : memref<1x!tpu.dma_semaphore, #tpu.memory_space<semaphore_mem>> -> memref<!tpu.dma_semaphore, #tpu.memory_space<semaphore_mem>>
      %dma_wait3A_480 = arith.constant 0 : i32
      %dma_wait3A_481 = arith.constant 0 : i32
      %dma_wait3A_482 = tpu.memref_slice %arg6[%dma_wait3A_469, %dma_wait3A_480, %dma_wait3A_481] : memref<4x128x64xf32, #tpu.memory_space<vmem>> -> memref<1x128x64xf32, #tpu.memory_space<vmem>>
      %dma_wait3A_483 = tpu.memref_squeeze %dma_wait3A_482 : memref<1x128x64xf32, #tpu.memory_space<vmem>> -> memref<128x64xf32, #tpu.memory_space<vmem>>
      %dma_wait3A_484 = arith.constant 0 : i32
      %dma_wait3A_485 = arith.constant 0 : i32
      %dma_wait3A_486 = tpu.memref_slice %arg3[%dma_wait3A_484, %dma_wait3A_485] : memref<1000000x64xf32, #tpu.memory_space<hbm>> -> memref<128x64xf32, #tpu.memory_space<hbm>>
      tpu.wait_dma2 semaphore(%dma_wait3A_479 : memref<!tpu.dma_semaphore, #tpu.memory_space<semaphore_mem>>) src(%dma_wait3A_486 : memref<128x64xf32, #tpu.memory_space<hbm>>) dst(%dma_wait3A_483 : memref<128x64xf32, #tpu.memory_space<vmem>>)
      %ge3A_487 = arith.constant 4 : i32
      %ge3A_488 = arith.cmpi sge, %add3A_456, %ge3A_487 : i32
      %convert_element_type3A_489 = arith.extui %ge3A_488 : i1 to i32
      %cond3A_490 = arith.constant 0 : i32
      %cond3A_491 = arith.cmpi ne, %convert_element_type3A_489, %cond3A_490 : i32
      scf.if %cond3A_491 {
        %dma_wait3A_1355 = arith.constant 1 : i32
        %dma_wait3A_1356 = arith.constant 0 : i32
        %dma_wait3A_1357 = arith.constant 1 : i32
        %dma_wait3A_1358 = arith.constant 0 : i32
        %dma_wait3A_1359 = arith.constant 0 : i32
        %dma_wait3A_1360 = arith.constant 0 : i32
        %dma_wait3A_1361 = tpu.memref_slice %arg7[%dma_wait3A_1355, %dma_wait3A_1358, %dma_wait3A_1359, %dma_wait3A_1360] : memref<4x8x8x129xf32, #tpu.memory_space<vmem>> -> memref<1x8x8x128xf32, #tpu.memory_space<vmem>>
        %dma_wait3A_1362 = tpu.memref_squeeze %dma_wait3A_1361 : memref<1x8x8x128xf32, #tpu.memory_space<vmem>> -> memref<8x8x128xf32, #tpu.memory_space<vmem>>
        %dma_wait3A_1363 = arith.constant 0 : i32
        %dma_wait3A_1364 = arith.constant 0 : i32
        %dma_wait3A_1365 = arith.constant 0 : i32
        %dma_wait3A_1366 = tpu.memref_slice %arg4[%dma_wait3A_1356, %dma_wait3A_1363, %add3A, %dma_wait3A_1364, %dma_wait3A_1365] : memref<200x8x32x8x128xf32, #tpu.memory_space<hbm>> -> memref<1x8x1x8x128xf32, #tpu.memory_space<hbm>>
        %dma_wait3A_1367 = tpu.memref_squeeze %dma_wait3A_1366 : memref<1x8x1x8x128xf32, #tpu.memory_space<hbm>> -> memref<8x8x128xf32, #tpu.memory_space<hbm>>
        %dma_wait3A_1368 = tpu.memref_slice %arg9[%dma_wait3A_1357] : memref<4x!tpu.dma_semaphore, #tpu.memory_space<semaphore_mem>> -> memref<1x!tpu.dma_semaphore, #tpu.memory_space<semaphore_mem>>
        %dma_wait3A_1369 = tpu.memref_squeeze %dma_wait3A_1368 : memref<1x!tpu.dma_semaphore, #tpu.memory_space<semaphore_mem>> -> memref<!tpu.dma_semaphore, #tpu.memory_space<semaphore_mem>>
        %dma_wait3A_1370 = arith.constant 0 : i32
        %dma_wait3A_1371 = arith.constant 0 : i32
        %dma_wait3A_1372 = arith.constant 0 : i32
        %dma_wait3A_1373 = tpu.memref_slice %arg4[%dma_wait3A_1356, %dma_wait3A_1370, %add3A, %dma_wait3A_1371, %dma_wait3A_1372] : memref<200x8x32x8x128xf32, #tpu.memory_space<hbm>> -> memref<1x8x1x8x128xf32, #tpu.memory_space<hbm>>
        %dma_wait3A_1374 = tpu.memref_squeeze %dma_wait3A_1373 : memref<1x8x1x8x128xf32, #tpu.memory_space<hbm>> -> memref<8x8x128xf32, #tpu.memory_space<hbm>>
        %dma_wait3A_1375 = arith.constant 0 : i32
        %dma_wait3A_1376 = arith.constant 0 : i32
        %dma_wait3A_1377 = arith.constant 0 : i32
        %dma_wait3A_1378 = tpu.memref_slice %arg7[%dma_wait3A_1355, %dma_wait3A_1375, %dma_wait3A_1376, %dma_wait3A_1377] : memref<4x8x8x129xf32, #tpu.memory_space<vmem>> -> memref<1x8x8x128xf32, #tpu.memory_space<vmem>>
        %dma_wait3A_1379 = tpu.memref_squeeze %dma_wait3A_1378 : memref<1x8x8x128xf32, #tpu.memory_space<vmem>> -> memref<8x8x128xf32, #tpu.memory_space<vmem>>
        tpu.wait_dma2 semaphore(%dma_wait3A_1369 : memref<!tpu.dma_semaphore, #tpu.memory_space<semaphore_mem>>) src(%dma_wait3A_1379 : memref<8x8x128xf32, #tpu.memory_space<vmem>>) dst(%dma_wait3A_1374 : memref<8x8x128xf32, #tpu.memory_space<hbm>>)
      } else {
      }
      %add3A_492 = arith.constant 0 : i32
      %add3A_493 = vector.broadcast %add3A_492 : i32 to vector<16xi32>
      %add3A_494 = arith.addi %iota3A, %add3A_493 : vector<16xi32>
      %jit3A_495 = arith.constant 8 : i32
      %div3A_496 = vector.broadcast %jit3A_495 : i32 to vector<16xi32>
      %div3A_497 = arith.divsi %add3A_494, %div3A_496 : vector<16xi32>
      %sign3A_498 = arith.constant 0 : i32
      %sign3A_499 = vector.broadcast %sign3A_498 : i32 to vector<16xi32>
      %sign3A_500 = arith.cmpi sgt, %add3A_494, %sign3A_499 : vector<16xi32>
      %sign3A_501 = arith.extui %sign3A_500 : vector<16xi1> to vector<16xi32>
      %sign3A_502 = arith.constant 0 : i32
      %sign3A_503 = vector.broadcast %sign3A_502 : i32 to vector<16xi32>
      %sign3A_504 = arith.cmpi slt, %add3A_494, %sign3A_503 : vector<16xi32>
      %sign3A_505 = arith.extui %sign3A_504 : vector<16xi1> to vector<16xi32>
      %sign3A_506 = arith.subi %sign3A_501, %sign3A_505 : vector<16xi32>
      %sign3A_507 = arith.constant 0 : i32
      %sign3A_508 = arith.cmpi sgt, %jit3A_495, %sign3A_507 : i32
      %sign3A_509 = arith.extui %sign3A_508 : i1 to i32
      %sign3A_510 = arith.constant 0 : i32
      %sign3A_511 = arith.cmpi slt, %jit3A_495, %sign3A_510 : i32
      %sign3A_512 = arith.extui %sign3A_511 : i1 to i32
      %sign3A_513 = arith.subi %sign3A_509, %sign3A_512 : i32
      %ne3A_514 = vector.broadcast %sign3A_513 : i32 to vector<16xi32>
      %ne3A_515 = arith.cmpi ne, %sign3A_506, %ne3A_514 : vector<16xi32>
      %rem3A_516 = vector.broadcast %jit3A_495 : i32 to vector<16xi32>
      %rem3A_517 = arith.remsi %add3A_494, %rem3A_516 : vector<16xi32>
      %ne3A_518 = arith.constant 0 : i32
      %ne3A_519 = vector.broadcast %ne3A_518 : i32 to vector<16xi32>
      %ne3A_520 = arith.cmpi ne, %rem3A_517, %ne3A_519 : vector<16xi32>
      %and3A_521 = arith.andi %ne3A_515, %ne3A_520 : vector<16xi1>
      %sub3A_522 = arith.constant 1 : i32
      %sub3A_523 = vector.broadcast %sub3A_522 : i32 to vector<16xi32>
      %sub3A_524 = arith.subi %div3A_497, %sub3A_523 : vector<16xi32>
      %select_n3A_525 = arith.select %and3A_521, %sub3A_524, %div3A_497 : vector<16xi1>, vector<16xi32>
      %add3A_526 = arith.constant 0 : i32
      %add3A_527 = vector.broadcast %add3A_526 : i32 to vector<16xi32>
      %add3A_528 = arith.addi %iota3A, %add3A_527 : vector<16xi32>
      %jit3A_529 = arith.constant 8 : i32
      %eq3A_530 = arith.constant 0 : i32
      %eq3A_531 = arith.cmpi eq, %jit3A_529, %eq3A_530 : i32
      %jit3A_532 = arith.constant 1 : i32
      %select_n3A_533 = arith.select %eq3A_531, %jit3A_532, %jit3A_529 : i32
      %rem3A_534 = vector.broadcast %select_n3A_533 : i32 to vector<16xi32>
      %rem3A_535 = arith.remsi %add3A_528, %rem3A_534 : vector<16xi32>
      %ne3A_536 = arith.constant 0 : i32
      %ne3A_537 = vector.broadcast %ne3A_536 : i32 to vector<16xi32>
      %ne3A_538 = arith.cmpi ne, %rem3A_535, %ne3A_537 : vector<16xi32>
      %lt3A_539 = arith.constant 0 : i32
      %lt3A_540 = vector.broadcast %lt3A_539 : i32 to vector<16xi32>
      %lt3A_541 = arith.cmpi slt, %rem3A_535, %lt3A_540 : vector<16xi32>
      %lt3A_542 = arith.constant 0 : i32
      %lt3A_543 = arith.cmpi slt, %select_n3A_533, %lt3A_542 : i32
      %ne3A_544 = vector.broadcast %lt3A_543 : i1 to vector<16xi1>
      %ne3A_545 = vector.broadcast %ne3A_544 : vector<16xi1> to vector<16xi1>
      %ne3A_546 = arith.xori %lt3A_541, %ne3A_545 : vector<16xi1>
      %and3A_547 = arith.andi %ne3A_546, %ne3A_538 : vector<16xi1>
      %add3A_548 = vector.broadcast %select_n3A_533 : i32 to vector<16xi32>
      %add3A_549 = arith.addi %rem3A_535, %add3A_548 : vector<16xi32>
      %select_n3A_550 = arith.select %and3A_547, %add3A_549, %rem3A_535 : vector<16xi1>, vector<16xi32>
      %add3A_551 = arith.constant 16 : i32
      %add3A_552 = vector.broadcast %add3A_551 : i32 to vector<16xi32>
      %add3A_553 = arith.addi %iota3A, %add3A_552 : vector<16xi32>
      %jit3A_554 = arith.constant 8 : i32
      %div3A_555 = vector.broadcast %jit3A_554 : i32 to vector<16xi32>
      %div3A_556 = arith.divsi %add3A_553, %div3A_555 : vector<16xi32>
      %sign3A_557 = arith.constant 0 : i32
      %sign3A_558 = vector.broadcast %sign3A_557 : i32 to vector<16xi32>
      %sign3A_559 = arith.cmpi sgt, %add3A_553, %sign3A_558 : vector<16xi32>
      %sign3A_560 = arith.extui %sign3A_559 : vector<16xi1> to vector<16xi32>
      %sign3A_561 = arith.constant 0 : i32
      %sign3A_562 = vector.broadcast %sign3A_561 : i32 to vector<16xi32>
      %sign3A_563 = arith.cmpi slt, %add3A_553, %sign3A_562 : vector<16xi32>
      %sign3A_564 = arith.extui %sign3A_563 : vector<16xi1> to vector<16xi32>
      %sign3A_565 = arith.subi %sign3A_560, %sign3A_564 : vector<16xi32>
      %sign3A_566 = arith.constant 0 : i32
      %sign3A_567 = arith.cmpi sgt, %jit3A_554, %sign3A_566 : i32
      %sign3A_568 = arith.extui %sign3A_567 : i1 to i32
      %sign3A_569 = arith.constant 0 : i32
      %sign3A_570 = arith.cmpi slt, %jit3A_554, %sign3A_569 : i32
      %sign3A_571 = arith.extui %sign3A_570 : i1 to i32
      %sign3A_572 = arith.subi %sign3A_568, %sign3A_571 : i32
      %ne3A_573 = vector.broadcast %sign3A_572 : i32 to vector<16xi32>
      %ne3A_574 = arith.cmpi ne, %sign3A_565, %ne3A_573 : vector<16xi32>
      %rem3A_575 = vector.broadcast %jit3A_554 : i32 to vector<16xi32>
      %rem3A_576 = arith.remsi %add3A_553, %rem3A_575 : vector<16xi32>
      %ne3A_577 = arith.constant 0 : i32
      %ne3A_578 = vector.broadcast %ne3A_577 : i32 to vector<16xi32>
      %ne3A_579 = arith.cmpi ne, %rem3A_576, %ne3A_578 : vector<16xi32>
      %and3A_580 = arith.andi %ne3A_574, %ne3A_579 : vector<16xi1>
      %sub3A_581 = arith.constant 1 : i32
      %sub3A_582 = vector.broadcast %sub3A_581 : i32 to vector<16xi32>
      %sub3A_583 = arith.subi %div3A_556, %sub3A_582 : vector<16xi32>
      %select_n3A_584 = arith.select %and3A_580, %sub3A_583, %div3A_556 : vector<16xi1>, vector<16xi32>
      %add3A_585 = arith.constant 16 : i32
      %add3A_586 = vector.broadcast %add3A_585 : i32 to vector<16xi32>
      %add3A_587 = arith.addi %iota3A, %add3A_586 : vector<16xi32>
      %jit3A_588 = arith.constant 8 : i32
      %eq3A_589 = arith.constant 0 : i32
      %eq3A_590 = arith.cmpi eq, %jit3A_588, %eq3A_589 : i32
      %jit3A_591 = arith.constant 1 : i32
      %select_n3A_592 = arith.select %eq3A_590, %jit3A_591, %jit3A_588 : i32
      %rem3A_593 = vector.broadcast %select_n3A_592 : i32 to vector<16xi32>
      %rem3A_594 = arith.remsi %add3A_587, %rem3A_593 : vector<16xi32>
      %ne3A_595 = arith.constant 0 : i32
      %ne3A_596 = vector.broadcast %ne3A_595 : i32 to vector<16xi32>
      %ne3A_597 = arith.cmpi ne, %rem3A_594, %ne3A_596 : vector<16xi32>
      %lt3A_598 = arith.constant 0 : i32
      %lt3A_599 = vector.broadcast %lt3A_598 : i32 to vector<16xi32>
      %lt3A_600 = arith.cmpi slt, %rem3A_594, %lt3A_599 : vector<16xi32>
      %lt3A_601 = arith.constant 0 : i32
      %lt3A_602 = arith.cmpi slt, %select_n3A_592, %lt3A_601 : i32
      %ne3A_603 = vector.broadcast %lt3A_602 : i1 to vector<16xi1>
      %ne3A_604 = vector.broadcast %ne3A_603 : vector<16xi1> to vector<16xi1>
      %ne3A_605 = arith.xori %lt3A_600, %ne3A_604 : vector<16xi1>
      %and3A_606 = arith.andi %ne3A_605, %ne3A_597 : vector<16xi1>
      %add3A_607 = vector.broadcast %select_n3A_592 : i32 to vector<16xi32>
      %add3A_608 = arith.addi %rem3A_594, %add3A_607 : vector<16xi32>
      %select_n3A_609 = arith.select %and3A_606, %add3A_608, %rem3A_594 : vector<16xi1>, vector<16xi32>
      %add3A_610 = arith.constant 32 : i32
      %add3A_611 = vector.broadcast %add3A_610 : i32 to vector<16xi32>
      %add3A_612 = arith.addi %iota3A, %add3A_611 : vector<16xi32>
      %jit3A_613 = arith.constant 8 : i32
      %div3A_614 = vector.broadcast %jit3A_613 : i32 to vector<16xi32>
      %div3A_615 = arith.divsi %add3A_612, %div3A_614 : vector<16xi32>
      %sign3A_616 = arith.constant 0 : i32
      %sign3A_617 = vector.broadcast %sign3A_616 : i32 to vector<16xi32>
      %sign3A_618 = arith.cmpi sgt, %add3A_612, %sign3A_617 : vector<16xi32>
      %sign3A_619 = arith.extui %sign3A_618 : vector<16xi1> to vector<16xi32>
      %sign3A_620 = arith.constant 0 : i32
      %sign3A_621 = vector.broadcast %sign3A_620 : i32 to vector<16xi32>
      %sign3A_622 = arith.cmpi slt, %add3A_612, %sign3A_621 : vector<16xi32>
      %sign3A_623 = arith.extui %sign3A_622 : vector<16xi1> to vector<16xi32>
      %sign3A_624 = arith.subi %sign3A_619, %sign3A_623 : vector<16xi32>
      %sign3A_625 = arith.constant 0 : i32
      %sign3A_626 = arith.cmpi sgt, %jit3A_613, %sign3A_625 : i32
      %sign3A_627 = arith.extui %sign3A_626 : i1 to i32
      %sign3A_628 = arith.constant 0 : i32
      %sign3A_629 = arith.cmpi slt, %jit3A_613, %sign3A_628 : i32
      %sign3A_630 = arith.extui %sign3A_629 : i1 to i32
      %sign3A_631 = arith.subi %sign3A_627, %sign3A_630 : i32
      %ne3A_632 = vector.broadcast %sign3A_631 : i32 to vector<16xi32>
      %ne3A_633 = arith.cmpi ne, %sign3A_624, %ne3A_632 : vector<16xi32>
      %rem3A_634 = vector.broadcast %jit3A_613 : i32 to vector<16xi32>
      %rem3A_635 = arith.remsi %add3A_612, %rem3A_634 : vector<16xi32>
      %ne3A_636 = arith.constant 0 : i32
      %ne3A_637 = vector.broadcast %ne3A_636 : i32 to vector<16xi32>
      %ne3A_638 = arith.cmpi ne, %rem3A_635, %ne3A_637 : vector<16xi32>
      %and3A_639 = arith.andi %ne3A_633, %ne3A_638 : vector<16xi1>
      %sub3A_640 = arith.constant 1 : i32
      %sub3A_641 = vector.broadcast %sub3A_640 : i32 to vector<16xi32>
      %sub3A_642 = arith.subi %div3A_615, %sub3A_641 : vector<16xi32>
      %select_n3A_643 = arith.select %and3A_639, %sub3A_642, %div3A_615 : vector<16xi1>, vector<16xi32>
      %add3A_644 = arith.constant 32 : i32
      %add3A_645 = vector.broadcast %add3A_644 : i32 to vector<16xi32>
      %add3A_646 = arith.addi %iota3A, %add3A_645 : vector<16xi32>
      %jit3A_647 = arith.constant 8 : i32
      %eq3A_648 = arith.constant 0 : i32
      %eq3A_649 = arith.cmpi eq, %jit3A_647, %eq3A_648 : i32
      %jit3A_650 = arith.constant 1 : i32
      %select_n3A_651 = arith.select %eq3A_649, %jit3A_650, %jit3A_647 : i32
      %rem3A_652 = vector.broadcast %select_n3A_651 : i32 to vector<16xi32>
      %rem3A_653 = arith.remsi %add3A_646, %rem3A_652 : vector<16xi32>
      %ne3A_654 = arith.constant 0 : i32
      %ne3A_655 = vector.broadcast %ne3A_654 : i32 to vector<16xi32>
      %ne3A_656 = arith.cmpi ne, %rem3A_653, %ne3A_655 : vector<16xi32>
      %lt3A_657 = arith.constant 0 : i32
      %lt3A_658 = vector.broadcast %lt3A_657 : i32 to vector<16xi32>
      %lt3A_659 = arith.cmpi slt, %rem3A_653, %lt3A_658 : vector<16xi32>
      %lt3A_660 = arith.constant 0 : i32
      %lt3A_661 = arith.cmpi slt, %select_n3A_651, %lt3A_660 : i32
      %ne3A_662 = vector.broadcast %lt3A_661 : i1 to vector<16xi1>
      %ne3A_663 = vector.broadcast %ne3A_662 : vector<16xi1> to vector<16xi1>
      %ne3A_664 = arith.xori %lt3A_659, %ne3A_663 : vector<16xi1>
      %and3A_665 = arith.andi %ne3A_664, %ne3A_656 : vector<16xi1>
      %add3A_666 = vector.broadcast %select_n3A_651 : i32 to vector<16xi32>
      %add3A_667 = arith.addi %rem3A_653, %add3A_666 : vector<16xi32>
      %select_n3A_668 = arith.select %and3A_665, %add3A_667, %rem3A_653 : vector<16xi1>, vector<16xi32>
      %add3A_669 = arith.constant 48 : i32
      %add3A_670 = vector.broadcast %add3A_669 : i32 to vector<16xi32>
      %add3A_671 = arith.addi %iota3A, %add3A_670 : vector<16xi32>
      %jit3A_672 = arith.constant 8 : i32
      %div3A_673 = vector.broadcast %jit3A_672 : i32 to vector<16xi32>
      %div3A_674 = arith.divsi %add3A_671, %div3A_673 : vector<16xi32>
      %sign3A_675 = arith.constant 0 : i32
      %sign3A_676 = vector.broadcast %sign3A_675 : i32 to vector<16xi32>
      %sign3A_677 = arith.cmpi sgt, %add3A_671, %sign3A_676 : vector<16xi32>
      %sign3A_678 = arith.extui %sign3A_677 : vector<16xi1> to vector<16xi32>
      %sign3A_679 = arith.constant 0 : i32
      %sign3A_680 = vector.broadcast %sign3A_679 : i32 to vector<16xi32>
      %sign3A_681 = arith.cmpi slt, %add3A_671, %sign3A_680 : vector<16xi32>
      %sign3A_682 = arith.extui %sign3A_681 : vector<16xi1> to vector<16xi32>
      %sign3A_683 = arith.subi %sign3A_678, %sign3A_682 : vector<16xi32>
      %sign3A_684 = arith.constant 0 : i32
      %sign3A_685 = arith.cmpi sgt, %jit3A_672, %sign3A_684 : i32
      %sign3A_686 = arith.extui %sign3A_685 : i1 to i32
      %sign3A_687 = arith.constant 0 : i32
      %sign3A_688 = arith.cmpi slt, %jit3A_672, %sign3A_687 : i32
      %sign3A_689 = arith.extui %sign3A_688 : i1 to i32
      %sign3A_690 = arith.subi %sign3A_686, %sign3A_689 : i32
      %ne3A_691 = vector.broadcast %sign3A_690 : i32 to vector<16xi32>
      %ne3A_692 = arith.cmpi ne, %sign3A_683, %ne3A_691 : vector<16xi32>
      %rem3A_693 = vector.broadcast %jit3A_672 : i32 to vector<16xi32>
      %rem3A_694 = arith.remsi %add3A_671, %rem3A_693 : vector<16xi32>
      %ne3A_695 = arith.constant 0 : i32
      %ne3A_696 = vector.broadcast %ne3A_695 : i32 to vector<16xi32>
      %ne3A_697 = arith.cmpi ne, %rem3A_694, %ne3A_696 : vector<16xi32>
      %and3A_698 = arith.andi %ne3A_692, %ne3A_697 : vector<16xi1>
      %sub3A_699 = arith.constant 1 : i32
      %sub3A_700 = vector.broadcast %sub3A_699 : i32 to vector<16xi32>
      %sub3A_701 = arith.subi %div3A_674, %sub3A_700 : vector<16xi32>
      %select_n3A_702 = arith.select %and3A_698, %sub3A_701, %div3A_674 : vector<16xi1>, vector<16xi32>
      %add3A_703 = arith.constant 48 : i32
      %add3A_704 = vector.broadcast %add3A_703 : i32 to vector<16xi32>
      %add3A_705 = arith.addi %iota3A, %add3A_704 : vector<16xi32>
      %jit3A_706 = arith.constant 8 : i32
      %eq3A_707 = arith.constant 0 : i32
      %eq3A_708 = arith.cmpi eq, %jit3A_706, %eq3A_707 : i32
      %jit3A_709 = arith.constant 1 : i32
      %select_n3A_710 = arith.select %eq3A_708, %jit3A_709, %jit3A_706 : i32
      %rem3A_711 = vector.broadcast %select_n3A_710 : i32 to vector<16xi32>
      %rem3A_712 = arith.remsi %add3A_705, %rem3A_711 : vector<16xi32>
      %ne3A_713 = arith.constant 0 : i32
      %ne3A_714 = vector.broadcast %ne3A_713 : i32 to vector<16xi32>
      %ne3A_715 = arith.cmpi ne, %rem3A_712, %ne3A_714 : vector<16xi32>
      %lt3A_716 = arith.constant 0 : i32
      %lt3A_717 = vector.broadcast %lt3A_716 : i32 to vector<16xi32>
      %lt3A_718 = arith.cmpi slt, %rem3A_712, %lt3A_717 : vector<16xi32>
      %lt3A_719 = arith.constant 0 : i32
      %lt3A_720 = arith.cmpi slt, %select_n3A_710, %lt3A_719 : i32
      %ne3A_721 = vector.broadcast %lt3A_720 : i1 to vector<16xi1>
      %ne3A_722 = vector.broadcast %ne3A_721 : vector<16xi1> to vector<16xi1>
      %ne3A_723 = arith.xori %lt3A_718, %ne3A_722 : vector<16xi1>
      %and3A_724 = arith.andi %ne3A_723, %ne3A_715 : vector<16xi1>
      %add3A_725 = vector.broadcast %select_n3A_710 : i32 to vector<16xi32>
      %add3A_726 = arith.addi %rem3A_712, %add3A_725 : vector<16xi32>
      %select_n3A_727 = arith.select %and3A_724, %add3A_726, %rem3A_712 : vector<16xi1>, vector<16xi32>
      %parallel_loop3A_728 = arith.constant 0 : i32
      %parallel_loop3A_729 = arith.constant 128 : i32
      %parallel_loop3A_730 = arith.constant 1 : i32
      scf.for %parallel_loop3A_1355 = %parallel_loop3A_728 to %parallel_loop3A_729 step %parallel_loop3A_730  : i32 {
        %parallel_loop3A_1356 = arith.constant 0 : i32
        %parallel_loop3A_1357 = vector.broadcast %parallel_loop3A_1356 : i32 to vector<16xi32>
        %parallel_loop3A_1358 = arith.muli %iota3A, %parallel_loop3A_1357 : vector<16xi32>
        %parallel_loop3A_1359 = vector.broadcast %parallel_loop3A_1355 : i32 to vector<16xi32>
        %parallel_loop3A_1360 = arith.addi %parallel_loop3A_1358, %parallel_loop3A_1359 : vector<16xi32>
        %parallel_loop3A_1361 = arith.constant 1 : i32
        %parallel_loop3A_1362 = arith.index_cast %parallel_loop3A_1361 : i32 to index
        %parallel_loop3A_1363 = arith.index_cast %parallel_loop3A_1355 : i32 to index
        %parallel_loop3A_1364 = arith.constant 0 : index
        %parallel_loop3A_1365 = tpu.vector_load %arg6[%parallel_loop3A_1362, %parallel_loop3A_1363, %parallel_loop3A_1364] {strides = array<i32>} : memref<4x128x64xf32, #tpu.memory_space<vmem>>, vector<16xf32>,
        %parallel_loop3A_1366 = arith.constant 8.000000e+00 : f32
        %parallel_loop3A_1367 = vector.broadcast %parallel_loop3A_1366 : f32 to vector<16xf32>
        %parallel_loop3A_1368 = arith.mulf %parallel_loop3A_1365, %parallel_loop3A_1367 : vector<16xf32>
        %parallel_loop3A_1369 = arith.constant 1 : i32
        %parallel_loop3A_1370 = arith.constant 0 : i32
        %parallel_loop3A_1371 = arith.constant 0 : i32
        %parallel_loop3A_1372 = arith.constant 0 : i32
        %parallel_loop3A_1373 = tpu.memref_slice %arg7[%parallel_loop3A_1369, %parallel_loop3A_1370, %parallel_loop3A_1371, %parallel_loop3A_1372] : memref<4x8x8x129xf32, #tpu.memory_space<vmem>> -> memref<1x8x8x129xf32, #tpu.memory_space<vmem>>
        %parallel_loop3A_1374 = tpu.memref_squeeze %parallel_loop3A_1373 : memref<1x8x8x129xf32, #tpu.memory_space<vmem>> -> memref<8x8x129xf32, #tpu.memory_space<vmem>>
        tpu.vector_store_idx %parallel_loop3A_1374[%select_n3A_525, %select_n3A_550, %parallel_loop3A_1360], %parallel_loop3A_1368 : memref<8x8x129xf32, #tpu.memory_space<vmem>>[vector<16xi32>, vector<16xi32>, vector<16xi32>], vector<16xf32>,
        %parallel_loop3A_1375 = arith.constant 1 : i32
        %parallel_loop3A_1376 = arith.index_cast %parallel_loop3A_1375 : i32 to index
        %parallel_loop3A_1377 = arith.index_cast %parallel_loop3A_1355 : i32 to index
        %parallel_loop3A_1378 = arith.constant 16 : index
        %parallel_loop3A_1379 = tpu.vector_load %arg6[%parallel_loop3A_1376, %parallel_loop3A_1377, %parallel_loop3A_1378] {strides = array<i32>} : memref<4x128x64xf32, #tpu.memory_space<vmem>>, vector<16xf32>,
        %parallel_loop3A_1380 = arith.constant 8.000000e+00 : f32
        %parallel_loop3A_1381 = vector.broadcast %parallel_loop3A_1380 : f32 to vector<16xf32>
        %parallel_loop3A_1382 = arith.mulf %parallel_loop3A_1379, %parallel_loop3A_1381 : vector<16xf32>
        %parallel_loop3A_1383 = arith.constant 1 : i32
        %parallel_loop3A_1384 = arith.constant 0 : i32
        %parallel_loop3A_1385 = arith.constant 0 : i32
        %parallel_loop3A_1386 = arith.constant 0 : i32
        %parallel_loop3A_1387 = tpu.memref_slice %arg7[%parallel_loop3A_1383, %parallel_loop3A_1384, %parallel_loop3A_1385, %parallel_loop3A_1386] : memref<4x8x8x129xf32, #tpu.memory_space<vmem>> -> memref<1x8x8x129xf32, #tpu.memory_space<vmem>>
        %parallel_loop3A_1388 = tpu.memref_squeeze %parallel_loop3A_1387 : memref<1x8x8x129xf32, #tpu.memory_space<vmem>> -> memref<8x8x129xf32, #tpu.memory_space<vmem>>
        tpu.vector_store_idx %parallel_loop3A_1388[%select_n3A_584, %select_n3A_609, %parallel_loop3A_1360], %parallel_loop3A_1382 : memref<8x8x129xf32, #tpu.memory_space<vmem>>[vector<16xi32>, vector<16xi32>, vector<16xi32>], vector<16xf32>,
        %parallel_loop3A_1389 = arith.constant 1 : i32
        %parallel_loop3A_1390 = arith.index_cast %parallel_loop3A_1389 : i32 to index
        %parallel_loop3A_1391 = arith.index_cast %parallel_loop3A_1355 : i32 to index
        %parallel_loop3A_1392 = arith.constant 32 : index
        %parallel_loop3A_1393 = tpu.vector_load %arg6[%parallel_loop3A_1390, %parallel_loop3A_1391, %parallel_loop3A_1392] {strides = array<i32>} : memref<4x128x64xf32, #tpu.memory_space<vmem>>, vector<16xf32>,
        %parallel_loop3A_1394 = arith.constant 8.000000e+00 : f32
        %parallel_loop3A_1395 = vector.broadcast %parallel_loop3A_1394 : f32 to vector<16xf32>
        %parallel_loop3A_1396 = arith.mulf %parallel_loop3A_1393, %parallel_loop3A_1395 : vector<16xf32>
        %parallel_loop3A_1397 = arith.constant 1 : i32
        %parallel_loop3A_1398 = arith.constant 0 : i32
        %parallel_loop3A_1399 = arith.constant 0 : i32
        %parallel_loop3A_1400 = arith.constant 0 : i32
        %parallel_loop3A_1401 = tpu.memref_slice %arg7[%parallel_loop3A_1397, %parallel_loop3A_1398, %parallel_loop3A_1399, %parallel_loop3A_1400] : memref<4x8x8x129xf32, #tpu.memory_space<vmem>> -> memref<1x8x8x129xf32, #tpu.memory_space<vmem>>
        %parallel_loop3A_1402 = tpu.memref_squeeze %parallel_loop3A_1401 : memref<1x8x8x129xf32, #tpu.memory_space<vmem>> -> memref<8x8x129xf32, #tpu.memory_space<vmem>>
        tpu.vector_store_idx %parallel_loop3A_1402[%select_n3A_643, %select_n3A_668, %parallel_loop3A_1360], %parallel_loop3A_1396 : memref<8x8x129xf32, #tpu.memory_space<vmem>>[vector<16xi32>, vector<16xi32>, vector<16xi32>], vector<16xf32>,
        %parallel_loop3A_1403 = arith.constant 1 : i32
        %parallel_loop3A_1404 = arith.index_cast %parallel_loop3A_1403 : i32 to index
        %parallel_loop3A_1405 = arith.index_cast %parallel_loop3A_1355 : i32 to index
        %parallel_loop3A_1406 = arith.constant 48 : index
        %parallel_loop3A_1407 = tpu.vector_load %arg6[%parallel_loop3A_1404, %parallel_loop3A_1405, %parallel_loop3A_1406] {strides = array<i32>} : memref<4x128x64xf32, #tpu.memory_space<vmem>>, vector<16xf32>,
        %parallel_loop3A_1408 = arith.constant 8.000000e+00 : f32
        %parallel_loop3A_1409 = vector.broadcast %parallel_loop3A_1408 : f32 to vector<16xf32>
        %parallel_loop3A_1410 = arith.mulf %parallel_loop3A_1407, %parallel_loop3A_1409 : vector<16xf32>
        %parallel_loop3A_1411 = arith.constant 1 : i32
        %parallel_loop3A_1412 = arith.constant 0 : i32
        %parallel_loop3A_1413 = arith.constant 0 : i32
        %parallel_loop3A_1414 = arith.constant 0 : i32
        %parallel_loop3A_1415 = tpu.memref_slice %arg7[%parallel_loop3A_1411, %parallel_loop3A_1412, %parallel_loop3A_1413, %parallel_loop3A_1414] : memref<4x8x8x129xf32, #tpu.memory_space<vmem>> -> memref<1x8x8x129xf32, #tpu.memory_space<vmem>>
        %parallel_loop3A_1416 = tpu.memref_squeeze %parallel_loop3A_1415 : memref<1x8x8x129xf32, #tpu.memory_space<vmem>> -> memref<8x8x129xf32, #tpu.memory_space<vmem>>
        tpu.vector_store_idx %parallel_loop3A_1416[%select_n3A_702, %select_n3A_727, %parallel_loop3A_1360], %parallel_loop3A_1410 : memref<8x8x129xf32, #tpu.memory_space<vmem>>[vector<16xi32>, vector<16xi32>, vector<16xi32>], vector<16xf32>,
      } {sc.loop_unroll_factor = 4 : i64, sc.parallel_access}
      %dma_start3A_731 = arith.constant 1 : i32
      %dma_start3A_732 = arith.constant 1 : i32
      %dma_start3A_733 = arith.constant 0 : i32
      %dma_start3A_734 = arith.constant 0 : i32
      %dma_start3A_735 = arith.constant 0 : i32
      %dma_start3A_736 = tpu.memref_slice %arg7[%dma_start3A_731, %dma_start3A_733, %dma_start3A_734, %dma_start3A_735] : memref<4x8x8x129xf32, #tpu.memory_space<vmem>> -> memref<1x8x8x128xf32, #tpu.memory_space<vmem>>
      %dma_start3A_737 = tpu.memref_squeeze %dma_start3A_736 : memref<1x8x8x128xf32, #tpu.memory_space<vmem>> -> memref<8x8x128xf32, #tpu.memory_space<vmem>>
      %dma_start3A_738 = arith.constant 0 : i32
      %dma_start3A_739 = arith.constant 0 : i32
      %dma_start3A_740 = arith.constant 0 : i32
      %dma_start3A_741 = tpu.memref_slice %arg4[%add3A_456, %dma_start3A_738, %add3A, %dma_start3A_739, %dma_start3A_740] : memref<200x8x32x8x128xf32, #tpu.memory_space<hbm>> -> memref<1x8x1x8x128xf32, #tpu.memory_space<hbm>>
      %dma_start3A_742 = tpu.memref_squeeze %dma_start3A_741 : memref<1x8x1x8x128xf32, #tpu.memory_space<hbm>> -> memref<8x8x128xf32, #tpu.memory_space<hbm>>
      %dma_start3A_743 = tpu.memref_slice %arg9[%dma_start3A_732] : memref<4x!tpu.dma_semaphore, #tpu.memory_space<semaphore_mem>> -> memref<1x!tpu.dma_semaphore, #tpu.memory_space<semaphore_mem>>
      %dma_start3A_744 = tpu.memref_squeeze %dma_start3A_743 : memref<1x!tpu.dma_semaphore, #tpu.memory_space<semaphore_mem>> -> memref<!tpu.dma_semaphore, #tpu.memory_space<semaphore_mem>>
      %dma_start3A_745 = arith.constant 0 : i32
      %dma_start3A_746 = arith.constant 0 : i32
      %dma_start3A_747 = arith.constant 0 : i32
      %dma_start3A_748 = tpu.memref_slice %arg4[%add3A_456, %dma_start3A_745, %add3A, %dma_start3A_746, %dma_start3A_747] : memref<200x8x32x8x128xf32, #tpu.memory_space<hbm>> -> memref<1x8x1x8x128xf32, #tpu.memory_space<hbm>>
      %dma_start3A_749 = tpu.memref_squeeze %dma_start3A_748 : memref<1x8x1x8x128xf32, #tpu.memory_space<hbm>> -> memref<8x8x128xf32, #tpu.memory_space<hbm>>
      %dma_start3A_750 = arith.constant 0 : i32
      %dma_start3A_751 = arith.constant 0 : i32
      %dma_start3A_752 = arith.constant 0 : i32
      %dma_start3A_753 = tpu.memref_slice %arg7[%dma_start3A_731, %dma_start3A_750, %dma_start3A_751, %dma_start3A_752] : memref<4x8x8x129xf32, #tpu.memory_space<vmem>> -> memref<1x8x8x128xf32, #tpu.memory_space<vmem>>
      %dma_start3A_754 = tpu.memref_squeeze %dma_start3A_753 : memref<1x8x8x128xf32, #tpu.memory_space<vmem>> -> memref<8x8x128xf32, #tpu.memory_space<vmem>>
      tpu.enqueue_dma source(%dma_start3A_754 : memref<8x8x128xf32, #tpu.memory_space<vmem>>) target(%dma_start3A_749 : memref<8x8x128xf32, #tpu.memory_space<hbm>>) target_semaphore(%dma_start3A_744 : memref<!tpu.dma_semaphore, #tpu.memory_space<semaphore_mem>>)
      %add3A_755 = arith.constant 2 : i32
      %add3A_756 = arith.addi %mul3A_168, %add3A_755 : i32
      %ge3A_757 = arith.constant 1 : i32
      %ge3A_758 = arith.cmpi sge, %add3A_756, %ge3A_757 : i32
      %add3A_759 = arith.constant 4 : i32
      %add3A_760 = arith.addi %add3A_756, %add3A_759 : i32
      %sub3A_761 = arith.constant 1 : i32
      %sub3A_762 = arith.subi %add3A_760, %sub3A_761 : i32
      %lt3A_763 = arith.constant 200 : i32
      %lt3A_764 = arith.cmpi slt, %sub3A_762, %lt3A_763 : i32
      %and3A_765 = arith.andi %ge3A_758, %lt3A_764 : i1
      %convert_element_type3A_766 = arith.extui %and3A_765 : i1 to i32
      %cond3A_767 = arith.constant 0 : i32
      %cond3A_768 = arith.cmpi ne, %convert_element_type3A_766, %cond3A_767 : i32
      scf.if %cond3A_768 {
        %add3A_1355 = arith.constant 4 : i32
        %add3A_1356 = arith.addi %add3A_756, %add3A_1355 : i32
        %sub3A_1357 = arith.constant 1 : i32
        %sub3A_1358 = arith.subi %add3A_1356, %sub3A_1357 : i32
        %dma_start3A_1359 = arith.constant 1 : i32
        %dma_start3A_1360 = arith.constant 1 : i32
        %dma_start3A_1361 = arith.constant 0 : i32
        %dma_start3A_1362 = arith.constant 0 : i32
        %dma_start3A_1363 = tpu.memref_slice %arg6[%dma_start3A_1359, %dma_start3A_1361, %dma_start3A_1362] : memref<4x128x64xf32, #tpu.memory_space<vmem>> -> memref<1x128x64xf32, #tpu.memory_space<vmem>>
        %dma_start3A_1364 = tpu.memref_squeeze %dma_start3A_1363 : memref<1x128x64xf32, #tpu.memory_space<vmem>> -> memref<128x64xf32, #tpu.memory_space<vmem>>
        %dma_start3A_1365 = arith.constant 0 : i32
        %dma_start3A_1366 = tpu.memref_slice %arg5[%sub3A_1358, %dma_start3A_1365] : memref<200x128xi32, #tpu.memory_space<vmem>> -> memref<1x128xi32, #tpu.memory_space<vmem>>
        %dma_start3A_1367 = tpu.memref_squeeze %dma_start3A_1366 : memref<1x128xi32, #tpu.memory_space<vmem>> -> memref<128xi32, #tpu.memory_space<vmem>>
        %dma_start3A_1368 = arith.constant 0 : i32
        %dma_start3A_1369 = arith.constant 0 : i32
        %dma_start3A_1370 = tpu.memref_slice %arg3[%dma_start3A_1368, %dma_start3A_1369] : memref<1000000x64xf32, #tpu.memory_space<hbm>> -> memref<1000000x64xf32, #tpu.memory_space<hbm>>
        %dma_start3A_1371 = tpu.memref_slice %arg8[%dma_start3A_1360] : memref<4x!tpu.dma_semaphore, #tpu.memory_space<semaphore_mem>> -> memref<1x!tpu.dma_semaphore, #tpu.memory_space<semaphore_mem>>
        %dma_start3A_1372 = tpu.memref_squeeze %dma_start3A_1371 : memref<1x!tpu.dma_semaphore, #tpu.memory_space<semaphore_mem>> -> memref<!tpu.dma_semaphore, #tpu.memory_space<semaphore_mem>>
        tpu.enqueue_indirect_dma source(%dma_start3A_1370 : memref<1000000x64xf32, #tpu.memory_space<hbm>>) target(%dma_start3A_1364 : memref<128x64xf32, #tpu.memory_space<vmem>>) offsets(%dma_start3A_1367 : memref<128xi32, #tpu.memory_space<vmem>>) semaphore(%dma_start3A_1372 : memref<!tpu.dma_semaphore, #tpu.memory_space<semaphore_mem>>)
      } else {
      }
      %dma_wait3A_769 = arith.constant 2 : i32
      %dma_wait3A_770 = arith.constant 2 : i32
      %dma_wait3A_771 = arith.constant 0 : i32
      %dma_wait3A_772 = arith.constant 0 : i32
      %dma_wait3A_773 = tpu.memref_slice %arg6[%dma_wait3A_769, %dma_wait3A_771, %dma_wait3A_772] : memref<4x128x64xf32, #tpu.memory_space<vmem>> -> memref<1x128x64xf32, #tpu.memory_space<vmem>>
      %dma_wait3A_774 = tpu.memref_squeeze %dma_wait3A_773 : memref<1x128x64xf32, #tpu.memory_space<vmem>> -> memref<128x64xf32, #tpu.memory_space<vmem>>
      %dma_wait3A_775 = arith.constant 0 : i32
      %dma_wait3A_776 = arith.constant 0 : i32
      %dma_wait3A_777 = tpu.memref_slice %arg3[%dma_wait3A_775, %dma_wait3A_776] : memref<1000000x64xf32, #tpu.memory_space<hbm>> -> memref<128x64xf32, #tpu.memory_space<hbm>>
      %dma_wait3A_778 = tpu.memref_slice %arg8[%dma_wait3A_770] : memref<4x!tpu.dma_semaphore, #tpu.memory_space<semaphore_mem>> -> memref<1x!tpu.dma_semaphore, #tpu.memory_space<semaphore_mem>>
      %dma_wait3A_779 = tpu.memref_squeeze %dma_wait3A_778 : memref<1x!tpu.dma_semaphore, #tpu.memory_space<semaphore_mem>> -> memref<!tpu.dma_semaphore, #tpu.memory_space<semaphore_mem>>
      %dma_wait3A_780 = arith.constant 0 : i32
      %dma_wait3A_781 = arith.constant 0 : i32
      %dma_wait3A_782 = tpu.memref_slice %arg6[%dma_wait3A_769, %dma_wait3A_780, %dma_wait3A_781] : memref<4x128x64xf32, #tpu.memory_space<vmem>> -> memref<1x128x64xf32, #tpu.memory_space<vmem>>
      %dma_wait3A_783 = tpu.memref_squeeze %dma_wait3A_782 : memref<1x128x64xf32, #tpu.memory_space<vmem>> -> memref<128x64xf32, #tpu.memory_space<vmem>>
      %dma_wait3A_784 = arith.constant 0 : i32
      %dma_wait3A_785 = arith.constant 0 : i32
      %dma_wait3A_786 = tpu.memref_slice %arg3[%dma_wait3A_784, %dma_wait3A_785] : memref<1000000x64xf32, #tpu.memory_space<hbm>> -> memref<128x64xf32, #tpu.memory_space<hbm>>
      tpu.wait_dma2 semaphore(%dma_wait3A_779 : memref<!tpu.dma_semaphore, #tpu.memory_space<semaphore_mem>>) src(%dma_wait3A_786 : memref<128x64xf32, #tpu.memory_space<hbm>>) dst(%dma_wait3A_783 : memref<128x64xf32, #tpu.memory_space<vmem>>)
      %ge3A_787 = arith.constant 4 : i32
      %ge3A_788 = arith.cmpi sge, %add3A_756, %ge3A_787 : i32
      %convert_element_type3A_789 = arith.extui %ge3A_788 : i1 to i32
      %cond3A_790 = arith.constant 0 : i32
      %cond3A_791 = arith.cmpi ne, %convert_element_type3A_789, %cond3A_790 : i32
      scf.if %cond3A_791 {
        %dma_wait3A_1355 = arith.constant 2 : i32
        %dma_wait3A_1356 = arith.constant 0 : i32
        %dma_wait3A_1357 = arith.constant 2 : i32
        %dma_wait3A_1358 = arith.constant 0 : i32
        %dma_wait3A_1359 = arith.constant 0 : i32
        %dma_wait3A_1360 = arith.constant 0 : i32
        %dma_wait3A_1361 = tpu.memref_slice %arg7[%dma_wait3A_1355, %dma_wait3A_1358, %dma_wait3A_1359, %dma_wait3A_1360] : memref<4x8x8x129xf32, #tpu.memory_space<vmem>> -> memref<1x8x8x128xf32, #tpu.memory_space<vmem>>
        %dma_wait3A_1362 = tpu.memref_squeeze %dma_wait3A_1361 : memref<1x8x8x128xf32, #tpu.memory_space<vmem>> -> memref<8x8x128xf32, #tpu.memory_space<vmem>>
        %dma_wait3A_1363 = arith.constant 0 : i32
        %dma_wait3A_1364 = arith.constant 0 : i32
        %dma_wait3A_1365 = arith.constant 0 : i32
        %dma_wait3A_1366 = tpu.memref_slice %arg4[%dma_wait3A_1356, %dma_wait3A_1363, %add3A, %dma_wait3A_1364, %dma_wait3A_1365] : memref<200x8x32x8x128xf32, #tpu.memory_space<hbm>> -> memref<1x8x1x8x128xf32, #tpu.memory_space<hbm>>
        %dma_wait3A_1367 = tpu.memref_squeeze %dma_wait3A_1366 : memref<1x8x1x8x128xf32, #tpu.memory_space<hbm>> -> memref<8x8x128xf32, #tpu.memory_space<hbm>>
        %dma_wait3A_1368 = tpu.memref_slice %arg9[%dma_wait3A_1357] : memref<4x!tpu.dma_semaphore, #tpu.memory_space<semaphore_mem>> -> memref<1x!tpu.dma_semaphore, #tpu.memory_space<semaphore_mem>>
        %dma_wait3A_1369 = tpu.memref_squeeze %dma_wait3A_1368 : memref<1x!tpu.dma_semaphore, #tpu.memory_space<semaphore_mem>> -> memref<!tpu.dma_semaphore, #tpu.memory_space<semaphore_mem>>
        %dma_wait3A_1370 = arith.constant 0 : i32
        %dma_wait3A_1371 = arith.constant 0 : i32
        %dma_wait3A_1372 = arith.constant 0 : i32
        %dma_wait3A_1373 = tpu.memref_slice %arg4[%dma_wait3A_1356, %dma_wait3A_1370, %add3A, %dma_wait3A_1371, %dma_wait3A_1372] : memref<200x8x32x8x128xf32, #tpu.memory_space<hbm>> -> memref<1x8x1x8x128xf32, #tpu.memory_space<hbm>>
        %dma_wait3A_1374 = tpu.memref_squeeze %dma_wait3A_1373 : memref<1x8x1x8x128xf32, #tpu.memory_space<hbm>> -> memref<8x8x128xf32, #tpu.memory_space<hbm>>
        %dma_wait3A_1375 = arith.constant 0 : i32
        %dma_wait3A_1376 = arith.constant 0 : i32
        %dma_wait3A_1377 = arith.constant 0 : i32
        %dma_wait3A_1378 = tpu.memref_slice %arg7[%dma_wait3A_1355, %dma_wait3A_1375, %dma_wait3A_1376, %dma_wait3A_1377] : memref<4x8x8x129xf32, #tpu.memory_space<vmem>> -> memref<1x8x8x128xf32, #tpu.memory_space<vmem>>
        %dma_wait3A_1379 = tpu.memref_squeeze %dma_wait3A_1378 : memref<1x8x8x128xf32, #tpu.memory_space<vmem>> -> memref<8x8x128xf32, #tpu.memory_space<vmem>>
        tpu.wait_dma2 semaphore(%dma_wait3A_1369 : memref<!tpu.dma_semaphore, #tpu.memory_space<semaphore_mem>>) src(%dma_wait3A_1379 : memref<8x8x128xf32, #tpu.memory_space<vmem>>) dst(%dma_wait3A_1374 : memref<8x8x128xf32, #tpu.memory_space<hbm>>)
      } else {
      }
      %add3A_792 = arith.constant 0 : i32
      %add3A_793 = vector.broadcast %add3A_792 : i32 to vector<16xi32>
      %add3A_794 = arith.addi %iota3A, %add3A_793 : vector<16xi32>
      %jit3A_795 = arith.constant 8 : i32
      %div3A_796 = vector.broadcast %jit3A_795 : i32 to vector<16xi32>
      %div3A_797 = arith.divsi %add3A_794, %div3A_796 : vector<16xi32>
      %sign3A_798 = arith.constant 0 : i32
      %sign3A_799 = vector.broadcast %sign3A_798 : i32 to vector<16xi32>
      %sign3A_800 = arith.cmpi sgt, %add3A_794, %sign3A_799 : vector<16xi32>
      %sign3A_801 = arith.extui %sign3A_800 : vector<16xi1> to vector<16xi32>
      %sign3A_802 = arith.constant 0 : i32
      %sign3A_803 = vector.broadcast %sign3A_802 : i32 to vector<16xi32>
      %sign3A_804 = arith.cmpi slt, %add3A_794, %sign3A_803 : vector<16xi32>
      %sign3A_805 = arith.extui %sign3A_804 : vector<16xi1> to vector<16xi32>
      %sign3A_806 = arith.subi %sign3A_801, %sign3A_805 : vector<16xi32>
      %sign3A_807 = arith.constant 0 : i32
      %sign3A_808 = arith.cmpi sgt, %jit3A_795, %sign3A_807 : i32
      %sign3A_809 = arith.extui %sign3A_808 : i1 to i32
      %sign3A_810 = arith.constant 0 : i32
      %sign3A_811 = arith.cmpi slt, %jit3A_795, %sign3A_810 : i32
      %sign3A_812 = arith.extui %sign3A_811 : i1 to i32
      %sign3A_813 = arith.subi %sign3A_809, %sign3A_812 : i32
      %ne3A_814 = vector.broadcast %sign3A_813 : i32 to vector<16xi32>
      %ne3A_815 = arith.cmpi ne, %sign3A_806, %ne3A_814 : vector<16xi32>
      %rem3A_816 = vector.broadcast %jit3A_795 : i32 to vector<16xi32>
      %rem3A_817 = arith.remsi %add3A_794, %rem3A_816 : vector<16xi32>
      %ne3A_818 = arith.constant 0 : i32
      %ne3A_819 = vector.broadcast %ne3A_818 : i32 to vector<16xi32>
      %ne3A_820 = arith.cmpi ne, %rem3A_817, %ne3A_819 : vector<16xi32>
      %and3A_821 = arith.andi %ne3A_815, %ne3A_820 : vector<16xi1>
      %sub3A_822 = arith.constant 1 : i32
      %sub3A_823 = vector.broadcast %sub3A_822 : i32 to vector<16xi32>
      %sub3A_824 = arith.subi %div3A_797, %sub3A_823 : vector<16xi32>
      %select_n3A_825 = arith.select %and3A_821, %sub3A_824, %div3A_797 : vector<16xi1>, vector<16xi32>
      %add3A_826 = arith.constant 0 : i32
      %add3A_827 = vector.broadcast %add3A_826 : i32 to vector<16xi32>
      %add3A_828 = arith.addi %iota3A, %add3A_827 : vector<16xi32>
      %jit3A_829 = arith.constant 8 : i32
      %eq3A_830 = arith.constant 0 : i32
      %eq3A_831 = arith.cmpi eq, %jit3A_829, %eq3A_830 : i32
      %jit3A_832 = arith.constant 1 : i32
      %select_n3A_833 = arith.select %eq3A_831, %jit3A_832, %jit3A_829 : i32
      %rem3A_834 = vector.broadcast %select_n3A_833 : i32 to vector<16xi32>
      %rem3A_835 = arith.remsi %add3A_828, %rem3A_834 : vector<16xi32>
      %ne3A_836 = arith.constant 0 : i32
      %ne3A_837 = vector.broadcast %ne3A_836 : i32 to vector<16xi32>
      %ne3A_838 = arith.cmpi ne, %rem3A_835, %ne3A_837 : vector<16xi32>
      %lt3A_839 = arith.constant 0 : i32
      %lt3A_840 = vector.broadcast %lt3A_839 : i32 to vector<16xi32>
      %lt3A_841 = arith.cmpi slt, %rem3A_835, %lt3A_840 : vector<16xi32>
      %lt3A_842 = arith.constant 0 : i32
      %lt3A_843 = arith.cmpi slt, %select_n3A_833, %lt3A_842 : i32
      %ne3A_844 = vector.broadcast %lt3A_843 : i1 to vector<16xi1>
      %ne3A_845 = vector.broadcast %ne3A_844 : vector<16xi1> to vector<16xi1>
      %ne3A_846 = arith.xori %lt3A_841, %ne3A_845 : vector<16xi1>
      %and3A_847 = arith.andi %ne3A_846, %ne3A_838 : vector<16xi1>
      %add3A_848 = vector.broadcast %select_n3A_833 : i32 to vector<16xi32>
      %add3A_849 = arith.addi %rem3A_835, %add3A_848 : vector<16xi32>
      %select_n3A_850 = arith.select %and3A_847, %add3A_849, %rem3A_835 : vector<16xi1>, vector<16xi32>
      %add3A_851 = arith.constant 16 : i32
      %add3A_852 = vector.broadcast %add3A_851 : i32 to vector<16xi32>
      %add3A_853 = arith.addi %iota3A, %add3A_852 : vector<16xi32>
      %jit3A_854 = arith.constant 8 : i32
      %div3A_855 = vector.broadcast %jit3A_854 : i32 to vector<16xi32>
      %div3A_856 = arith.divsi %add3A_853, %div3A_855 : vector<16xi32>
      %sign3A_857 = arith.constant 0 : i32
      %sign3A_858 = vector.broadcast %sign3A_857 : i32 to vector<16xi32>
      %sign3A_859 = arith.cmpi sgt, %add3A_853, %sign3A_858 : vector<16xi32>
      %sign3A_860 = arith.extui %sign3A_859 : vector<16xi1> to vector<16xi32>
      %sign3A_861 = arith.constant 0 : i32
      %sign3A_862 = vector.broadcast %sign3A_861 : i32 to vector<16xi32>
      %sign3A_863 = arith.cmpi slt, %add3A_853, %sign3A_862 : vector<16xi32>
      %sign3A_864 = arith.extui %sign3A_863 : vector<16xi1> to vector<16xi32>
      %sign3A_865 = arith.subi %sign3A_860, %sign3A_864 : vector<16xi32>
      %sign3A_866 = arith.constant 0 : i32
      %sign3A_867 = arith.cmpi sgt, %jit3A_854, %sign3A_866 : i32
      %sign3A_868 = arith.extui %sign3A_867 : i1 to i32
      %sign3A_869 = arith.constant 0 : i32
      %sign3A_870 = arith.cmpi slt, %jit3A_854, %sign3A_869 : i32
      %sign3A_871 = arith.extui %sign3A_870 : i1 to i32
      %sign3A_872 = arith.subi %sign3A_868, %sign3A_871 : i32
      %ne3A_873 = vector.broadcast %sign3A_872 : i32 to vector<16xi32>
      %ne3A_874 = arith.cmpi ne, %sign3A_865, %ne3A_873 : vector<16xi32>
      %rem3A_875 = vector.broadcast %jit3A_854 : i32 to vector<16xi32>
      %rem3A_876 = arith.remsi %add3A_853, %rem3A_875 : vector<16xi32>
      %ne3A_877 = arith.constant 0 : i32
      %ne3A_878 = vector.broadcast %ne3A_877 : i32 to vector<16xi32>
      %ne3A_879 = arith.cmpi ne, %rem3A_876, %ne3A_878 : vector<16xi32>
      %and3A_880 = arith.andi %ne3A_874, %ne3A_879 : vector<16xi1>
      %sub3A_881 = arith.constant 1 : i32
      %sub3A_882 = vector.broadcast %sub3A_881 : i32 to vector<16xi32>
      %sub3A_883 = arith.subi %div3A_856, %sub3A_882 : vector<16xi32>
      %select_n3A_884 = arith.select %and3A_880, %sub3A_883, %div3A_856 : vector<16xi1>, vector<16xi32>
      %add3A_885 = arith.constant 16 : i32
      %add3A_886 = vector.broadcast %add3A_885 : i32 to vector<16xi32>
      %add3A_887 = arith.addi %iota3A, %add3A_886 : vector<16xi32>
      %jit3A_888 = arith.constant 8 : i32
      %eq3A_889 = arith.constant 0 : i32
      %eq3A_890 = arith.cmpi eq, %jit3A_888, %eq3A_889 : i32
      %jit3A_891 = arith.constant 1 : i32
      %select_n3A_892 = arith.select %eq3A_890, %jit3A_891, %jit3A_888 : i32
      %rem3A_893 = vector.broadcast %select_n3A_892 : i32 to vector<16xi32>
      %rem3A_894 = arith.remsi %add3A_887, %rem3A_893 : vector<16xi32>
      %ne3A_895 = arith.constant 0 : i32
      %ne3A_896 = vector.broadcast %ne3A_895 : i32 to vector<16xi32>
      %ne3A_897 = arith.cmpi ne, %rem3A_894, %ne3A_896 : vector<16xi32>
      %lt3A_898 = arith.constant 0 : i32
      %lt3A_899 = vector.broadcast %lt3A_898 : i32 to vector<16xi32>
      %lt3A_900 = arith.cmpi slt, %rem3A_894, %lt3A_899 : vector<16xi32>
      %lt3A_901 = arith.constant 0 : i32
      %lt3A_902 = arith.cmpi slt, %select_n3A_892, %lt3A_901 : i32
      %ne3A_903 = vector.broadcast %lt3A_902 : i1 to vector<16xi1>
      %ne3A_904 = vector.broadcast %ne3A_903 : vector<16xi1> to vector<16xi1>
      %ne3A_905 = arith.xori %lt3A_900, %ne3A_904 : vector<16xi1>
      %and3A_906 = arith.andi %ne3A_905, %ne3A_897 : vector<16xi1>
      %add3A_907 = vector.broadcast %select_n3A_892 : i32 to vector<16xi32>
      %add3A_908 = arith.addi %rem3A_894, %add3A_907 : vector<16xi32>
      %select_n3A_909 = arith.select %and3A_906, %add3A_908, %rem3A_894 : vector<16xi1>, vector<16xi32>
      %add3A_910 = arith.constant 32 : i32
      %add3A_911 = vector.broadcast %add3A_910 : i32 to vector<16xi32>
      %add3A_912 = arith.addi %iota3A, %add3A_911 : vector<16xi32>
      %jit3A_913 = arith.constant 8 : i32
      %div3A_914 = vector.broadcast %jit3A_913 : i32 to vector<16xi32>
      %div3A_915 = arith.divsi %add3A_912, %div3A_914 : vector<16xi32>
      %sign3A_916 = arith.constant 0 : i32
      %sign3A_917 = vector.broadcast %sign3A_916 : i32 to vector<16xi32>
      %sign3A_918 = arith.cmpi sgt, %add3A_912, %sign3A_917 : vector<16xi32>
      %sign3A_919 = arith.extui %sign3A_918 : vector<16xi1> to vector<16xi32>
      %sign3A_920 = arith.constant 0 : i32
      %sign3A_921 = vector.broadcast %sign3A_920 : i32 to vector<16xi32>
      %sign3A_922 = arith.cmpi slt, %add3A_912, %sign3A_921 : vector<16xi32>
      %sign3A_923 = arith.extui %sign3A_922 : vector<16xi1> to vector<16xi32>
      %sign3A_924 = arith.subi %sign3A_919, %sign3A_923 : vector<16xi32>
      %sign3A_925 = arith.constant 0 : i32
      %sign3A_926 = arith.cmpi sgt, %jit3A_913, %sign3A_925 : i32
      %sign3A_927 = arith.extui %sign3A_926 : i1 to i32
      %sign3A_928 = arith.constant 0 : i32
      %sign3A_929 = arith.cmpi slt, %jit3A_913, %sign3A_928 : i32
      %sign3A_930 = arith.extui %sign3A_929 : i1 to i32
      %sign3A_931 = arith.subi %sign3A_927, %sign3A_930 : i32
      %ne3A_932 = vector.broadcast %sign3A_931 : i32 to vector<16xi32>
      %ne3A_933 = arith.cmpi ne, %sign3A_924, %ne3A_932 : vector<16xi32>
      %rem3A_934 = vector.broadcast %jit3A_913 : i32 to vector<16xi32>
      %rem3A_935 = arith.remsi %add3A_912, %rem3A_934 : vector<16xi32>
      %ne3A_936 = arith.constant 0 : i32
      %ne3A_937 = vector.broadcast %ne3A_936 : i32 to vector<16xi32>
      %ne3A_938 = arith.cmpi ne, %rem3A_935, %ne3A_937 : vector<16xi32>
      %and3A_939 = arith.andi %ne3A_933, %ne3A_938 : vector<16xi1>
      %sub3A_940 = arith.constant 1 : i32
      %sub3A_941 = vector.broadcast %sub3A_940 : i32 to vector<16xi32>
      %sub3A_942 = arith.subi %div3A_915, %sub3A_941 : vector<16xi32>
      %select_n3A_943 = arith.select %and3A_939, %sub3A_942, %div3A_915 : vector<16xi1>, vector<16xi32>
      %add3A_944 = arith.constant 32 : i32
      %add3A_945 = vector.broadcast %add3A_944 : i32 to vector<16xi32>
      %add3A_946 = arith.addi %iota3A, %add3A_945 : vector<16xi32>
      %jit3A_947 = arith.constant 8 : i32
      %eq3A_948 = arith.constant 0 : i32
      %eq3A_949 = arith.cmpi eq, %jit3A_947, %eq3A_948 : i32
      %jit3A_950 = arith.constant 1 : i32
      %select_n3A_951 = arith.select %eq3A_949, %jit3A_950, %jit3A_947 : i32
      %rem3A_952 = vector.broadcast %select_n3A_951 : i32 to vector<16xi32>
      %rem3A_953 = arith.remsi %add3A_946, %rem3A_952 : vector<16xi32>
      %ne3A_954 = arith.constant 0 : i32
      %ne3A_955 = vector.broadcast %ne3A_954 : i32 to vector<16xi32>
      %ne3A_956 = arith.cmpi ne, %rem3A_953, %ne3A_955 : vector<16xi32>
      %lt3A_957 = arith.constant 0 : i32
      %lt3A_958 = vector.broadcast %lt3A_957 : i32 to vector<16xi32>
      %lt3A_959 = arith.cmpi slt, %rem3A_953, %lt3A_958 : vector<16xi32>
      %lt3A_960 = arith.constant 0 : i32
      %lt3A_961 = arith.cmpi slt, %select_n3A_951, %lt3A_960 : i32
      %ne3A_962 = vector.broadcast %lt3A_961 : i1 to vector<16xi1>
      %ne3A_963 = vector.broadcast %ne3A_962 : vector<16xi1> to vector<16xi1>
      %ne3A_964 = arith.xori %lt3A_959, %ne3A_963 : vector<16xi1>
      %and3A_965 = arith.andi %ne3A_964, %ne3A_956 : vector<16xi1>
      %add3A_966 = vector.broadcast %select_n3A_951 : i32 to vector<16xi32>
      %add3A_967 = arith.addi %rem3A_953, %add3A_966 : vector<16xi32>
      %select_n3A_968 = arith.select %and3A_965, %add3A_967, %rem3A_953 : vector<16xi1>, vector<16xi32>
      %add3A_969 = arith.constant 48 : i32
      %add3A_970 = vector.broadcast %add3A_969 : i32 to vector<16xi32>
      %add3A_971 = arith.addi %iota3A, %add3A_970 : vector<16xi32>
      %jit3A_972 = arith.constant 8 : i32
      %div3A_973 = vector.broadcast %jit3A_972 : i32 to vector<16xi32>
      %div3A_974 = arith.divsi %add3A_971, %div3A_973 : vector<16xi32>
      %sign3A_975 = arith.constant 0 : i32
      %sign3A_976 = vector.broadcast %sign3A_975 : i32 to vector<16xi32>
      %sign3A_977 = arith.cmpi sgt, %add3A_971, %sign3A_976 : vector<16xi32>
      %sign3A_978 = arith.extui %sign3A_977 : vector<16xi1> to vector<16xi32>
      %sign3A_979 = arith.constant 0 : i32
      %sign3A_980 = vector.broadcast %sign3A_979 : i32 to vector<16xi32>
      %sign3A_981 = arith.cmpi slt, %add3A_971, %sign3A_980 : vector<16xi32>
      %sign3A_982 = arith.extui %sign3A_981 : vector<16xi1> to vector<16xi32>
      %sign3A_983 = arith.subi %sign3A_978, %sign3A_982 : vector<16xi32>
      %sign3A_984 = arith.constant 0 : i32
      %sign3A_985 = arith.cmpi sgt, %jit3A_972, %sign3A_984 : i32
      %sign3A_986 = arith.extui %sign3A_985 : i1 to i32
      %sign3A_987 = arith.constant 0 : i32
      %sign3A_988 = arith.cmpi slt, %jit3A_972, %sign3A_987 : i32
      %sign3A_989 = arith.extui %sign3A_988 : i1 to i32
      %sign3A_990 = arith.subi %sign3A_986, %sign3A_989 : i32
      %ne3A_991 = vector.broadcast %sign3A_990 : i32 to vector<16xi32>
      %ne3A_992 = arith.cmpi ne, %sign3A_983, %ne3A_991 : vector<16xi32>
      %rem3A_993 = vector.broadcast %jit3A_972 : i32 to vector<16xi32>
      %rem3A_994 = arith.remsi %add3A_971, %rem3A_993 : vector<16xi32>
      %ne3A_995 = arith.constant 0 : i32
      %ne3A_996 = vector.broadcast %ne3A_995 : i32 to vector<16xi32>
      %ne3A_997 = arith.cmpi ne, %rem3A_994, %ne3A_996 : vector<16xi32>
      %and3A_998 = arith.andi %ne3A_992, %ne3A_997 : vector<16xi1>
      %sub3A_999 = arith.constant 1 : i32
      %sub3A_1000 = vector.broadcast %sub3A_999 : i32 to vector<16xi32>
      %sub3A_1001 = arith.subi %div3A_974, %sub3A_1000 : vector<16xi32>
      %select_n3A_1002 = arith.select %and3A_998, %sub3A_1001, %div3A_974 : vector<16xi1>, vector<16xi32>
      %add3A_1003 = arith.constant 48 : i32
      %add3A_1004 = vector.broadcast %add3A_1003 : i32 to vector<16xi32>
      %add3A_1005 = arith.addi %iota3A, %add3A_1004 : vector<16xi32>
      %jit3A_1006 = arith.constant 8 : i32
      %eq3A_1007 = arith.constant 0 : i32
      %eq3A_1008 = arith.cmpi eq, %jit3A_1006, %eq3A_1007 : i32
      %jit3A_1009 = arith.constant 1 : i32
      %select_n3A_1010 = arith.select %eq3A_1008, %jit3A_1009, %jit3A_1006 : i32
      %rem3A_1011 = vector.broadcast %select_n3A_1010 : i32 to vector<16xi32>
      %rem3A_1012 = arith.remsi %add3A_1005, %rem3A_1011 : vector<16xi32>
      %ne3A_1013 = arith.constant 0 : i32
      %ne3A_1014 = vector.broadcast %ne3A_1013 : i32 to vector<16xi32>
      %ne3A_1015 = arith.cmpi ne, %rem3A_1012, %ne3A_1014 : vector<16xi32>
      %lt3A_1016 = arith.constant 0 : i32
      %lt3A_1017 = vector.broadcast %lt3A_1016 : i32 to vector<16xi32>
      %lt3A_1018 = arith.cmpi slt, %rem3A_1012, %lt3A_1017 : vector<16xi32>
      %lt3A_1019 = arith.constant 0 : i32
      %lt3A_1020 = arith.cmpi slt, %select_n3A_1010, %lt3A_1019 : i32
      %ne3A_1021 = vector.broadcast %lt3A_1020 : i1 to vector<16xi1>
      %ne3A_1022 = vector.broadcast %ne3A_1021 : vector<16xi1> to vector<16xi1>
      %ne3A_1023 = arith.xori %lt3A_1018, %ne3A_1022 : vector<16xi1>
      %and3A_1024 = arith.andi %ne3A_1023, %ne3A_1015 : vector<16xi1>
      %add3A_1025 = vector.broadcast %select_n3A_1010 : i32 to vector<16xi32>
      %add3A_1026 = arith.addi %rem3A_1012, %add3A_1025 : vector<16xi32>
      %select_n3A_1027 = arith.select %and3A_1024, %add3A_1026, %rem3A_1012 : vector<16xi1>, vector<16xi32>
      %parallel_loop3A_1028 = arith.constant 0 : i32
      %parallel_loop3A_1029 = arith.constant 128 : i32
      %parallel_loop3A_1030 = arith.constant 1 : i32
      scf.for %parallel_loop3A_1355 = %parallel_loop3A_1028 to %parallel_loop3A_1029 step %parallel_loop3A_1030  : i32 {
        %parallel_loop3A_1356 = arith.constant 0 : i32
        %parallel_loop3A_1357 = vector.broadcast %parallel_loop3A_1356 : i32 to vector<16xi32>
        %parallel_loop3A_1358 = arith.muli %iota3A, %parallel_loop3A_1357 : vector<16xi32>
        %parallel_loop3A_1359 = vector.broadcast %parallel_loop3A_1355 : i32 to vector<16xi32>
        %parallel_loop3A_1360 = arith.addi %parallel_loop3A_1358, %parallel_loop3A_1359 : vector<16xi32>
        %parallel_loop3A_1361 = arith.constant 2 : i32
        %parallel_loop3A_1362 = arith.index_cast %parallel_loop3A_1361 : i32 to index
        %parallel_loop3A_1363 = arith.index_cast %parallel_loop3A_1355 : i32 to index
        %parallel_loop3A_1364 = arith.constant 0 : index
        %parallel_loop3A_1365 = tpu.vector_load %arg6[%parallel_loop3A_1362, %parallel_loop3A_1363, %parallel_loop3A_1364] {strides = array<i32>} : memref<4x128x64xf32, #tpu.memory_space<vmem>>, vector<16xf32>,
        %parallel_loop3A_1366 = arith.constant 8.000000e+00 : f32
        %parallel_loop3A_1367 = vector.broadcast %parallel_loop3A_1366 : f32 to vector<16xf32>
        %parallel_loop3A_1368 = arith.mulf %parallel_loop3A_1365, %parallel_loop3A_1367 : vector<16xf32>
        %parallel_loop3A_1369 = arith.constant 2 : i32
        %parallel_loop3A_1370 = arith.constant 0 : i32
        %parallel_loop3A_1371 = arith.constant 0 : i32
        %parallel_loop3A_1372 = arith.constant 0 : i32
        %parallel_loop3A_1373 = tpu.memref_slice %arg7[%parallel_loop3A_1369, %parallel_loop3A_1370, %parallel_loop3A_1371, %parallel_loop3A_1372] : memref<4x8x8x129xf32, #tpu.memory_space<vmem>> -> memref<1x8x8x129xf32, #tpu.memory_space<vmem>>
        %parallel_loop3A_1374 = tpu.memref_squeeze %parallel_loop3A_1373 : memref<1x8x8x129xf32, #tpu.memory_space<vmem>> -> memref<8x8x129xf32, #tpu.memory_space<vmem>>
        tpu.vector_store_idx %parallel_loop3A_1374[%select_n3A_825, %select_n3A_850, %parallel_loop3A_1360], %parallel_loop3A_1368 : memref<8x8x129xf32, #tpu.memory_space<vmem>>[vector<16xi32>, vector<16xi32>, vector<16xi32>], vector<16xf32>,
        %parallel_loop3A_1375 = arith.constant 2 : i32
        %parallel_loop3A_1376 = arith.index_cast %parallel_loop3A_1375 : i32 to index
        %parallel_loop3A_1377 = arith.index_cast %parallel_loop3A_1355 : i32 to index
        %parallel_loop3A_1378 = arith.constant 16 : index
        %parallel_loop3A_1379 = tpu.vector_load %arg6[%parallel_loop3A_1376, %parallel_loop3A_1377, %parallel_loop3A_1378] {strides = array<i32>} : memref<4x128x64xf32, #tpu.memory_space<vmem>>, vector<16xf32>,
        %parallel_loop3A_1380 = arith.constant 8.000000e+00 : f32
        %parallel_loop3A_1381 = vector.broadcast %parallel_loop3A_1380 : f32 to vector<16xf32>
        %parallel_loop3A_1382 = arith.mulf %parallel_loop3A_1379, %parallel_loop3A_1381 : vector<16xf32>
        %parallel_loop3A_1383 = arith.constant 2 : i32
        %parallel_loop3A_1384 = arith.constant 0 : i32
        %parallel_loop3A_1385 = arith.constant 0 : i32
        %parallel_loop3A_1386 = arith.constant 0 : i32
        %parallel_loop3A_1387 = tpu.memref_slice %arg7[%parallel_loop3A_1383, %parallel_loop3A_1384, %parallel_loop3A_1385, %parallel_loop3A_1386] : memref<4x8x8x129xf32, #tpu.memory_space<vmem>> -> memref<1x8x8x129xf32, #tpu.memory_space<vmem>>
        %parallel_loop3A_1388 = tpu.memref_squeeze %parallel_loop3A_1387 : memref<1x8x8x129xf32, #tpu.memory_space<vmem>> -> memref<8x8x129xf32, #tpu.memory_space<vmem>>
        tpu.vector_store_idx %parallel_loop3A_1388[%select_n3A_884, %select_n3A_909, %parallel_loop3A_1360], %parallel_loop3A_1382 : memref<8x8x129xf32, #tpu.memory_space<vmem>>[vector<16xi32>, vector<16xi32>, vector<16xi32>], vector<16xf32>,
        %parallel_loop3A_1389 = arith.constant 2 : i32
        %parallel_loop3A_1390 = arith.index_cast %parallel_loop3A_1389 : i32 to index
        %parallel_loop3A_1391 = arith.index_cast %parallel_loop3A_1355 : i32 to index
        %parallel_loop3A_1392 = arith.constant 32 : index
        %parallel_loop3A_1393 = tpu.vector_load %arg6[%parallel_loop3A_1390, %parallel_loop3A_1391, %parallel_loop3A_1392] {strides = array<i32>} : memref<4x128x64xf32, #tpu.memory_space<vmem>>, vector<16xf32>,
        %parallel_loop3A_1394 = arith.constant 8.000000e+00 : f32
        %parallel_loop3A_1395 = vector.broadcast %parallel_loop3A_1394 : f32 to vector<16xf32>
        %parallel_loop3A_1396 = arith.mulf %parallel_loop3A_1393, %parallel_loop3A_1395 : vector<16xf32>
        %parallel_loop3A_1397 = arith.constant 2 : i32
        %parallel_loop3A_1398 = arith.constant 0 : i32
        %parallel_loop3A_1399 = arith.constant 0 : i32
        %parallel_loop3A_1400 = arith.constant 0 : i32
        %parallel_loop3A_1401 = tpu.memref_slice %arg7[%parallel_loop3A_1397, %parallel_loop3A_1398, %parallel_loop3A_1399, %parallel_loop3A_1400] : memref<4x8x8x129xf32, #tpu.memory_space<vmem>> -> memref<1x8x8x129xf32, #tpu.memory_space<vmem>>
        %parallel_loop3A_1402 = tpu.memref_squeeze %parallel_loop3A_1401 : memref<1x8x8x129xf32, #tpu.memory_space<vmem>> -> memref<8x8x129xf32, #tpu.memory_space<vmem>>
        tpu.vector_store_idx %parallel_loop3A_1402[%select_n3A_943, %select_n3A_968, %parallel_loop3A_1360], %parallel_loop3A_1396 : memref<8x8x129xf32, #tpu.memory_space<vmem>>[vector<16xi32>, vector<16xi32>, vector<16xi32>], vector<16xf32>,
        %parallel_loop3A_1403 = arith.constant 2 : i32
        %parallel_loop3A_1404 = arith.index_cast %parallel_loop3A_1403 : i32 to index
        %parallel_loop3A_1405 = arith.index_cast %parallel_loop3A_1355 : i32 to index
        %parallel_loop3A_1406 = arith.constant 48 : index
        %parallel_loop3A_1407 = tpu.vector_load %arg6[%parallel_loop3A_1404, %parallel_loop3A_1405, %parallel_loop3A_1406] {strides = array<i32>} : memref<4x128x64xf32, #tpu.memory_space<vmem>>, vector<16xf32>,
        %parallel_loop3A_1408 = arith.constant 8.000000e+00 : f32
        %parallel_loop3A_1409 = vector.broadcast %parallel_loop3A_1408 : f32 to vector<16xf32>
        %parallel_loop3A_1410 = arith.mulf %parallel_loop3A_1407, %parallel_loop3A_1409 : vector<16xf32>
        %parallel_loop3A_1411 = arith.constant 2 : i32
        %parallel_loop3A_1412 = arith.constant 0 : i32
        %parallel_loop3A_1413 = arith.constant 0 : i32
        %parallel_loop3A_1414 = arith.constant 0 : i32
        %parallel_loop3A_1415 = tpu.memref_slice %arg7[%parallel_loop3A_1411, %parallel_loop3A_1412, %parallel_loop3A_1413, %parallel_loop3A_1414] : memref<4x8x8x129xf32, #tpu.memory_space<vmem>> -> memref<1x8x8x129xf32, #tpu.memory_space<vmem>>
        %parallel_loop3A_1416 = tpu.memref_squeeze %parallel_loop3A_1415 : memref<1x8x8x129xf32, #tpu.memory_space<vmem>> -> memref<8x8x129xf32, #tpu.memory_space<vmem>>
        tpu.vector_store_idx %parallel_loop3A_1416[%select_n3A_1002, %select_n3A_1027, %parallel_loop3A_1360], %parallel_loop3A_1410 : memref<8x8x129xf32, #tpu.memory_space<vmem>>[vector<16xi32>, vector<16xi32>, vector<16xi32>], vector<16xf32>,
      } {sc.loop_unroll_factor = 4 : i64, sc.parallel_access}
      %dma_start3A_1031 = arith.constant 2 : i32
      %dma_start3A_1032 = arith.constant 2 : i32
      %dma_start3A_1033 = arith.constant 0 : i32
      %dma_start3A_1034 = arith.constant 0 : i32
      %dma_start3A_1035 = arith.constant 0 : i32
      %dma_start3A_1036 = tpu.memref_slice %arg7[%dma_start3A_1031, %dma_start3A_1033, %dma_start3A_1034, %dma_start3A_1035] : memref<4x8x8x129xf32, #tpu.memory_space<vmem>> -> memref<1x8x8x128xf32, #tpu.memory_space<vmem>>
      %dma_start3A_1037 = tpu.memref_squeeze %dma_start3A_1036 : memref<1x8x8x128xf32, #tpu.memory_space<vmem>> -> memref<8x8x128xf32, #tpu.memory_space<vmem>>
      %dma_start3A_1038 = arith.constant 0 : i32
      %dma_start3A_1039 = arith.constant 0 : i32
      %dma_start3A_1040 = arith.constant 0 : i32
      %dma_start3A_1041 = tpu.memref_slice %arg4[%add3A_756, %dma_start3A_1038, %add3A, %dma_start3A_1039, %dma_start3A_1040] : memref<200x8x32x8x128xf32, #tpu.memory_space<hbm>> -> memref<1x8x1x8x128xf32, #tpu.memory_space<hbm>>
      %dma_start3A_1042 = tpu.memref_squeeze %dma_start3A_1041 : memref<1x8x1x8x128xf32, #tpu.memory_space<hbm>> -> memref<8x8x128xf32, #tpu.memory_space<hbm>>
      %dma_start3A_1043 = tpu.memref_slice %arg9[%dma_start3A_1032] : memref<4x!tpu.dma_semaphore, #tpu.memory_space<semaphore_mem>> -> memref<1x!tpu.dma_semaphore, #tpu.memory_space<semaphore_mem>>
      %dma_start3A_1044 = tpu.memref_squeeze %dma_start3A_1043 : memref<1x!tpu.dma_semaphore, #tpu.memory_space<semaphore_mem>> -> memref<!tpu.dma_semaphore, #tpu.memory_space<semaphore_mem>>
      %dma_start3A_1045 = arith.constant 0 : i32
      %dma_start3A_1046 = arith.constant 0 : i32
      %dma_start3A_1047 = arith.constant 0 : i32
      %dma_start3A_1048 = tpu.memref_slice %arg4[%add3A_756, %dma_start3A_1045, %add3A, %dma_start3A_1046, %dma_start3A_1047] : memref<200x8x32x8x128xf32, #tpu.memory_space<hbm>> -> memref<1x8x1x8x128xf32, #tpu.memory_space<hbm>>
      %dma_start3A_1049 = tpu.memref_squeeze %dma_start3A_1048 : memref<1x8x1x8x128xf32, #tpu.memory_space<hbm>> -> memref<8x8x128xf32, #tpu.memory_space<hbm>>
      %dma_start3A_1050 = arith.constant 0 : i32
      %dma_start3A_1051 = arith.constant 0 : i32
      %dma_start3A_1052 = arith.constant 0 : i32
      %dma_start3A_1053 = tpu.memref_slice %arg7[%dma_start3A_1031, %dma_start3A_1050, %dma_start3A_1051, %dma_start3A_1052] : memref<4x8x8x129xf32, #tpu.memory_space<vmem>> -> memref<1x8x8x128xf32, #tpu.memory_space<vmem>>
      %dma_start3A_1054 = tpu.memref_squeeze %dma_start3A_1053 : memref<1x8x8x128xf32, #tpu.memory_space<vmem>> -> memref<8x8x128xf32, #tpu.memory_space<vmem>>
      tpu.enqueue_dma source(%dma_start3A_1054 : memref<8x8x128xf32, #tpu.memory_space<vmem>>) target(%dma_start3A_1049 : memref<8x8x128xf32, #tpu.memory_space<hbm>>) target_semaphore(%dma_start3A_1044 : memref<!tpu.dma_semaphore, #tpu.memory_space<semaphore_mem>>)
      %add3A_1055 = arith.constant 3 : i32
      %add3A_1056 = arith.addi %mul3A_168, %add3A_1055 : i32
      %ge3A_1057 = arith.constant 1 : i32
      %ge3A_1058 = arith.cmpi sge, %add3A_1056, %ge3A_1057 : i32
      %add3A_1059 = arith.constant 4 : i32
      %add3A_1060 = arith.addi %add3A_1056, %add3A_1059 : i32
      %sub3A_1061 = arith.constant 1 : i32
      %sub3A_1062 = arith.subi %add3A_1060, %sub3A_1061 : i32
      %lt3A_1063 = arith.constant 200 : i32
      %lt3A_1064 = arith.cmpi slt, %sub3A_1062, %lt3A_1063 : i32
      %and3A_1065 = arith.andi %ge3A_1058, %lt3A_1064 : i1
      %convert_element_type3A_1066 = arith.extui %and3A_1065 : i1 to i32
      %cond3A_1067 = arith.constant 0 : i32
      %cond3A_1068 = arith.cmpi ne, %convert_element_type3A_1066, %cond3A_1067 : i32
      scf.if %cond3A_1068 {
        %add3A_1355 = arith.constant 4 : i32
        %add3A_1356 = arith.addi %add3A_1056, %add3A_1355 : i32
        %sub3A_1357 = arith.constant 1 : i32
        %sub3A_1358 = arith.subi %add3A_1356, %sub3A_1357 : i32
        %dma_start3A_1359 = arith.constant 2 : i32
        %dma_start3A_1360 = arith.constant 2 : i32
        %dma_start3A_1361 = arith.constant 0 : i32
        %dma_start3A_1362 = arith.constant 0 : i32
        %dma_start3A_1363 = tpu.memref_slice %arg6[%dma_start3A_1359, %dma_start3A_1361, %dma_start3A_1362] : memref<4x128x64xf32, #tpu.memory_space<vmem>> -> memref<1x128x64xf32, #tpu.memory_space<vmem>>
        %dma_start3A_1364 = tpu.memref_squeeze %dma_start3A_1363 : memref<1x128x64xf32, #tpu.memory_space<vmem>> -> memref<128x64xf32, #tpu.memory_space<vmem>>
        %dma_start3A_1365 = arith.constant 0 : i32
        %dma_start3A_1366 = tpu.memref_slice %arg5[%sub3A_1358, %dma_start3A_1365] : memref<200x128xi32, #tpu.memory_space<vmem>> -> memref<1x128xi32, #tpu.memory_space<vmem>>
        %dma_start3A_1367 = tpu.memref_squeeze %dma_start3A_1366 : memref<1x128xi32, #tpu.memory_space<vmem>> -> memref<128xi32, #tpu.memory_space<vmem>>
        %dma_start3A_1368 = arith.constant 0 : i32
        %dma_start3A_1369 = arith.constant 0 : i32
        %dma_start3A_1370 = tpu.memref_slice %arg3[%dma_start3A_1368, %dma_start3A_1369] : memref<1000000x64xf32, #tpu.memory_space<hbm>> -> memref<1000000x64xf32, #tpu.memory_space<hbm>>
        %dma_start3A_1371 = tpu.memref_slice %arg8[%dma_start3A_1360] : memref<4x!tpu.dma_semaphore, #tpu.memory_space<semaphore_mem>> -> memref<1x!tpu.dma_semaphore, #tpu.memory_space<semaphore_mem>>
        %dma_start3A_1372 = tpu.memref_squeeze %dma_start3A_1371 : memref<1x!tpu.dma_semaphore, #tpu.memory_space<semaphore_mem>> -> memref<!tpu.dma_semaphore, #tpu.memory_space<semaphore_mem>>
        tpu.enqueue_indirect_dma source(%dma_start3A_1370 : memref<1000000x64xf32, #tpu.memory_space<hbm>>) target(%dma_start3A_1364 : memref<128x64xf32, #tpu.memory_space<vmem>>) offsets(%dma_start3A_1367 : memref<128xi32, #tpu.memory_space<vmem>>) semaphore(%dma_start3A_1372 : memref<!tpu.dma_semaphore, #tpu.memory_space<semaphore_mem>>)
      } else {
      }
      %dma_wait3A_1069 = arith.constant 3 : i32
      %dma_wait3A_1070 = arith.constant 3 : i32
      %dma_wait3A_1071 = arith.constant 0 : i32
      %dma_wait3A_1072 = arith.constant 0 : i32
      %dma_wait3A_1073 = tpu.memref_slice %arg6[%dma_wait3A_1069, %dma_wait3A_1071, %dma_wait3A_1072] : memref<4x128x64xf32, #tpu.memory_space<vmem>> -> memref<1x128x64xf32, #tpu.memory_space<vmem>>
      %dma_wait3A_1074 = tpu.memref_squeeze %dma_wait3A_1073 : memref<1x128x64xf32, #tpu.memory_space<vmem>> -> memref<128x64xf32, #tpu.memory_space<vmem>>
      %dma_wait3A_1075 = arith.constant 0 : i32
      %dma_wait3A_1076 = arith.constant 0 : i32
      %dma_wait3A_1077 = tpu.memref_slice %arg3[%dma_wait3A_1075, %dma_wait3A_1076] : memref<1000000x64xf32, #tpu.memory_space<hbm>> -> memref<128x64xf32, #tpu.memory_space<hbm>>
      %dma_wait3A_1078 = tpu.memref_slice %arg8[%dma_wait3A_1070] : memref<4x!tpu.dma_semaphore, #tpu.memory_space<semaphore_mem>> -> memref<1x!tpu.dma_semaphore, #tpu.memory_space<semaphore_mem>>
      %dma_wait3A_1079 = tpu.memref_squeeze %dma_wait3A_1078 : memref<1x!tpu.dma_semaphore, #tpu.memory_space<semaphore_mem>> -> memref<!tpu.dma_semaphore, #tpu.memory_space<semaphore_mem>>
      %dma_wait3A_1080 = arith.constant 0 : i32
      %dma_wait3A_1081 = arith.constant 0 : i32
      %dma_wait3A_1082 = tpu.memref_slice %arg6[%dma_wait3A_1069, %dma_wait3A_1080, %dma_wait3A_1081] : memref<4x128x64xf32, #tpu.memory_space<vmem>> -> memref<1x128x64xf32, #tpu.memory_space<vmem>>
      %dma_wait3A_1083 = tpu.memref_squeeze %dma_wait3A_1082 : memref<1x128x64xf32, #tpu.memory_space<vmem>> -> memref<128x64xf32, #tpu.memory_space<vmem>>
      %dma_wait3A_1084 = arith.constant 0 : i32
      %dma_wait3A_1085 = arith.constant 0 : i32
      %dma_wait3A_1086 = tpu.memref_slice %arg3[%dma_wait3A_1084, %dma_wait3A_1085] : memref<1000000x64xf32, #tpu.memory_space<hbm>> -> memref<128x64xf32, #tpu.memory_space<hbm>>
      tpu.wait_dma2 semaphore(%dma_wait3A_1079 : memref<!tpu.dma_semaphore, #tpu.memory_space<semaphore_mem>>) src(%dma_wait3A_1086 : memref<128x64xf32, #tpu.memory_space<hbm>>) dst(%dma_wait3A_1083 : memref<128x64xf32, #tpu.memory_space<vmem>>)
      %ge3A_1087 = arith.constant 4 : i32
      %ge3A_1088 = arith.cmpi sge, %add3A_1056, %ge3A_1087 : i32
      %convert_element_type3A_1089 = arith.extui %ge3A_1088 : i1 to i32
      %cond3A_1090 = arith.constant 0 : i32
      %cond3A_1091 = arith.cmpi ne, %convert_element_type3A_1089, %cond3A_1090 : i32
      scf.if %cond3A_1091 {
        %dma_wait3A_1355 = arith.constant 3 : i32
        %dma_wait3A_1356 = arith.constant 0 : i32
        %dma_wait3A_1357 = arith.constant 3 : i32
        %dma_wait3A_1358 = arith.constant 0 : i32
        %dma_wait3A_1359 = arith.constant 0 : i32
        %dma_wait3A_1360 = arith.constant 0 : i32
        %dma_wait3A_1361 = tpu.memref_slice %arg7[%dma_wait3A_1355, %dma_wait3A_1358, %dma_wait3A_1359, %dma_wait3A_1360] : memref<4x8x8x129xf32, #tpu.memory_space<vmem>> -> memref<1x8x8x128xf32, #tpu.memory_space<vmem>>
        %dma_wait3A_1362 = tpu.memref_squeeze %dma_wait3A_1361 : memref<1x8x8x128xf32, #tpu.memory_space<vmem>> -> memref<8x8x128xf32, #tpu.memory_space<vmem>>
        %dma_wait3A_1363 = arith.constant 0 : i32
        %dma_wait3A_1364 = arith.constant 0 : i32
        %dma_wait3A_1365 = arith.constant 0 : i32
        %dma_wait3A_1366 = tpu.memref_slice %arg4[%dma_wait3A_1356, %dma_wait3A_1363, %add3A, %dma_wait3A_1364, %dma_wait3A_1365] : memref<200x8x32x8x128xf32, #tpu.memory_space<hbm>> -> memref<1x8x1x8x128xf32, #tpu.memory_space<hbm>>
        %dma_wait3A_1367 = tpu.memref_squeeze %dma_wait3A_1366 : memref<1x8x1x8x128xf32, #tpu.memory_space<hbm>> -> memref<8x8x128xf32, #tpu.memory_space<hbm>>
        %dma_wait3A_1368 = tpu.memref_slice %arg9[%dma_wait3A_1357] : memref<4x!tpu.dma_semaphore, #tpu.memory_space<semaphore_mem>> -> memref<1x!tpu.dma_semaphore, #tpu.memory_space<semaphore_mem>>
        %dma_wait3A_1369 = tpu.memref_squeeze %dma_wait3A_1368 : memref<1x!tpu.dma_semaphore, #tpu.memory_space<semaphore_mem>> -> memref<!tpu.dma_semaphore, #tpu.memory_space<semaphore_mem>>
        %dma_wait3A_1370 = arith.constant 0 : i32
        %dma_wait3A_1371 = arith.constant 0 : i32
        %dma_wait3A_1372 = arith.constant 0 : i32
        %dma_wait3A_1373 = tpu.memref_slice %arg4[%dma_wait3A_1356, %dma_wait3A_1370, %add3A, %dma_wait3A_1371, %dma_wait3A_1372] : memref<200x8x32x8x128xf32, #tpu.memory_space<hbm>> -> memref<1x8x1x8x128xf32, #tpu.memory_space<hbm>>
        %dma_wait3A_1374 = tpu.memref_squeeze %dma_wait3A_1373 : memref<1x8x1x8x128xf32, #tpu.memory_space<hbm>> -> memref<8x8x128xf32, #tpu.memory_space<hbm>>
        %dma_wait3A_1375 = arith.constant 0 : i32
        %dma_wait3A_1376 = arith.constant 0 : i32
        %dma_wait3A_1377 = arith.constant 0 : i32
        %dma_wait3A_1378 = tpu.memref_slice %arg7[%dma_wait3A_1355, %dma_wait3A_1375, %dma_wait3A_1376, %dma_wait3A_1377] : memref<4x8x8x129xf32, #tpu.memory_space<vmem>> -> memref<1x8x8x128xf32, #tpu.memory_space<vmem>>
        %dma_wait3A_1379 = tpu.memref_squeeze %dma_wait3A_1378 : memref<1x8x8x128xf32, #tpu.memory_space<vmem>> -> memref<8x8x128xf32, #tpu.memory_space<vmem>>
        tpu.wait_dma2 semaphore(%dma_wait3A_1369 : memref<!tpu.dma_semaphore, #tpu.memory_space<semaphore_mem>>) src(%dma_wait3A_1379 : memref<8x8x128xf32, #tpu.memory_space<vmem>>) dst(%dma_wait3A_1374 : memref<8x8x128xf32, #tpu.memory_space<hbm>>)
      } else {
      }
      %add3A_1092 = arith.constant 0 : i32
      %add3A_1093 = vector.broadcast %add3A_1092 : i32 to vector<16xi32>
      %add3A_1094 = arith.addi %iota3A, %add3A_1093 : vector<16xi32>
      %jit3A_1095 = arith.constant 8 : i32
      %div3A_1096 = vector.broadcast %jit3A_1095 : i32 to vector<16xi32>
      %div3A_1097 = arith.divsi %add3A_1094, %div3A_1096 : vector<16xi32>
      %sign3A_1098 = arith.constant 0 : i32
      %sign3A_1099 = vector.broadcast %sign3A_1098 : i32 to vector<16xi32>
      %sign3A_1100 = arith.cmpi sgt, %add3A_1094, %sign3A_1099 : vector<16xi32>
      %sign3A_1101 = arith.extui %sign3A_1100 : vector<16xi1> to vector<16xi32>
      %sign3A_1102 = arith.constant 0 : i32
      %sign3A_1103 = vector.broadcast %sign3A_1102 : i32 to vector<16xi32>
      %sign3A_1104 = arith.cmpi slt, %add3A_1094, %sign3A_1103 : vector<16xi32>
      %sign3A_1105 = arith.extui %sign3A_1104 : vector<16xi1> to vector<16xi32>
      %sign3A_1106 = arith.subi %sign3A_1101, %sign3A_1105 : vector<16xi32>
      %sign3A_1107 = arith.constant 0 : i32
      %sign3A_1108 = arith.cmpi sgt, %jit3A_1095, %sign3A_1107 : i32
      %sign3A_1109 = arith.extui %sign3A_1108 : i1 to i32
      %sign3A_1110 = arith.constant 0 : i32
      %sign3A_1111 = arith.cmpi slt, %jit3A_1095, %sign3A_1110 : i32
      %sign3A_1112 = arith.extui %sign3A_1111 : i1 to i32
      %sign3A_1113 = arith.subi %sign3A_1109, %sign3A_1112 : i32
      %ne3A_1114 = vector.broadcast %sign3A_1113 : i32 to vector<16xi32>
      %ne3A_1115 = arith.cmpi ne, %sign3A_1106, %ne3A_1114 : vector<16xi32>
      %rem3A_1116 = vector.broadcast %jit3A_1095 : i32 to vector<16xi32>
      %rem3A_1117 = arith.remsi %add3A_1094, %rem3A_1116 : vector<16xi32>
      %ne3A_1118 = arith.constant 0 : i32
      %ne3A_1119 = vector.broadcast %ne3A_1118 : i32 to vector<16xi32>
      %ne3A_1120 = arith.cmpi ne, %rem3A_1117, %ne3A_1119 : vector<16xi32>
      %and3A_1121 = arith.andi %ne3A_1115, %ne3A_1120 : vector<16xi1>
      %sub3A_1122 = arith.constant 1 : i32
      %sub3A_1123 = vector.broadcast %sub3A_1122 : i32 to vector<16xi32>
      %sub3A_1124 = arith.subi %div3A_1097, %sub3A_1123 : vector<16xi32>
      %select_n3A_1125 = arith.select %and3A_1121, %sub3A_1124, %div3A_1097 : vector<16xi1>, vector<16xi32>
      %add3A_1126 = arith.constant 0 : i32
      %add3A_1127 = vector.broadcast %add3A_1126 : i32 to vector<16xi32>
      %add3A_1128 = arith.addi %iota3A, %add3A_1127 : vector<16xi32>
      %jit3A_1129 = arith.constant 8 : i32
      %eq3A_1130 = arith.constant 0 : i32
      %eq3A_1131 = arith.cmpi eq, %jit3A_1129, %eq3A_1130 : i32
      %jit3A_1132 = arith.constant 1 : i32
      %select_n3A_1133 = arith.select %eq3A_1131, %jit3A_1132, %jit3A_1129 : i32
      %rem3A_1134 = vector.broadcast %select_n3A_1133 : i32 to vector<16xi32>
      %rem3A_1135 = arith.remsi %add3A_1128, %rem3A_1134 : vector<16xi32>
      %ne3A_1136 = arith.constant 0 : i32
      %ne3A_1137 = vector.broadcast %ne3A_1136 : i32 to vector<16xi32>
      %ne3A_1138 = arith.cmpi ne, %rem3A_1135, %ne3A_1137 : vector<16xi32>
      %lt3A_1139 = arith.constant 0 : i32
      %lt3A_1140 = vector.broadcast %lt3A_1139 : i32 to vector<16xi32>
      %lt3A_1141 = arith.cmpi slt, %rem3A_1135, %lt3A_1140 : vector<16xi32>
      %lt3A_1142 = arith.constant 0 : i32
      %lt3A_1143 = arith.cmpi slt, %select_n3A_1133, %lt3A_1142 : i32
      %ne3A_1144 = vector.broadcast %lt3A_1143 : i1 to vector<16xi1>
      %ne3A_1145 = vector.broadcast %ne3A_1144 : vector<16xi1> to vector<16xi1>
      %ne3A_1146 = arith.xori %lt3A_1141, %ne3A_1145 : vector<16xi1>
      %and3A_1147 = arith.andi %ne3A_1146, %ne3A_1138 : vector<16xi1>
      %add3A_1148 = vector.broadcast %select_n3A_1133 : i32 to vector<16xi32>
      %add3A_1149 = arith.addi %rem3A_1135, %add3A_1148 : vector<16xi32>
      %select_n3A_1150 = arith.select %and3A_1147, %add3A_1149, %rem3A_1135 : vector<16xi1>, vector<16xi32>
      %add3A_1151 = arith.constant 16 : i32
      %add3A_1152 = vector.broadcast %add3A_1151 : i32 to vector<16xi32>
      %add3A_1153 = arith.addi %iota3A, %add3A_1152 : vector<16xi32>
      %jit3A_1154 = arith.constant 8 : i32
      %div3A_1155 = vector.broadcast %jit3A_1154 : i32 to vector<16xi32>
      %div3A_1156 = arith.divsi %add3A_1153, %div3A_1155 : vector<16xi32>
      %sign3A_1157 = arith.constant 0 : i32
      %sign3A_1158 = vector.broadcast %sign3A_1157 : i32 to vector<16xi32>
      %sign3A_1159 = arith.cmpi sgt, %add3A_1153, %sign3A_1158 : vector<16xi32>
      %sign3A_1160 = arith.extui %sign3A_1159 : vector<16xi1> to vector<16xi32>
      %sign3A_1161 = arith.constant 0 : i32
      %sign3A_1162 = vector.broadcast %sign3A_1161 : i32 to vector<16xi32>
      %sign3A_1163 = arith.cmpi slt, %add3A_1153, %sign3A_1162 : vector<16xi32>
      %sign3A_1164 = arith.extui %sign3A_1163 : vector<16xi1> to vector<16xi32>
      %sign3A_1165 = arith.subi %sign3A_1160, %sign3A_1164 : vector<16xi32>
      %sign3A_1166 = arith.constant 0 : i32
      %sign3A_1167 = arith.cmpi sgt, %jit3A_1154, %sign3A_1166 : i32
      %sign3A_1168 = arith.extui %sign3A_1167 : i1 to i32
      %sign3A_1169 = arith.constant 0 : i32
      %sign3A_1170 = arith.cmpi slt, %jit3A_1154, %sign3A_1169 : i32
      %sign3A_1171 = arith.extui %sign3A_1170 : i1 to i32
      %sign3A_1172 = arith.subi %sign3A_1168, %sign3A_1171 : i32
      %ne3A_1173 = vector.broadcast %sign3A_1172 : i32 to vector<16xi32>
      %ne3A_1174 = arith.cmpi ne, %sign3A_1165, %ne3A_1173 : vector<16xi32>
      %rem3A_1175 = vector.broadcast %jit3A_1154 : i32 to vector<16xi32>
      %rem3A_1176 = arith.remsi %add3A_1153, %rem3A_1175 : vector<16xi32>
      %ne3A_1177 = arith.constant 0 : i32
      %ne3A_1178 = vector.broadcast %ne3A_1177 : i32 to vector<16xi32>
      %ne3A_1179 = arith.cmpi ne, %rem3A_1176, %ne3A_1178 : vector<16xi32>
      %and3A_1180 = arith.andi %ne3A_1174, %ne3A_1179 : vector<16xi1>
      %sub3A_1181 = arith.constant 1 : i32
      %sub3A_1182 = vector.broadcast %sub3A_1181 : i32 to vector<16xi32>
      %sub3A_1183 = arith.subi %div3A_1156, %sub3A_1182 : vector<16xi32>
      %select_n3A_1184 = arith.select %and3A_1180, %sub3A_1183, %div3A_1156 : vector<16xi1>, vector<16xi32>
      %add3A_1185 = arith.constant 16 : i32
      %add3A_1186 = vector.broadcast %add3A_1185 : i32 to vector<16xi32>
      %add3A_1187 = arith.addi %iota3A, %add3A_1186 : vector<16xi32>
      %jit3A_1188 = arith.constant 8 : i32
      %eq3A_1189 = arith.constant 0 : i32
      %eq3A_1190 = arith.cmpi eq, %jit3A_1188, %eq3A_1189 : i32
      %jit3A_1191 = arith.constant 1 : i32
      %select_n3A_1192 = arith.select %eq3A_1190, %jit3A_1191, %jit3A_1188 : i32
      %rem3A_1193 = vector.broadcast %select_n3A_1192 : i32 to vector<16xi32>
      %rem3A_1194 = arith.remsi %add3A_1187, %rem3A_1193 : vector<16xi32>
      %ne3A_1195 = arith.constant 0 : i32
      %ne3A_1196 = vector.broadcast %ne3A_1195 : i32 to vector<16xi32>
      %ne3A_1197 = arith.cmpi ne, %rem3A_1194, %ne3A_1196 : vector<16xi32>
      %lt3A_1198 = arith.constant 0 : i32
      %lt3A_1199 = vector.broadcast %lt3A_1198 : i32 to vector<16xi32>
      %lt3A_1200 = arith.cmpi slt, %rem3A_1194, %lt3A_1199 : vector<16xi32>
      %lt3A_1201 = arith.constant 0 : i32
      %lt3A_1202 = arith.cmpi slt, %select_n3A_1192, %lt3A_1201 : i32
      %ne3A_1203 = vector.broadcast %lt3A_1202 : i1 to vector<16xi1>
      %ne3A_1204 = vector.broadcast %ne3A_1203 : vector<16xi1> to vector<16xi1>
      %ne3A_1205 = arith.xori %lt3A_1200, %ne3A_1204 : vector<16xi1>
      %and3A_1206 = arith.andi %ne3A_1205, %ne3A_1197 : vector<16xi1>
      %add3A_1207 = vector.broadcast %select_n3A_1192 : i32 to vector<16xi32>
      %add3A_1208 = arith.addi %rem3A_1194, %add3A_1207 : vector<16xi32>
      %select_n3A_1209 = arith.select %and3A_1206, %add3A_1208, %rem3A_1194 : vector<16xi1>, vector<16xi32>
      %add3A_1210 = arith.constant 32 : i32
      %add3A_1211 = vector.broadcast %add3A_1210 : i32 to vector<16xi32>
      %add3A_1212 = arith.addi %iota3A, %add3A_1211 : vector<16xi32>
      %jit3A_1213 = arith.constant 8 : i32
      %div3A_1214 = vector.broadcast %jit3A_1213 : i32 to vector<16xi32>
      %div3A_1215 = arith.divsi %add3A_1212, %div3A_1214 : vector<16xi32>
      %sign3A_1216 = arith.constant 0 : i32
      %sign3A_1217 = vector.broadcast %sign3A_1216 : i32 to vector<16xi32>
      %sign3A_1218 = arith.cmpi sgt, %add3A_1212, %sign3A_1217 : vector<16xi32>
      %sign3A_1219 = arith.extui %sign3A_1218 : vector<16xi1> to vector<16xi32>
      %sign3A_1220 = arith.constant 0 : i32
      %sign3A_1221 = vector.broadcast %sign3A_1220 : i32 to vector<16xi32>
      %sign3A_1222 = arith.cmpi slt, %add3A_1212, %sign3A_1221 : vector<16xi32>
      %sign3A_1223 = arith.extui %sign3A_1222 : vector<16xi1> to vector<16xi32>
      %sign3A_1224 = arith.subi %sign3A_1219, %sign3A_1223 : vector<16xi32>
      %sign3A_1225 = arith.constant 0 : i32
      %sign3A_1226 = arith.cmpi sgt, %jit3A_1213, %sign3A_1225 : i32
      %sign3A_1227 = arith.extui %sign3A_1226 : i1 to i32
      %sign3A_1228 = arith.constant 0 : i32
      %sign3A_1229 = arith.cmpi slt, %jit3A_1213, %sign3A_1228 : i32
      %sign3A_1230 = arith.extui %sign3A_1229 : i1 to i32
      %sign3A_1231 = arith.subi %sign3A_1227, %sign3A_1230 : i32
      %ne3A_1232 = vector.broadcast %sign3A_1231 : i32 to vector<16xi32>
      %ne3A_1233 = arith.cmpi ne, %sign3A_1224, %ne3A_1232 : vector<16xi32>
      %rem3A_1234 = vector.broadcast %jit3A_1213 : i32 to vector<16xi32>
      %rem3A_1235 = arith.remsi %add3A_1212, %rem3A_1234 : vector<16xi32>
      %ne3A_1236 = arith.constant 0 : i32
      %ne3A_1237 = vector.broadcast %ne3A_1236 : i32 to vector<16xi32>
      %ne3A_1238 = arith.cmpi ne, %rem3A_1235, %ne3A_1237 : vector<16xi32>
      %and3A_1239 = arith.andi %ne3A_1233, %ne3A_1238 : vector<16xi1>
      %sub3A_1240 = arith.constant 1 : i32
      %sub3A_1241 = vector.broadcast %sub3A_1240 : i32 to vector<16xi32>
      %sub3A_1242 = arith.subi %div3A_1215, %sub3A_1241 : vector<16xi32>
      %select_n3A_1243 = arith.select %and3A_1239, %sub3A_1242, %div3A_1215 : vector<16xi1>, vector<16xi32>
      %add3A_1244 = arith.constant 32 : i32
      %add3A_1245 = vector.broadcast %add3A_1244 : i32 to vector<16xi32>
      %add3A_1246 = arith.addi %iota3A, %add3A_1245 : vector<16xi32>
      %jit3A_1247 = arith.constant 8 : i32
      %eq3A_1248 = arith.constant 0 : i32
      %eq3A_1249 = arith.cmpi eq, %jit3A_1247, %eq3A_1248 : i32
      %jit3A_1250 = arith.constant 1 : i32
      %select_n3A_1251 = arith.select %eq3A_1249, %jit3A_1250, %jit3A_1247 : i32
      %rem3A_1252 = vector.broadcast %select_n3A_1251 : i32 to vector<16xi32>
      %rem3A_1253 = arith.remsi %add3A_1246, %rem3A_1252 : vector<16xi32>
      %ne3A_1254 = arith.constant 0 : i32
      %ne3A_1255 = vector.broadcast %ne3A_1254 : i32 to vector<16xi32>
      %ne3A_1256 = arith.cmpi ne, %rem3A_1253, %ne3A_1255 : vector<16xi32>
      %lt3A_1257 = arith.constant 0 : i32
      %lt3A_1258 = vector.broadcast %lt3A_1257 : i32 to vector<16xi32>
      %lt3A_1259 = arith.cmpi slt, %rem3A_1253, %lt3A_1258 : vector<16xi32>
      %lt3A_1260 = arith.constant 0 : i32
      %lt3A_1261 = arith.cmpi slt, %select_n3A_1251, %lt3A_1260 : i32
      %ne3A_1262 = vector.broadcast %lt3A_1261 : i1 to vector<16xi1>
      %ne3A_1263 = vector.broadcast %ne3A_1262 : vector<16xi1> to vector<16xi1>
      %ne3A_1264 = arith.xori %lt3A_1259, %ne3A_1263 : vector<16xi1>
      %and3A_1265 = arith.andi %ne3A_1264, %ne3A_1256 : vector<16xi1>
      %add3A_1266 = vector.broadcast %select_n3A_1251 : i32 to vector<16xi32>
      %add3A_1267 = arith.addi %rem3A_1253, %add3A_1266 : vector<16xi32>
      %select_n3A_1268 = arith.select %and3A_1265, %add3A_1267, %rem3A_1253 : vector<16xi1>, vector<16xi32>
      %add3A_1269 = arith.constant 48 : i32
      %add3A_1270 = vector.broadcast %add3A_1269 : i32 to vector<16xi32>
      %add3A_1271 = arith.addi %iota3A, %add3A_1270 : vector<16xi32>
      %jit3A_1272 = arith.constant 8 : i32
      %div3A_1273 = vector.broadcast %jit3A_1272 : i32 to vector<16xi32>
      %div3A_1274 = arith.divsi %add3A_1271, %div3A_1273 : vector<16xi32>
      %sign3A_1275 = arith.constant 0 : i32
      %sign3A_1276 = vector.broadcast %sign3A_1275 : i32 to vector<16xi32>
      %sign3A_1277 = arith.cmpi sgt, %add3A_1271, %sign3A_1276 : vector<16xi32>
      %sign3A_1278 = arith.extui %sign3A_1277 : vector<16xi1> to vector<16xi32>
      %sign3A_1279 = arith.constant 0 : i32
      %sign3A_1280 = vector.broadcast %sign3A_1279 : i32 to vector<16xi32>
      %sign3A_1281 = arith.cmpi slt, %add3A_1271, %sign3A_1280 : vector<16xi32>
      %sign3A_1282 = arith.extui %sign3A_1281 : vector<16xi1> to vector<16xi32>
      %sign3A_1283 = arith.subi %sign3A_1278, %sign3A_1282 : vector<16xi32>
      %sign3A_1284 = arith.constant 0 : i32
      %sign3A_1285 = arith.cmpi sgt, %jit3A_1272, %sign3A_1284 : i32
      %sign3A_1286 = arith.extui %sign3A_1285 : i1 to i32
      %sign3A_1287 = arith.constant 0 : i32
      %sign3A_1288 = arith.cmpi slt, %jit3A_1272, %sign3A_1287 : i32
      %sign3A_1289 = arith.extui %sign3A_1288 : i1 to i32
      %sign3A_1290 = arith.subi %sign3A_1286, %sign3A_1289 : i32
      %ne3A_1291 = vector.broadcast %sign3A_1290 : i32 to vector<16xi32>
      %ne3A_1292 = arith.cmpi ne, %sign3A_1283, %ne3A_1291 : vector<16xi32>
      %rem3A_1293 = vector.broadcast %jit3A_1272 : i32 to vector<16xi32>
      %rem3A_1294 = arith.remsi %add3A_1271, %rem3A_1293 : vector<16xi32>
      %ne3A_1295 = arith.constant 0 : i32
      %ne3A_1296 = vector.broadcast %ne3A_1295 : i32 to vector<16xi32>
      %ne3A_1297 = arith.cmpi ne, %rem3A_1294, %ne3A_1296 : vector<16xi32>
      %and3A_1298 = arith.andi %ne3A_1292, %ne3A_1297 : vector<16xi1>
      %sub3A_1299 = arith.constant 1 : i32
      %sub3A_1300 = vector.broadcast %sub3A_1299 : i32 to vector<16xi32>
      %sub3A_1301 = arith.subi %div3A_1274, %sub3A_1300 : vector<16xi32>
      %select_n3A_1302 = arith.select %and3A_1298, %sub3A_1301, %div3A_1274 : vector<16xi1>, vector<16xi32>
      %add3A_1303 = arith.constant 48 : i32
      %add3A_1304 = vector.broadcast %add3A_1303 : i32 to vector<16xi32>
      %add3A_1305 = arith.addi %iota3A, %add3A_1304 : vector<16xi32>
      %jit3A_1306 = arith.constant 8 : i32
      %eq3A_1307 = arith.constant 0 : i32
      %eq3A_1308 = arith.cmpi eq, %jit3A_1306, %eq3A_1307 : i32
      %jit3A_1309 = arith.constant 1 : i32
      %select_n3A_1310 = arith.select %eq3A_1308, %jit3A_1309, %jit3A_1306 : i32
      %rem3A_1311 = vector.broadcast %select_n3A_1310 : i32 to vector<16xi32>
      %rem3A_1312 = arith.remsi %add3A_1305, %rem3A_1311 : vector<16xi32>
      %ne3A_1313 = arith.constant 0 : i32
      %ne3A_1314 = vector.broadcast %ne3A_1313 : i32 to vector<16xi32>
      %ne3A_1315 = arith.cmpi ne, %rem3A_1312, %ne3A_1314 : vector<16xi32>
      %lt3A_1316 = arith.constant 0 : i32
      %lt3A_1317 = vector.broadcast %lt3A_1316 : i32 to vector<16xi32>
      %lt3A_1318 = arith.cmpi slt, %rem3A_1312, %lt3A_1317 : vector<16xi32>
      %lt3A_1319 = arith.constant 0 : i32
      %lt3A_1320 = arith.cmpi slt, %select_n3A_1310, %lt3A_1319 : i32
      %ne3A_1321 = vector.broadcast %lt3A_1320 : i1 to vector<16xi1>
      %ne3A_1322 = vector.broadcast %ne3A_1321 : vector<16xi1> to vector<16xi1>
      %ne3A_1323 = arith.xori %lt3A_1318, %ne3A_1322 : vector<16xi1>
      %and3A_1324 = arith.andi %ne3A_1323, %ne3A_1315 : vector<16xi1>
      %add3A_1325 = vector.broadcast %select_n3A_1310 : i32 to vector<16xi32>
      %add3A_1326 = arith.addi %rem3A_1312, %add3A_1325 : vector<16xi32>
      %select_n3A_1327 = arith.select %and3A_1324, %add3A_1326, %rem3A_1312 : vector<16xi1>, vector<16xi32>
      %parallel_loop3A_1328 = arith.constant 0 : i32
      %parallel_loop3A_1329 = arith.constant 128 : i32
      %parallel_loop3A_1330 = arith.constant 1 : i32
      scf.for %parallel_loop3A_1355 = %parallel_loop3A_1328 to %parallel_loop3A_1329 step %parallel_loop3A_1330  : i32 {
        %parallel_loop3A_1356 = arith.constant 0 : i32
        %parallel_loop3A_1357 = vector.broadcast %parallel_loop3A_1356 : i32 to vector<16xi32>
        %parallel_loop3A_1358 = arith.muli %iota3A, %parallel_loop3A_1357 : vector<16xi32>
        %parallel_loop3A_1359 = vector.broadcast %parallel_loop3A_1355 : i32 to vector<16xi32>
        %parallel_loop3A_1360 = arith.addi %parallel_loop3A_1358, %parallel_loop3A_1359 : vector<16xi32>
        %parallel_loop3A_1361 = arith.constant 3 : i32
        %parallel_loop3A_1362 = arith.index_cast %parallel_loop3A_1361 : i32 to index
        %parallel_loop3A_1363 = arith.index_cast %parallel_loop3A_1355 : i32 to index
        %parallel_loop3A_1364 = arith.constant 0 : index
        %parallel_loop3A_1365 = tpu.vector_load %arg6[%parallel_loop3A_1362, %parallel_loop3A_1363, %parallel_loop3A_1364] {strides = array<i32>} : memref<4x128x64xf32, #tpu.memory_space<vmem>>, vector<16xf32>,
        %parallel_loop3A_1366 = arith.constant 8.000000e+00 : f32
        %parallel_loop3A_1367 = vector.broadcast %parallel_loop3A_1366 : f32 to vector<16xf32>
        %parallel_loop3A_1368 = arith.mulf %parallel_loop3A_1365, %parallel_loop3A_1367 : vector<16xf32>
        %parallel_loop3A_1369 = arith.constant 3 : i32
        %parallel_loop3A_1370 = arith.constant 0 : i32
        %parallel_loop3A_1371 = arith.constant 0 : i32
        %parallel_loop3A_1372 = arith.constant 0 : i32
        %parallel_loop3A_1373 = tpu.memref_slice %arg7[%parallel_loop3A_1369, %parallel_loop3A_1370, %parallel_loop3A_1371, %parallel_loop3A_1372] : memref<4x8x8x129xf32, #tpu.memory_space<vmem>> -> memref<1x8x8x129xf32, #tpu.memory_space<vmem>>
        %parallel_loop3A_1374 = tpu.memref_squeeze %parallel_loop3A_1373 : memref<1x8x8x129xf32, #tpu.memory_space<vmem>> -> memref<8x8x129xf32, #tpu.memory_space<vmem>>
        tpu.vector_store_idx %parallel_loop3A_1374[%select_n3A_1125, %select_n3A_1150, %parallel_loop3A_1360], %parallel_loop3A_1368 : memref<8x8x129xf32, #tpu.memory_space<vmem>>[vector<16xi32>, vector<16xi32>, vector<16xi32>], vector<16xf32>,
        %parallel_loop3A_1375 = arith.constant 3 : i32
        %parallel_loop3A_1376 = arith.index_cast %parallel_loop3A_1375 : i32 to index
        %parallel_loop3A_1377 = arith.index_cast %parallel_loop3A_1355 : i32 to index
        %parallel_loop3A_1378 = arith.constant 16 : index
        %parallel_loop3A_1379 = tpu.vector_load %arg6[%parallel_loop3A_1376, %parallel_loop3A_1377, %parallel_loop3A_1378] {strides = array<i32>} : memref<4x128x64xf32, #tpu.memory_space<vmem>>, vector<16xf32>,
        %parallel_loop3A_1380 = arith.constant 8.000000e+00 : f32
        %parallel_loop3A_1381 = vector.broadcast %parallel_loop3A_1380 : f32 to vector<16xf32>
        %parallel_loop3A_1382 = arith.mulf %parallel_loop3A_1379, %parallel_loop3A_1381 : vector<16xf32>
        %parallel_loop3A_1383 = arith.constant 3 : i32
        %parallel_loop3A_1384 = arith.constant 0 : i32
        %parallel_loop3A_1385 = arith.constant 0 : i32
        %parallel_loop3A_1386 = arith.constant 0 : i32
        %parallel_loop3A_1387 = tpu.memref_slice %arg7[%parallel_loop3A_1383, %parallel_loop3A_1384, %parallel_loop3A_1385, %parallel_loop3A_1386] : memref<4x8x8x129xf32, #tpu.memory_space<vmem>> -> memref<1x8x8x129xf32, #tpu.memory_space<vmem>>
        %parallel_loop3A_1388 = tpu.memref_squeeze %parallel_loop3A_1387 : memref<1x8x8x129xf32, #tpu.memory_space<vmem>> -> memref<8x8x129xf32, #tpu.memory_space<vmem>>
        tpu.vector_store_idx %parallel_loop3A_1388[%select_n3A_1184, %select_n3A_1209, %parallel_loop3A_1360], %parallel_loop3A_1382 : memref<8x8x129xf32, #tpu.memory_space<vmem>>[vector<16xi32>, vector<16xi32>, vector<16xi32>], vector<16xf32>,
        %parallel_loop3A_1389 = arith.constant 3 : i32
        %parallel_loop3A_1390 = arith.index_cast %parallel_loop3A_1389 : i32 to index
        %parallel_loop3A_1391 = arith.index_cast %parallel_loop3A_1355 : i32 to index
        %parallel_loop3A_1392 = arith.constant 32 : index
        %parallel_loop3A_1393 = tpu.vector_load %arg6[%parallel_loop3A_1390, %parallel_loop3A_1391, %parallel_loop3A_1392] {strides = array<i32>} : memref<4x128x64xf32, #tpu.memory_space<vmem>>, vector<16xf32>,
        %parallel_loop3A_1394 = arith.constant 8.000000e+00 : f32
        %parallel_loop3A_1395 = vector.broadcast %parallel_loop3A_1394 : f32 to vector<16xf32>
        %parallel_loop3A_1396 = arith.mulf %parallel_loop3A_1393, %parallel_loop3A_1395 : vector<16xf32>
        %parallel_loop3A_1397 = arith.constant 3 : i32
        %parallel_loop3A_1398 = arith.constant 0 : i32
        %parallel_loop3A_1399 = arith.constant 0 : i32
        %parallel_loop3A_1400 = arith.constant 0 : i32
        %parallel_loop3A_1401 = tpu.memref_slice %arg7[%parallel_loop3A_1397, %parallel_loop3A_1398, %parallel_loop3A_1399, %parallel_loop3A_1400] : memref<4x8x8x129xf32, #tpu.memory_space<vmem>> -> memref<1x8x8x129xf32, #tpu.memory_space<vmem>>
        %parallel_loop3A_1402 = tpu.memref_squeeze %parallel_loop3A_1401 : memref<1x8x8x129xf32, #tpu.memory_space<vmem>> -> memref<8x8x129xf32, #tpu.memory_space<vmem>>
        tpu.vector_store_idx %parallel_loop3A_1402[%select_n3A_1243, %select_n3A_1268, %parallel_loop3A_1360], %parallel_loop3A_1396 : memref<8x8x129xf32, #tpu.memory_space<vmem>>[vector<16xi32>, vector<16xi32>, vector<16xi32>], vector<16xf32>,
        %parallel_loop3A_1403 = arith.constant 3 : i32
        %parallel_loop3A_1404 = arith.index_cast %parallel_loop3A_1403 : i32 to index
        %parallel_loop3A_1405 = arith.index_cast %parallel_loop3A_1355 : i32 to index
        %parallel_loop3A_1406 = arith.constant 48 : index
        %parallel_loop3A_1407 = tpu.vector_load %arg6[%parallel_loop3A_1404, %parallel_loop3A_1405, %parallel_loop3A_1406] {strides = array<i32>} : memref<4x128x64xf32, #tpu.memory_space<vmem>>, vector<16xf32>,
        %parallel_loop3A_1408 = arith.constant 8.000000e+00 : f32
        %parallel_loop3A_1409 = vector.broadcast %parallel_loop3A_1408 : f32 to vector<16xf32>
        %parallel_loop3A_1410 = arith.mulf %parallel_loop3A_1407, %parallel_loop3A_1409 : vector<16xf32>
        %parallel_loop3A_1411 = arith.constant 3 : i32
        %parallel_loop3A_1412 = arith.constant 0 : i32
        %parallel_loop3A_1413 = arith.constant 0 : i32
        %parallel_loop3A_1414 = arith.constant 0 : i32
        %parallel_loop3A_1415 = tpu.memref_slice %arg7[%parallel_loop3A_1411, %parallel_loop3A_1412, %parallel_loop3A_1413, %parallel_loop3A_1414] : memref<4x8x8x129xf32, #tpu.memory_space<vmem>> -> memref<1x8x8x129xf32, #tpu.memory_space<vmem>>
        %parallel_loop3A_1416 = tpu.memref_squeeze %parallel_loop3A_1415 : memref<1x8x8x129xf32, #tpu.memory_space<vmem>> -> memref<8x8x129xf32, #tpu.memory_space<vmem>>
        tpu.vector_store_idx %parallel_loop3A_1416[%select_n3A_1302, %select_n3A_1327, %parallel_loop3A_1360], %parallel_loop3A_1410 : memref<8x8x129xf32, #tpu.memory_space<vmem>>[vector<16xi32>, vector<16xi32>, vector<16xi32>], vector<16xf32>,
      } {sc.loop_unroll_factor = 4 : i64, sc.parallel_access}
      %dma_start3A_1331 = arith.constant 3 : i32
      %dma_start3A_1332 = arith.constant 3 : i32
      %dma_start3A_1333 = arith.constant 0 : i32
      %dma_start3A_1334 = arith.constant 0 : i32
      %dma_start3A_1335 = arith.constant 0 : i32
      %dma_start3A_1336 = tpu.memref_slice %arg7[%dma_start3A_1331, %dma_start3A_1333, %dma_start3A_1334, %dma_start3A_1335] : memref<4x8x8x129xf32, #tpu.memory_space<vmem>> -> memref<1x8x8x128xf32, #tpu.memory_space<vmem>>
      %dma_start3A_1337 = tpu.memref_squeeze %dma_start3A_1336 : memref<1x8x8x128xf32, #tpu.memory_space<vmem>> -> memref<8x8x128xf32, #tpu.memory_space<vmem>>
      %dma_start3A_1338 = arith.constant 0 : i32
      %dma_start3A_1339 = arith.constant 0 : i32
      %dma_start3A_1340 = arith.constant 0 : i32
      %dma_start3A_1341 = tpu.memref_slice %arg4[%add3A_1056, %dma_start3A_1338, %add3A, %dma_start3A_1339, %dma_start3A_1340] : memref<200x8x32x8x128xf32, #tpu.memory_space<hbm>> -> memref<1x8x1x8x128xf32, #tpu.memory_space<hbm>>
      %dma_start3A_1342 = tpu.memref_squeeze %dma_start3A_1341 : memref<1x8x1x8x128xf32, #tpu.memory_space<hbm>> -> memref<8x8x128xf32, #tpu.memory_space<hbm>>
      %dma_start3A_1343 = tpu.memref_slice %arg9[%dma_start3A_1332] : memref<4x!tpu.dma_semaphore, #tpu.memory_space<semaphore_mem>> -> memref<1x!tpu.dma_semaphore, #tpu.memory_space<semaphore_mem>>
      %dma_start3A_1344 = tpu.memref_squeeze %dma_start3A_1343 : memref<1x!tpu.dma_semaphore, #tpu.memory_space<semaphore_mem>> -> memref<!tpu.dma_semaphore, #tpu.memory_space<semaphore_mem>>
      %dma_start3A_1345 = arith.constant 0 : i32
      %dma_start3A_1346 = arith.constant 0 : i32
      %dma_start3A_1347 = arith.constant 0 : i32
      %dma_start3A_1348 = tpu.memref_slice %arg4[%add3A_1056, %dma_start3A_1345, %add3A, %dma_start3A_1346, %dma_start3A_1347] : memref<200x8x32x8x128xf32, #tpu.memory_space<hbm>> -> memref<1x8x1x8x128xf32, #tpu.memory_space<hbm>>
      %dma_start3A_1349 = tpu.memref_squeeze %dma_start3A_1348 : memref<1x8x1x8x128xf32, #tpu.memory_space<hbm>> -> memref<8x8x128xf32, #tpu.memory_space<hbm>>
      %dma_start3A_1350 = arith.constant 0 : i32
      %dma_start3A_1351 = arith.constant 0 : i32
      %dma_start3A_1352 = arith.constant 0 : i32
      %dma_start3A_1353 = tpu.memref_slice %arg7[%dma_start3A_1331, %dma_start3A_1350, %dma_start3A_1351, %dma_start3A_1352] : memref<4x8x8x129xf32, #tpu.memory_space<vmem>> -> memref<1x8x8x128xf32, #tpu.memory_space<vmem>>
      %dma_start3A_1354 = tpu.memref_squeeze %dma_start3A_1353 : memref<1x8x8x128xf32, #tpu.memory_space<vmem>> -> memref<8x8x128xf32, #tpu.memory_space<vmem>>
      tpu.enqueue_dma source(%dma_start3A_1354 : memref<8x8x128xf32, #tpu.memory_space<vmem>>) target(%dma_start3A_1349 : memref<8x8x128xf32, #tpu.memory_space<hbm>>) target_semaphore(%dma_start3A_1344 : memref<!tpu.dma_semaphore, #tpu.memory_space<semaphore_mem>>)
    }
    %scan3A_66 = arith.constant 50 : i32
    %dma_wait3A = arith.constant 0 : i32
    %dma_wait3A_67 = arith.constant 0 : i32
    %dma_wait3A_68 = arith.constant 0 : i32
    %dma_wait3A_69 = arith.constant 0 : i32
    %dma_wait3A_70 = arith.constant 0 : i32
    %dma_wait3A_71 = arith.constant 0 : i32
    %dma_wait3A_72 = tpu.memref_slice %arg7[%dma_wait3A, %dma_wait3A_69, %dma_wait3A_70, %dma_wait3A_71] : memref<4x8x8x129xf32, #tpu.memory_space<vmem>> -> memref<1x8x8x128xf32, #tpu.memory_space<vmem>>
    %dma_wait3A_73 = tpu.memref_squeeze %dma_wait3A_72 : memref<1x8x8x128xf32, #tpu.memory_space<vmem>> -> memref<8x8x128xf32, #tpu.memory_space<vmem>>
    %dma_wait3A_74 = arith.constant 0 : i32
    %dma_wait3A_75 = arith.constant 0 : i32
    %dma_wait3A_76 = arith.constant 0 : i32
    %dma_wait3A_77 = tpu.memref_slice %arg4[%dma_wait3A_67, %dma_wait3A_74, %add3A, %dma_wait3A_75, %dma_wait3A_76] : memref<200x8x32x8x128xf32, #tpu.memory_space<hbm>> -> memref<1x8x1x8x128xf32, #tpu.memory_space<hbm>>
    %dma_wait3A_78 = tpu.memref_squeeze %dma_wait3A_77 : memref<1x8x1x8x128xf32, #tpu.memory_space<hbm>> -> memref<8x8x128xf32, #tpu.memory_space<hbm>>
    %dma_wait3A_79 = tpu.memref_slice %arg9[%dma_wait3A_68] : memref<4x!tpu.dma_semaphore, #tpu.memory_space<semaphore_mem>> -> memref<1x!tpu.dma_semaphore, #tpu.memory_space<semaphore_mem>>
    %dma_wait3A_80 = tpu.memref_squeeze %dma_wait3A_79 : memref<1x!tpu.dma_semaphore, #tpu.memory_space<semaphore_mem>> -> memref<!tpu.dma_semaphore, #tpu.memory_space<semaphore_mem>>
    %dma_wait3A_81 = arith.constant 0 : i32
    %dma_wait3A_82 = arith.constant 0 : i32
    %dma_wait3A_83 = arith.constant 0 : i32
    %dma_wait3A_84 = tpu.memref_slice %arg4[%dma_wait3A_67, %dma_wait3A_81, %add3A, %dma_wait3A_82, %dma_wait3A_83] : memref<200x8x32x8x128xf32, #tpu.memory_space<hbm>> -> memref<1x8x1x8x128xf32, #tpu.memory_space<hbm>>
    %dma_wait3A_85 = tpu.memref_squeeze %dma_wait3A_84 : memref<1x8x1x8x128xf32, #tpu.memory_space<hbm>> -> memref<8x8x128xf32, #tpu.memory_space<hbm>>
    %dma_wait3A_86 = arith.constant 0 : i32
    %dma_wait3A_87 = arith.constant 0 : i32
    %dma_wait3A_88 = arith.constant 0 : i32
    %dma_wait3A_89 = tpu.memref_slice %arg7[%dma_wait3A, %dma_wait3A_86, %dma_wait3A_87, %dma_wait3A_88] : memref<4x8x8x129xf32, #tpu.memory_space<vmem>> -> memref<1x8x8x128xf32, #tpu.memory_space<vmem>>
    %dma_wait3A_90 = tpu.memref_squeeze %dma_wait3A_89 : memref<1x8x8x128xf32, #tpu.memory_space<vmem>> -> memref<8x8x128xf32, #tpu.memory_space<vmem>>
    tpu.wait_dma2 semaphore(%dma_wait3A_80 : memref<!tpu.dma_semaphore, #tpu.memory_space<semaphore_mem>>) src(%dma_wait3A_90 : memref<8x8x128xf32, #tpu.memory_space<vmem>>) dst(%dma_wait3A_85 : memref<8x8x128xf32, #tpu.memory_space<hbm>>)
    %dma_wait3A_91 = arith.constant 1 : i32
    %dma_wait3A_92 = arith.constant 0 : i32
    %dma_wait3A_93 = arith.constant 1 : i32
    %dma_wait3A_94 = arith.constant 0 : i32
    %dma_wait3A_95 = arith.constant 0 : i32
    %dma_wait3A_96 = arith.constant 0 : i32
    %dma_wait3A_97 = tpu.memref_slice %arg7[%dma_wait3A_91, %dma_wait3A_94, %dma_wait3A_95, %dma_wait3A_96] : memref<4x8x8x129xf32, #tpu.memory_space<vmem>> -> memref<1x8x8x128xf32, #tpu.memory_space<vmem>>
    %dma_wait3A_98 = tpu.memref_squeeze %dma_wait3A_97 : memref<1x8x8x128xf32, #tpu.memory_space<vmem>> -> memref<8x8x128xf32, #tpu.memory_space<vmem>>
    %dma_wait3A_99 = arith.constant 0 : i32
    %dma_wait3A_100 = arith.constant 0 : i32
    %dma_wait3A_101 = arith.constant 0 : i32
    %dma_wait3A_102 = tpu.memref_slice %arg4[%dma_wait3A_92, %dma_wait3A_99, %add3A, %dma_wait3A_100, %dma_wait3A_101] : memref<200x8x32x8x128xf32, #tpu.memory_space<hbm>> -> memref<1x8x1x8x128xf32, #tpu.memory_space<hbm>>
    %dma_wait3A_103 = tpu.memref_squeeze %dma_wait3A_102 : memref<1x8x1x8x128xf32, #tpu.memory_space<hbm>> -> memref<8x8x128xf32, #tpu.memory_space<hbm>>
    %dma_wait3A_104 = tpu.memref_slice %arg9[%dma_wait3A_93] : memref<4x!tpu.dma_semaphore, #tpu.memory_space<semaphore_mem>> -> memref<1x!tpu.dma_semaphore, #tpu.memory_space<semaphore_mem>>
    %dma_wait3A_105 = tpu.memref_squeeze %dma_wait3A_104 : memref<1x!tpu.dma_semaphore, #tpu.memory_space<semaphore_mem>> -> memref<!tpu.dma_semaphore, #tpu.memory_space<semaphore_mem>>
    %dma_wait3A_106 = arith.constant 0 : i32
    %dma_wait3A_107 = arith.constant 0 : i32
    %dma_wait3A_108 = arith.constant 0 : i32
    %dma_wait3A_109 = tpu.memref_slice %arg4[%dma_wait3A_92, %dma_wait3A_106, %add3A, %dma_wait3A_107, %dma_wait3A_108] : memref<200x8x32x8x128xf32, #tpu.memory_space<hbm>> -> memref<1x8x1x8x128xf32, #tpu.memory_space<hbm>>
    %dma_wait3A_110 = tpu.memref_squeeze %dma_wait3A_109 : memref<1x8x1x8x128xf32, #tpu.memory_space<hbm>> -> memref<8x8x128xf32, #tpu.memory_space<hbm>>
    %dma_wait3A_111 = arith.constant 0 : i32
    %dma_wait3A_112 = arith.constant 0 : i32
    %dma_wait3A_113 = arith.constant 0 : i32
    %dma_wait3A_114 = tpu.memref_slice %arg7[%dma_wait3A_91, %dma_wait3A_111, %dma_wait3A_112, %dma_wait3A_113] : memref<4x8x8x129xf32, #tpu.memory_space<vmem>> -> memref<1x8x8x128xf32, #tpu.memory_space<vmem>>
    %dma_wait3A_115 = tpu.memref_squeeze %dma_wait3A_114 : memref<1x8x8x128xf32, #tpu.memory_space<vmem>> -> memref<8x8x128xf32, #tpu.memory_space<vmem>>
    tpu.wait_dma2 semaphore(%dma_wait3A_105 : memref<!tpu.dma_semaphore, #tpu.memory_space<semaphore_mem>>) src(%dma_wait3A_115 : memref<8x8x128xf32, #tpu.memory_space<vmem>>) dst(%dma_wait3A_110 : memref<8x8x128xf32, #tpu.memory_space<hbm>>)
    %dma_wait3A_116 = arith.constant 2 : i32
    %dma_wait3A_117 = arith.constant 0 : i32
    %dma_wait3A_118 = arith.constant 2 : i32
    %dma_wait3A_119 = arith.constant 0 : i32
    %dma_wait3A_120 = arith.constant 0 : i32
    %dma_wait3A_121 = arith.constant 0 : i32
    %dma_wait3A_122 = tpu.memref_slice %arg7[%dma_wait3A_116, %dma_wait3A_119, %dma_wait3A_120, %dma_wait3A_121] : memref<4x8x8x129xf32, #tpu.memory_space<vmem>> -> memref<1x8x8x128xf32, #tpu.memory_space<vmem>>
    %dma_wait3A_123 = tpu.memref_squeeze %dma_wait3A_122 : memref<1x8x8x128xf32, #tpu.memory_space<vmem>> -> memref<8x8x128xf32, #tpu.memory_space<vmem>>
    %dma_wait3A_124 = arith.constant 0 : i32
    %dma_wait3A_125 = arith.constant 0 : i32
    %dma_wait3A_126 = arith.constant 0 : i32
    %dma_wait3A_127 = tpu.memref_slice %arg4[%dma_wait3A_117, %dma_wait3A_124, %add3A, %dma_wait3A_125, %dma_wait3A_126] : memref<200x8x32x8x128xf32, #tpu.memory_space<hbm>> -> memref<1x8x1x8x128xf32, #tpu.memory_space<hbm>>
    %dma_wait3A_128 = tpu.memref_squeeze %dma_wait3A_127 : memref<1x8x1x8x128xf32, #tpu.memory_space<hbm>> -> memref<8x8x128xf32, #tpu.memory_space<hbm>>
    %dma_wait3A_129 = tpu.memref_slice %arg9[%dma_wait3A_118] : memref<4x!tpu.dma_semaphore, #tpu.memory_space<semaphore_mem>> -> memref<1x!tpu.dma_semaphore, #tpu.memory_space<semaphore_mem>>
    %dma_wait3A_130 = tpu.memref_squeeze %dma_wait3A_129 : memref<1x!tpu.dma_semaphore, #tpu.memory_space<semaphore_mem>> -> memref<!tpu.dma_semaphore, #tpu.memory_space<semaphore_mem>>
    %dma_wait3A_131 = arith.constant 0 : i32
    %dma_wait3A_132 = arith.constant 0 : i32
    %dma_wait3A_133 = arith.constant 0 : i32
    %dma_wait3A_134 = tpu.memref_slice %arg4[%dma_wait3A_117, %dma_wait3A_131, %add3A, %dma_wait3A_132, %dma_wait3A_133] : memref<200x8x32x8x128xf32, #tpu.memory_space<hbm>> -> memref<1x8x1x8x128xf32, #tpu.memory_space<hbm>>
    %dma_wait3A_135 = tpu.memref_squeeze %dma_wait3A_134 : memref<1x8x1x8x128xf32, #tpu.memory_space<hbm>> -> memref<8x8x128xf32, #tpu.memory_space<hbm>>
    %dma_wait3A_136 = arith.constant 0 : i32
    %dma_wait3A_137 = arith.constant 0 : i32
    %dma_wait3A_138 = arith.constant 0 : i32
    %dma_wait3A_139 = tpu.memref_slice %arg7[%dma_wait3A_116, %dma_wait3A_136, %dma_wait3A_137, %dma_wait3A_138] : memref<4x8x8x129xf32, #tpu.memory_space<vmem>> -> memref<1x8x8x128xf32, #tpu.memory_space<vmem>>
    %dma_wait3A_140 = tpu.memref_squeeze %dma_wait3A_139 : memref<1x8x8x128xf32, #tpu.memory_space<vmem>> -> memref<8x8x128xf32, #tpu.memory_space<vmem>>
    tpu.wait_dma2 semaphore(%dma_wait3A_130 : memref<!tpu.dma_semaphore, #tpu.memory_space<semaphore_mem>>) src(%dma_wait3A_140 : memref<8x8x128xf32, #tpu.memory_space<vmem>>) dst(%dma_wait3A_135 : memref<8x8x128xf32, #tpu.memory_space<hbm>>)
    %dma_wait3A_141 = arith.constant 3 : i32
    %dma_wait3A_142 = arith.constant 0 : i32
    %dma_wait3A_143 = arith.constant 3 : i32
    %dma_wait3A_144 = arith.constant 0 : i32
    %dma_wait3A_145 = arith.constant 0 : i32
    %dma_wait3A_146 = arith.constant 0 : i32
    %dma_wait3A_147 = tpu.memref_slice %arg7[%dma_wait3A_141, %dma_wait3A_144, %dma_wait3A_145, %dma_wait3A_146] : memref<4x8x8x129xf32, #tpu.memory_space<vmem>> -> memref<1x8x8x128xf32, #tpu.memory_space<vmem>>
    %dma_wait3A_148 = tpu.memref_squeeze %dma_wait3A_147 : memref<1x8x8x128xf32, #tpu.memory_space<vmem>> -> memref<8x8x128xf32, #tpu.memory_space<vmem>>
    %dma_wait3A_149 = arith.constant 0 : i32
    %dma_wait3A_150 = arith.constant 0 : i32
    %dma_wait3A_151 = arith.constant 0 : i32
    %dma_wait3A_152 = tpu.memref_slice %arg4[%dma_wait3A_142, %dma_wait3A_149, %add3A, %dma_wait3A_150, %dma_wait3A_151] : memref<200x8x32x8x128xf32, #tpu.memory_space<hbm>> -> memref<1x8x1x8x128xf32, #tpu.memory_space<hbm>>
    %dma_wait3A_153 = tpu.memref_squeeze %dma_wait3A_152 : memref<1x8x1x8x128xf32, #tpu.memory_space<hbm>> -> memref<8x8x128xf32, #tpu.memory_space<hbm>>
    %dma_wait3A_154 = tpu.memref_slice %arg9[%dma_wait3A_143] : memref<4x!tpu.dma_semaphore, #tpu.memory_space<semaphore_mem>> -> memref<1x!tpu.dma_semaphore, #tpu.memory_space<semaphore_mem>>
    %dma_wait3A_155 = tpu.memref_squeeze %dma_wait3A_154 : memref<1x!tpu.dma_semaphore, #tpu.memory_space<semaphore_mem>> -> memref<!tpu.dma_semaphore, #tpu.memory_space<semaphore_mem>>
    %dma_wait3A_156 = arith.constant 0 : i32
    %dma_wait3A_157 = arith.constant 0 : i32
    %dma_wait3A_158 = arith.constant 0 : i32
    %dma_wait3A_159 = tpu.memref_slice %arg4[%dma_wait3A_142, %dma_wait3A_156, %add3A, %dma_wait3A_157, %dma_wait3A_158] : memref<200x8x32x8x128xf32, #tpu.memory_space<hbm>> -> memref<1x8x1x8x128xf32, #tpu.memory_space<hbm>>
    %dma_wait3A_160 = tpu.memref_squeeze %dma_wait3A_159 : memref<1x8x1x8x128xf32, #tpu.memory_space<hbm>> -> memref<8x8x128xf32, #tpu.memory_space<hbm>>
    %dma_wait3A_161 = arith.constant 0 : i32
    %dma_wait3A_162 = arith.constant 0 : i32
    %dma_wait3A_163 = arith.constant 0 : i32
    %dma_wait3A_164 = tpu.memref_slice %arg7[%dma_wait3A_141, %dma_wait3A_161, %dma_wait3A_162, %dma_wait3A_163] : memref<4x8x8x129xf32, #tpu.memory_space<vmem>> -> memref<1x8x8x128xf32, #tpu.memory_space<vmem>>
    %dma_wait3A_165 = tpu.memref_squeeze %dma_wait3A_164 : memref<1x8x8x128xf32, #tpu.memory_space<vmem>> -> memref<8x8x128xf32, #tpu.memory_space<vmem>>
    tpu.wait_dma2 semaphore(%dma_wait3A_155 : memref<!tpu.dma_semaphore, #tpu.memory_space<semaphore_mem>>) src(%dma_wait3A_165 : memref<8x8x128xf32, #tpu.memory_space<vmem>>) dst(%dma_wait3A_160 : memref<8x8x128xf32, #tpu.memory_space<hbm>>)
    return
  }
}

</mosaic_0001>

<sc_bundles>
// kernel: kernel.3.cloned.1.call-start
scs
__scs_entry_jumppad:
0x0: {  	(pc) =	sbr.rel $0x88, $3  }
0x1: {  	(tag) =	ssettag $0x0;
	lr =	simm.s32 $0x1  }
0x2: {  	[smem:$0x3F9F] =	sst lr;
	_ =	strace $0xD0000000  }
0x3: {  	_ = 	snop  }
0x4: {  	_ = 	snop  }
0x5: {  	_ = 	snop  }
0x6: {  	_ = 	snop  }
0x7: {  	_ = 	snop  }
__scs_overlays_trampoline_lowered:
0x8: {  	[smem:$0x3FAE] =	sst s0  }
0x9: {  	[smem:$0x3FAF] =	sst s1  }
0xa: {  	[smem:$0x3FB0] =	sst s2  }
0xb: {  	[smem:$0x3FB1] =	sst s3  }
0xc: {  	[smem:$0x3FB2] =	sst s4  }
0xd: {  	[smem:$0x3FB3] =	sst s5  }
0xe: {  	[smem:$0x3FB4] =	sst s6  }
0xf: {  	[smem:$0x3FB5] =	sst s7  }
0x10: {  	[smem:$0x3FB6] =	sst s8  }
0x11: {  	[smem:$0x3FB7] =	sst s9;
	s0 =	simm.s32 @!p0 $0x0  }
0x12: {  	s1 =	sld [smem:$0x3F9D];
	s0 =	simm.s32 @p0 $0x1  }
0x13: {  	[smem:$0x3FB8] =	sst s0;
	s0 =	simm.s32 @!p1 $0x0  }
0x14: {  	s2 =	sld [smem:$0x3F9C];
	s0 =	simm.s32 @p1 $0x1  }
0x15: {  	[smem:$0x3FB9] =	sst s0;
	s0 =	simm.s32 @!p2 $0x0  }
0x16: {  	s3 =	sld [smem:$0x3FDB];
	s0 =	simm.s32 @p2 $0x1  }
0x17: {  	s4 =	simm.s32 $0x1BF5;
	[smem:$0x3FBB] =	sst s0  }
0x18: {  	s0 =	sld [smem:$0x3F9E];
	_ =	swait.ge [sflag:s4], $0x0  }
0x19: {  	s7 =	sld [smem:$0x3F9F]  }
0x1a: {  	s8 =	sadd.s32 $0xFFFFE003, lr  }
0x1b: {  	s9 =	sadd.s32 $0xFFFFFEF7, lr;
	s5 =	simm.s32 $0xFFFFFFFF;
	p2 =	slt.u32 s8, $0xFFFFF086  }
0x1c: {  	p1 =	slt.u32 s9, $0xF7A;
	s5 =	simm.s32 @!p2 $0x0  }
0x1d: {  	s5 =	simm.s32 @p1 $0x1;
	p0 =	seq.s32 s7, s2  }
0x1e: {  	s7 =	smul.u32 @!p0 $0xF7A, s2;
	p2 =	seq.s32 @!p0 s5, $0x0  }
0x1f: {  	s9 =	smul.u32 $0xF7A, s1;
	s8 =	simm.s32 @!p0 $0x1BF5;
	p2 =	por !p2, p0  }
0x20: {  	[sflag:s8] =	ssyncset.s32 @!p0 $0xFFFFF086;
	s6 =	sadd.s32 @!p0 s3, s7;
	s7 =	simm.s32 @!p0 $0x108  }
0x21: {  	s3 =	sadd.s32 s3, s9;
	s6 =	sadd.s32 @!p0 $0x88, s6;
	s7 =	simm.s32 @p2 $0x1082  }
0x22: {  	[simem:s7], [sflag:s8] =	dma.local @!p0 [hbm:s6], $0xF7A  }
0x23: {  	s9 =	sor.u32 $0xD0000000, s2;
	s6 =	simm.s32 $0x108;
	_ =	swait.ge @!p0 [sflag:s8], $0x0  }
0x24: {  	s3 =	sadd.s32 $0x88, s3;
	s6 =	simm.s32 @!p1 $0x1082;
	[sflag:s4] =	ssyncset.s32 $0xFFFFF086  }
0x25: {  	[simem:s6], [sflag:s4] =	dma.local [hbm:s3], $0xF7A  }
0x26: {  	[smem:$0x3F9F] =	sst s1;
	(tag) =	ssettag s2;
	_ =	strace s9  }
0x27: {  	s1 =	sld [smem:$0x3FAF]  }
0x28: {  	s2 =	sld [smem:$0x3FB0]  }
0x29: {  	s4 =	sld [smem:$0x3FB2]  }
0x2a: {  	p0 =	seq.s32 s5, $0x0;
	s5 =	sld [smem:$0x3FB3]  }
0x2b: {  	s6 =	sld [smem:$0x3FB4]  }
0x2c: {  	s7 =	sld [smem:$0x3FB5]  }
0x2d: {  	s3 =	simm.s32 $0x108;
	s8 =	sld [smem:$0x3FB6]  }
0x2e: {  	s3 =	simm.s32 @!p0 $0x1082;
	s9 =	sld [smem:$0x3FB7]  }
0x2f: {  	lr =	sadd.s32 s0, s3;
	s0 =	sld [smem:$0x3FAE]  }
0x30: {  	s3 =	sld [smem:$0x3FB1]  }
0x31: {  	[smem:$0x3FBA] =	sst s10  }
0x32: {  	s10 =	sld [smem:$0x3FB8];
	_ =	sdelay $0x3  }
0x33: {  	p0 =	seq.s32 s10, $0x1;
	s10 =	sld [smem:$0x3FBA];
	_ =	sdelay $0x3  }
0x34: {  	[smem:$0x3FBA] =	sst s10  }
0x35: {  	s10 =	sld [smem:$0x3FB9];
	_ =	sdelay $0x3  }
0x36: {  	p1 =	seq.s32 s10, $0x1;
	s10 =	sld [smem:$0x3FBA];
	_ =	sdelay $0x3  }
0x37: {  	[smem:$0x3FBA] =	sst s10  }
0x38: {  	s10 =	sld [smem:$0x3FBB]  }
0x39: {  	_ = 	snop;
	(pc) =	sbr.ind lr, $3  }
0x3a: {  	_ = 	snop  }
0x3b: {  	_ = 	snop  }
0x3c: {  	p2 =	seq.s32 s10, $0x1;
	s10 =	sld [smem:$0x3FBA]  }
0x3d: {  	_ =	shalt  }
0x3e: {  	_ =	shalt  }
0x3f: {  	_ =	shalt  }
0x40: {  	_ =	shalt  }
0x41: {  	_ =	shalt  }
0x42: {  	_ =	shalt  }
0x43: {  	_ =	shalt  }
0x44: {  	_ =	shalt  }
0x45: {  	_ =	shalt  }
0x46: {  	_ =	shalt  }
0x47: {  	_ =	shalt  }
0x48: {  	_ =	shalt  }
0x49: {  	_ =	shalt  }
0x4a: {  	_ =	shalt  }
0x4b: {  	_ =	shalt  }
0x4c: {  	_ =	shalt  }
0x4d: {  	_ =	shalt  }
0x4e: {  	_ =	shalt  }
0x4f: {  	_ =	shalt  }
0x50: {  	_ =	shalt  }
0x51: {  	_ =	shalt  }
0x52: {  	_ =	shalt  }
0x53: {  	_ =	shalt  }
0x54: {  	_ =	shalt  }
0x55: {  	_ =	shalt  }
0x56: {  	_ =	shalt  }
0x57: {  	_ =	shalt  }
0x58: {  	_ =	shalt  }
0x59: {  	_ =	shalt  }
0x5a: {  	_ =	shalt  }
0x5b: {  	_ =	shalt  }
0x5c: {  	_ =	shalt  }
0x5d: {  	_ =	shalt  }
0x5e: {  	_ =	shalt  }
0x5f: {  	_ =	shalt  }
0x60: {  	_ =	shalt  }
0x61: {  	_ =	shalt  }
0x62: {  	_ =	shalt  }
0x63: {  	_ =	shalt  }
0x64: {  	_ =	shalt  }
0x65: {  	_ =	shalt  }
0x66: {  	_ =	shalt  }
0x67: {  	_ =	shalt  }
0x68: {  	_ =	shalt  }
0x69: {  	_ =	shalt  }
0x6a: {  	_ =	shalt  }
0x6b: {  	_ =	shalt  }
0x6c: {  	_ =	shalt  }
0x6d: {  	_ =	shalt  }
0x6e: {  	_ =	shalt  }
0x6f: {  	_ =	shalt  }
0x70: {  	_ =	shalt  }
0x71: {  	_ =	shalt  }
0x72: {  	_ =	shalt  }
0x73: {  	_ =	shalt  }
0x74: {  	_ =	shalt  }
0x75: {  	_ =	shalt  }
0x76: {  	_ =	shalt  }
0x77: {  	_ =	shalt  }
0x78: {  	_ =	shalt  }
0x79: {  	_ =	shalt  }
0x7a: {  	_ =	shalt  }
0x7b: {  	_ =	shalt  }
0x7c: {  	_ =	shalt  }
0x7d: {  	_ =	shalt  }
0x7e: {  	_ =	shalt  }
0x7f: {  	_ =	shalt  }
0x80: {  	_ =	shalt  }
0x81: {  	_ =	shalt  }
0x82: {  	_ =	shalt  }
0x83: {  	_ =	shalt  }
0x84: {  	_ =	shalt  }
0x85: {  	_ =	shalt  }
0x86: {  	_ =	shalt  }
0x87: {  	_ =	shalt  }
.Lfunc_end0:
.L_simem_size_0:
called_computation_lowered:
.L_overlay_start_0:
0x88: {  	s2 =	sld [smem:$0x3FD9]  }
0x89: {  	s3 =	sld [smem:$0x3FFE];
	_ =	sdelay $0x1  }
0x8a: {  	s1 =	srdreg.scid  }
0x8b: {  	s0 =	sand.u32 $0x1, s1  }
0x8c: {  	s17 =	sshll.u32 s0, $0xA;
	s2 =	sadd.s32 s3, s2  }
0x8d: {  	s2 =	sadd.s32 s2, s17  }
0x8e: {  	[smem:$0x3FC6] =	sst s2  }
0x8f: {  	_ = 	snop  }
0x90: {  	s2 =	sld [smem:$0x3FD0];
	(tm) =	ssettm $0x1  }
0x91: {  	s18 =	sld [smem:$0x3FFB];
	_ =	sdelay $0x3  }
0x92: {  	_ =	strace s18  }
0x93: {  	s3 =	sld [smem:$0x3FFC];
	_ =	sdelay $0x3  }
0x94: {  	_ =	strace s3  }
0x95: {  	s3 =	sld [smem:$0x3FFD];
	_ =	sdelay $0x3  }
0x96: {  	_ =	strace s3  }
0x97: {  	_ =	strace $0x8FFFFFFF  }
0x98: {  	s19 =	sld [smem:$0x3FDB];
	_ =	sdelay $0x1  }
0x99: {  	s4 =	simm.s32 $_scs_section_size  }
0x9a: {  	s5 =	simm.s32 $_size__tile_overlayer_lowered;
	s6 =	simm.s32 $_tile_overlayer_lowered  }
0x9b: {  	s22 =	simm.s32 $0x1BFF;
	s21 =	sshll.u32 s6, $0x1;
	s3 =	sadd.s32 s4, s19  }
0x9c: {  	s7 =	simm.s32 $0x0;
	s20 =	sshll.u32 s5, $0x1;
	s5 =	sadd.s32 s21, s3  }
0x9d: {  	[timem:s7], [sflag:s22] =	dma.local [hbm:s5], s20  }
0x9e: {  	_ =	swait.ge [sflag:s22], s20  }
0x9f: {  	s4 =	ssub.s32 $0x0, s20;
	[sflag:s22] =	ssyncset.done $0x0  }
0xa0: {  	[sflag:s22] =	ssyncadd.s32 s4;
	_ =	sdelay $0x1  }
0xa1: {  	s23 =	simm.s32 $0x1B8B  }
0xa2: {  	_ =	swait.ge [sflag:s23], $0x1  }
0xa3: {  	[sflag:s23] =	ssyncset.done $0x0  }
0xa4: {  	s25 =	simm.s32 $0x1B8E;
	s24 =	sld [smem:$0x3FFE];
	[sflag:s23] =	ssyncadd.s32 $0xFFFFFFFF  }
0xa5: {  	s26 =	simm.s32 $execute0_lowered;
	[smem:$0x3FD2] =	sst s25  }
0xa6: {  	s5 =	sshll.u32 s26, $0x1;
	_ =	strace $0x80000046;
	[dreg:$0x1] =	wrdreg $0xFFFFFFFF  }
0xa7: {  	s28 =	simm.s32 $_size_execute0_lowered;
	s3 =	sadd.s32 s3, s5;
	[dreg:$0x0] =	wrdreg $0x0  }
0xa8: {  	s5 =	sshll.u32 s28, $0x1;
	[dreg:$0x2] =	wrdreg s3  }
0xa9: {  	[dreg:$0x3] =	wrdreg s5  }
0xaa: {  	[dreg:$0x4] =	wrdreg $0xC0  }
0xab: {  	_ =	task [dreg:s7], $0x5FFFF  }
0xac: {  	[dreg:$0x1] =	wrdreg $0xFFFFFFFF  }
0xad: {  	[dreg:$0x0] =	wrdreg $0x60  }
0xae: {  	[dreg:$0x2] =	wrdreg s24  }
0xaf: {  	[dreg:$0x3] =	wrdreg s2  }
0xb0: {  	[dreg:$0x4] =	wrdreg $0x9  }
0xb1: {  	_ =	task.clear_ibuf [dreg:s7], $0x5FFFF;
	_ =	strace $0x90000046  }
0xb2: {  	s29 =	simm.s32 $0x9;
	_ =	strace $0x80000048  }
0xb3: {  	_ =	swait.ge [sflag:s29], $0x1  }
0xb4: {  	[sflag:s29] =	ssyncadd.s32 $0xFFFFFFFF  }
0xb5: {  	_ =	strace $0x90000048  }
0xb6: {  	_ =	sfence  }
0xb7: {  	s30 =	sld [smem:$0x0];
	_ =	sdelay $0x2  }
0xb8: {  	s31 =	sshll.u32 s1, $0xD;
	s1 =	sshrl.u32 s1, $0x2  }
0xb9: {  	s3 =	sand.u32 $0x4000, s31;
	s1 =	sadd.s32 s1, s30  }
0xba: {  	s0 =	sor.u32 s3, s0;
	s1 =	sshll.u32 s1, $0x11  }
0xbb: {  	s0 =	sor.u32 s1, s0  }
0xbc: {  	s0 =	sadd.s32 $0x8F2B, s0  }
0xbd: {  	[sflag:s0] =	ssyncadd.remote.s32 $0x1  }
0xbe: {  	_ =	sfence.sel $0xFFFF  }
0xbf: {  	[dreg:$0x0] =	wrdreg $0xFFFFFFFF;
	(pc) =	sbr.abs _section_cstart, $3  }
0xc0: {  	[dreg:$0x1] =	wrdreg $0xFFFFFFFF  }
0xc1: {  	_ =	task.clear_ibuf [dreg:s7], $0x2FFFF;
	_ =	strace $0x9FFFFFFF  }
0xc2: {  	(tm) =	ssettm $0x7FFFFFFF  }
0xc3: {  	_ =	shalt  }
tec
execute0_lowered:
.L_overlay_start_1:
0x0: {  	(tag) =	ssettag $0x1  }
0x1: {  	s0 =	rddreg [dreg:$0x0]  }
0x2: {  	s2 =	rddreg [dreg:$0x1];
	s1 =	srdreg.scid  }
0x3: {  	s4 =	stileid.u32;
	s3 =	simm.s32 $0x0;
	s10 =	simm.s32 $0x80  }
0x4: {  	s13 =	simm.s32 $0x6400;
	s14 =	simm.s32 $0x8400;
	s16 =	simm.s32 $0xA400  }
0x5: {  	s19 =	simm.s32 $0xE400;
	s20 =	simm.s32 $0x2;
	s21 =	simm.s32 $0x6  }
0x6: {  	s22 =	simm.s32 $0x10600;
	s23 =	simm.s32 $0x3;
	s24 =	simm.s32 $0x7  }
0x7: {  	s28 =	simm.s32 $0x8;
	s29 =	simm.s32 $0x14A00;
	s30 =	simm.s32 $0x5  }
0x8: {  	s31 =	simm.s32 $0x0;
	s1 =	sand.u32 $0x1, s1;
	s4 =	sshll.u32 s4, $0x1  }
0x9: {  	[smem:$0x7FF] =	sst s3;
	s7 =	sadd.s32 $0x8000, s2;
	s5 =	sor.u32 s1, s4  }
0xa: {  	s8 =	sadd.s32 $0x10000, s2;
	s1 =	ssub.s32 $0x2, s1;
	s4 =	sshll.u32 s5, $0x4  }
0xb: {  	v0 =	vlaneseq.u32;
	_ =	strace $0x80000047;
	s25 =	sshrl.u32 s1, $0x1;
	s6 =	sadd.s32 s4, s0  }
0xc: {  	v0 =	vmul.u32 $0x88, v0;
	s4 =	sadd.s32 $0xF42A00, s0;
	s0 =	ssub.s32 s1, s25;
	s26 =	sadd.s32 $0x600, s6  }
0xd: {  	s25 =	simm.s32 $0x12800;
	s0 =	smax.u32 s0, $0x1;
	[dreg:$0x3] =	wrdreg s26  }
0xe: {  	v1 =	vadd.s32 $0x880, v0;
	v2 =	vadd.s32 $0x1100, v0;
	v3 =	vadd.s32 $0x1980, v0;
	s6 =	sshll.u32 s5, $0xA;
	[dreg:$0x4] =	wrdreg s0;
	s26 =	simm.s32 $0x4  }
.LBB2_1:
0xf: {  	s0 =	rddreg [dreg:$0x3];
	s1 =	simm.s32 $0x1000;
	s12 =	simm.s32 $0x9  }
0x10: {  	[tilespmem:s3], [sflag:$0x9] =	stream.strided.gather [hbm4b:s0+s10], $0x6400, s1, s10, $0x38;
	[tilespmem:$0x16C00] =	vst v63  }
0x11: {  	_ =	swait.ge [sflag:s12], $0x6400  }
0x12: {  	[sflag:s12] =	ssyncset.done $0x0  }
0x13: {  	[sflag:s12] =	ssyncadd.s32 $0xFFFF9C00  }
0x14: {  	[tilespmem:s13], [sflag:$0x1] =	stream.indirect.gather [hbm4b:s4+s10], $0x40, s3, s10, $0xb8;
	[tilespmem:$0x16C00] =	vst v63  }
0x15: {  	_ = 	snop  }
0x16: {  	[tilespmem:s14], [sflag:$0x2] =	stream.indirect.gather [hbm4b:s4+s10], $0x40, s10, s10, $0xb8;
	[tilespmem:$0x16C00] =	vst v63  }
0x17: {  	s15 =	simm.s32 $0x100  }
0x18: {  	[tilespmem:s16], [sflag:$0x3] =	stream.indirect.gather [hbm4b:s4+s10], $0x40, s15, s10, $0xb8;
	[tilespmem:$0x16C00] =	vst v63  }
0x19: {  	s17 =	simm.s32 $0x180;
	s18 =	simm.s32 $0xC400;
	s0 =	simm.s32 $0x0  }
0x1a: {  	[tilespmem:s18], [sflag:$0x4] =	stream.indirect.gather [hbm4b:s4+s10], $0x40, s17, s10, $0xb8;
	[tilespmem:$0x16C00] =	vst v63  }
.LBB2_2:
0x1b: {  	p0 =	seq.s32 s0, $0x0;
	s1 =	sshllo.u32 s0, $0x2  }
0x1c: {  	s5 =	sshll.u32 @!p0 s1, $0x7  }
0x1d: {  	s9 =	simm.s32 @!p0 $0x80;
	s11 =	simm.s32 @!p0 $0xC400;
	s5 =	sand.u32 @!p0 $0x3FFFFF80, s5  }
0x1e: {  	[tilespmem:s11], [sflag:$0x4] =	stream.indirect.gather @!p0 [hbm4b:s4+s9], $0x40, s5, s9, $0xb8;
	[tilespmem:$0x16C00] =	vst v63  }
0x1f: {  	s5 =	simm.s32 @!p0 $0x1  }
0x20: {  	_ =	swait.ge @!p0 [sflag:s5], $0x2000  }
0x21: {  	s9 =	simm.s32 @!p0 $0x5;
	[sflag:s5] =	ssyncset.done @!p0 $0x0  }
0x22: {  	s9 =	simm.s32 @p0 $0x1;
	[sflag:s5] =	ssyncadd.s32 @!p0 $0xFFFFE000  }
0x23: {  	_ =	swait.ge [sflag:s9], $0x2000  }
0x24: {  	[sflag:s9] =	ssyncset.done $0x0  }
0x25: {  	s18 =	simm.s32 $0x6480;
	s15 =	simm.s32 $0x3;
	[sflag:s9] =	ssyncadd.s32 $0xFFFFE000  }
0x26: {  	v4 =	vmov s15;
	v5 =	vld [tilespmem:s18+$0x40]  }
0x27: {  	s17 =	simm.s32 $0x0;
	v9 =	vand.u32 $0x7F, v4  }
0x28: {  	v6 =	vmov s17;
	v4 =	vadd.s32 v0, v9  }
0x29: {  	v8 =	vand.u32 $0x7C, v6;
	s9 =	simm.s32 $0x1;
	v7 =	vld [tilespmem:s18+$0xFFFFFF80]  }
0x2a: {  	s11 =	simm.s32 $0x2;
	v12 =	vadd.s32 v0, v8;
	v6 =	vmov s9;
	v10 =	vld [tilespmem:s18+$0xFFFFFFC0]  }
0x2b: {  	v11 =	vmov s11;
	v15 =	vand.u32 $0x7D, v6;
	v6 =	vld [tilespmem:s18+$0x0];
	v5 =	vmul.f32 $8.000000000e+00, v5  }
0x2c: {  	v17 =	vand.u32 $0x7E, v11;
	v13 =	vadd.s32 v0, v15  }
0x2d: {  	v11 =	vadd.s32 v0, v17;
	[tilespmem:v4+s19+$0x0] =	vst.idx.msk $0xffff, v5  }
0x2e: {  	v4 =	vmul.f32 $8.000000000e+00, v7;
	v5 =	vld [tilespmem:s18+$0x50]  }
0x2f: {  	v7 =	vmul.f32 $8.000000000e+00, v10  }
0x30: {  	[tilespmem:v12+s19+$0x0] =	vst.idx.msk $0xffff, v4;
	v4 =	vmul.f32 $8.000000000e+00, v6;
	v6 =	vadd.s32 v1, v9  }
0x31: {  	[tilespmem:v13+s19+$0x0] =	vst.idx.msk $0xffff, v7;
	v10 =	vld [tilespmem:s18+$0xFFFFFF90]  }
0x32: {  	v7 =	vld [tilespmem:s18+$0xFFFFFFD0];
	[tilespmem:v11+s19+$0x0] =	vst.idx.msk $0xffff, v4  }
0x33: {  	v11 =	vld [tilespmem:s18+$0x10];
	v4 =	vmul.f32 $8.000000000e+00, v5  }
0x34: {  	s12 =	simm.s32 $0x4;
	s15 =	simm.s32 $0x7;
	s11 =	simm.s32 $0x6580;
	v12 =	vadd.s32 v1, v15  }
0x35: {  	v14 =	vld [tilespmem:s11+$0x40];
	v13 =	vadd.s32 v1, v17;
	v5 =	vmov s12;
	[tilespmem:v6+s19+$0x0] =	vst.idx.msk $0xffff, v4;
	v6 =	vmov s15  }
0x36: {  	v16 =	vadd.s32 v1, v8;
	v4 =	vand.u32 $0x7C, v5;
	v5 =	vand.u32 $0x7F, v6;
	v18 =	vld [tilespmem:s18+$0x60]  }
0x37: {  	s17 =	simm.s32 $0x5;
	v22 =	vadd.s32 v2, v9;
	v19 =	vld [tilespmem:s11+$0xFFFFFF80];
	v6 =	vmul.f32 $8.000000000e+00, v7;
	v20 =	vadd.s32 v0, v5  }
0x38: {  	s9 =	simm.s32 $0x6;
	v21 =	vld [tilespmem:s11+$0xFFFFFFC0];
	v10 =	vmul.f32 $8.000000000e+00, v10;
	v7 =	vmul.f32 $8.000000000e+00, v11;
	v11 =	vmov s17  }
0x39: {  	v23 =	vadd.s32 v0, v4;
	[tilespmem:v12+s19+$0x0] =	vst.idx.msk $0xffff, v6;
	v12 =	vmov s9;
	v6 =	vand.u32 $0x7D, v11;
	v11 =	vld [tilespmem:s11+$0x0]  }
0x3a: {  	[tilespmem:v13+s19+$0x0] =	vst.idx.msk $0xffff, v7;
	v13 =	vadd.s32 v0, v6;
	v7 =	vand.u32 $0x7E, v12;
	v12 =	vmul.f32 $8.000000000e+00, v14;
	v14 =	vld [tilespmem:s18+$0xFFFFFFE0]  }
0x3b: {  	[tilespmem:v16+s19+$0x0] =	vst.idx.msk $0xffff, v10;
	v10 =	vadd.s32 v0, v7;
	v16 =	vld [tilespmem:s18+$0x20];
	v18 =	vmul.f32 $8.000000000e+00, v18  }
0x3c: {  	v19 =	vmul.f32 $8.000000000e+00, v19;
	[tilespmem:v20+s19+$0x0] =	vst.idx.msk $0xffff, v12;
	v12 =	vld [tilespmem:s18+$0xFFFFFFA0];
	v20 =	vadd.s32 v2, v15  }
0x3d: {  	v25 =	vadd.s32 v2, v17;
	v21 =	vmul.f32 $8.000000000e+00, v21;
	v24 =	vld [tilespmem:s11+$0x50];
	[tilespmem:v22+s19+$0x0] =	vst.idx.msk $0xffff, v18  }
0x3e: {  	[tilespmem:v23+s19+$0x0] =	vst.idx.msk $0xffff, v19;
	v19 =	vadd.s32 v2, v8;
	v11 =	vmul.f32 $8.000000000e+00, v11;
	v22 =	vld [tilespmem:s18+$0x70]  }
0x3f: {  	v23 =	vld [tilespmem:s11+$0xFFFFFF90];
	[tilespmem:v13+s19+$0x0] =	vst.idx.msk $0xffff, v21;
	v21 =	vadd.s32 v1, v5;
	v14 =	vmul.f32 $8.000000000e+00, v14  }
0x40: {  	v27 =	vadd.s32 v3, v9;
	v26 =	vld [tilespmem:s11+$0xFFFFFFD0];
	[tilespmem:v10+s19+$0x0] =	vst.idx.msk $0xffff, v11;
	v10 =	vmul.f32 $8.000000000e+00, v16  }
0x41: {  	v18 =	vadd.s32 v1, v4;
	v13 =	vld [tilespmem:s11+$0x10];
	v9 =	vmul.f32 $8.000000000e+00, v12;
	[tilespmem:v20+s19+$0x0] =	vst.idx.msk $0xffff, v14  }
0x42: {  	s17 =	simm.s32 $0x8;
	v16 =	vadd.s32 v1, v6;
	[tilespmem:v25+s19+$0x0] =	vst.idx.msk $0xffff, v10;
	v14 =	vmul.f32 $8.000000000e+00, v24;
	v12 =	vld [tilespmem:s18+$0xFFFFFFF0]  }
0x43: {  	v20 =	vmov s17;
	v10 =	vadd.s32 v1, v7;
	v11 =	vld [tilespmem:s18+$0x30];
	[tilespmem:v19+s19+$0x0] =	vst.idx.msk $0xffff, v9;
	v63 =	vmul.f32 $8.000000000e+00, v22  }
0x44: {  	s12 =	simm.s32 $0xB;
	s15 =	simm.s32 $0x6680;
	v15 =	vadd.s32 v3, v15;
	v9 =	vand.u32 $0x7C, v20;
	v20 =	vmul.f32 $8.000000000e+00, v23;
	[tilespmem:v21+s19+$0x0] =	vst.idx.msk $0xffff, v14;
	v14 =	vld [tilespmem:s18+$0xFFFFFFB0]  }
0x45: {  	s5 =	simm.s32 $0xC;
	v17 =	vadd.s32 v3, v17;
	v22 =	vmov s12;
	v19 =	vld [tilespmem:s15+$0x40];
	v21 =	vmul.f32 $8.000000000e+00, v26;
	[tilespmem:v27+s19+$0x0] =	vst.idx.msk $0xffff, v63  }
.LBB2_3:
0x46: {  	p1 =	slt.u32 s5, $0x7C;
	s9 =	sadd.s32 $0x1, s17;
	v22 =	vand.u32 $0x7F, v22;
	[tilespmem:v18+s19+$0x0] =	vst.idx.msk $0xffff, v20;
	v13 =	vmul.f32 $8.000000000e+00, v13;
	v18 =	vld [tilespmem:s11+$0x60];
	v20 =	vadd.s32 v3, v8;
	v8 =	vmovc v4  }
0x47: {  	v4 =	vmovc v9;
	v23 =	vld [tilespmem:s15+$0xFFFFFF80];
	v24 =	vmov s9;
	s9 =	sadd.s32 $0x2, s17;
	v25 =	vadd.s32 v0, v22;
	[tilespmem:v16+s19+$0x0] =	vst.idx.msk $0xffff, v21;
	v12 =	vmul.f32 $8.000000000e+00, v12;
	s17 =	smov.u32 s5  }
0x48: {  	v9 =	vld [tilespmem:s15+$0xFFFFFFC0];
	v16 =	vmov s9;
	[tilespmem:v10+s19+$0x0] =	vst.idx.msk $0xffff, v13;
	v10 =	vadd.s32 v2, v5;
	v11 =	vmul.f32 $8.000000000e+00, v11  }
0x49: {  	v13 =	vadd.s32 v0, v4;
	v21 =	vand.u32 $0x7D, v24;
	v24 =	vld [tilespmem:s15+$0x0];
	v14 =	vmul.f32 $8.000000000e+00, v14;
	[tilespmem:v15+s19+$0x0] =	vst.idx.msk $0xffff, v12  }
0x4a: {  	v12 =	vadd.s32 v0, v21;
	v26 =	vand.u32 $0x7E, v16;
	v15 =	vmul.f32 $8.000000000e+00, v19;
	v16 =	vld [tilespmem:s11+$0xFFFFFFE0];
	[tilespmem:v17+s19+$0x0] =	vst.idx.msk $0xffff, v11  }
0x4b: {  	v11 =	vadd.s32 v0, v26;
	v17 =	vld [tilespmem:s11+$0x20];
	v18 =	vmul.f32 $8.000000000e+00, v18;
	[tilespmem:v20+s19+$0x0] =	vst.idx.msk $0xffff, v14  }
0x4c: {  	v19 =	vadd.s32 v2, v6;
	v14 =	vmul.f32 $8.000000000e+00, v23;
	[tilespmem:v25+s19+$0x0] =	vst.idx.msk $0xffff, v15;
	v15 =	vld [tilespmem:s11+$0xFFFFFFA0]  }
0x4d: {  	v23 =	vadd.s32 v2, v7;
	v9 =	vmul.f32 $8.000000000e+00, v9;
	v20 =	vld [tilespmem:s15+$0x50];
	[tilespmem:v10+s19+$0x0] =	vst.idx.msk $0xffff, v18  }
0x4e: {  	[tilespmem:v13+s19+$0x0] =	vst.idx.msk $0xffff, v14;
	v10 =	vmul.f32 $8.000000000e+00, v24;
	v14 =	vadd.s32 v2, v8;
	v24 =	vld [tilespmem:s11+$0x70]  }
0x4f: {  	v27 =	vadd.s32 v1, v22;
	v25 =	vld [tilespmem:s15+$0xFFFFFF90];
	[tilespmem:v12+s19+$0x0] =	vst.idx.msk $0xffff, v9;
	v9 =	vmul.f32 $8.000000000e+00, v16  }
0x50: {  	v29 =	vadd.s32 v3, v5;
	v5 =	vmov v22;
	v28 =	vld [tilespmem:s15+$0xFFFFFFD0];
	[tilespmem:v11+s19+$0x0] =	vst.idx.msk $0xffff, v10;
	v10 =	vmul.f32 $8.000000000e+00, v17  }
.Ltmp0:
0x51: {  	v18 =	vadd.s32 v1, v4;
	v13 =	vld [tilespmem:s15+$0x10];
	v11 =	vmul.f32 $8.000000000e+00, v15;
	[tilespmem:v19+s19+$0x0] =	vst.idx.msk $0xffff, v9;
	(pc) =	sbr.rel @p1 .LBB2_3-.Ltmp0, $4  }
0x52: {  	v16 =	vadd.s32 v1, v21;
	v15 =	vmul.f32 $8.000000000e+00, v20;
	v12 =	vld [tilespmem:s11+$0xFFFFFFF0];
	[tilespmem:v23+s19+$0x0] =	vst.idx.msk $0xffff, v10  }
0x53: {  	v9 =	vmov s5;
	v10 =	vadd.s32 v1, v26;
	[tilespmem:v14+s19+$0x0] =	vst.idx.msk $0xffff, v11;
	v11 =	vld [tilespmem:s11+$0x30];
	v23 =	vmul.f32 $8.000000000e+00, v24  }
0x54: {  	s9 =	sadd.s32 $0x3, s5;
	v9 =	vand.u32 $0x7C, v9;
	v20 =	vmul.f32 $8.000000000e+00, v25;
	[tilespmem:v27+s19+$0x0] =	vst.idx.msk $0xffff, v15;
	v14 =	vld [tilespmem:s11+$0xFFFFFFB0];
	v15 =	vadd.s32 v3, v6;
	v6 =	vmovc v21;
	s11 =	smov.u32 s15;
	s15 =	sadd.s32 $0x100, s15  }
0x55: {  	v22 =	vmov s9;
	v17 =	vadd.s32 v3, v7;
	v7 =	vmovc v26;
	s5 =	sadd.s32 $0x4, s5;
	v19 =	vld [tilespmem:s15+$0x40];
	v21 =	vmul.f32 $8.000000000e+00, v28;
	[tilespmem:v29+s19+$0x0] =	vst.idx.msk $0xffff, v23  }
0x56: {  	s5 =	sadd.s32 $0x1, s17;
	v22 =	vand.u32 $0x7F, v22;
	v28 =	vld [tilespmem:s15+$0xFFFFFF80]  }
0x57: {  	s17 =	sadd.s32 $0x2, s17;
	v24 =	vld [tilespmem:s15+$0xFFFFFFC0];
	v23 =	vmov s5;
	v25 =	vadd.s32 v0, v22  }
0x58: {  	v27 =	vld [tilespmem:s15+$0x0];
	v51 =	vadd.s32 v0, v9;
	v26 =	vmov s17;
	v23 =	vand.u32 $0x7D, v23  }
0x59: {  	v26 =	vand.u32 $0x7E, v26;
	v29 =	vadd.s32 v0, v23  }
0x5a: {  	[tilespmem:v18+s19+$0x0] =	vst.idx.msk $0xffff, v20;
	v30 =	vadd.s32 v0, v26;
	v19 =	vmul.f32 $8.000000000e+00, v19  }
0x5b: {  	[tilespmem:v16+s19+$0x0] =	vst.idx.msk $0xffff, v21;
	v54 =	vmul.f32 $8.000000000e+00, v28  }
0x5c: {  	v52 =	vmul.f32 $8.000000000e+00, v24;
	[tilespmem:v25+s19+$0x0] =	vst.idx.msk $0xffff, v19  }
0x5d: {  	v53 =	vmul.f32 $8.000000000e+00, v27;
	v55 =	vld [tilespmem:s15+$0x50];
	[tilespmem:v51+s19+$0x0] =	vst.idx.msk $0xffff, v54  }
0x5e: {  	v13 =	vmul.f32 $8.000000000e+00, v13;
	v8 =	vadd.s32 v3, v8;
	[tilespmem:v29+s19+$0x0] =	vst.idx.msk $0xffff, v52;
	v59 =	vld [tilespmem:s15+$0xFFFFFF90]  }
0x5f: {  	v12 =	vmul.f32 $8.000000000e+00, v12;
	v57 =	vadd.s32 v1, v22;
	[tilespmem:v30+s19+$0x0] =	vst.idx.msk $0xffff, v53;
	v56 =	vld [tilespmem:s15+$0xFFFFFFD0]  }
0x60: {  	[tilespmem:v10+s19+$0x0] =	vst.idx.msk $0xffff, v13;
	v58 =	vmul.f32 $8.000000000e+00, v11;
	v28 =	vadd.s32 v1, v9;
	v19 =	vld [tilespmem:s15+$0x10]  }
0x61: {  	v61 =	vld [tilespmem:s11+$0x60];
	v60 =	vadd.s32 v1, v23;
	v14 =	vmul.f32 $8.000000000e+00, v14;
	[tilespmem:v15+s19+$0x0] =	vst.idx.msk $0xffff, v12  }
0x62: {  	v32 =	vld [tilespmem:s11+$0xFFFFFFA0];
	v62 =	vadd.s32 v1, v26;
	[tilespmem:v17+s19+$0x0] =	vst.idx.msk $0xffff, v58;
	v16 =	vmul.f32 $8.000000000e+00, v55  }
0x63: {  	[tilespmem:v8+s19+$0x0] =	vst.idx.msk $0xffff, v14;
	v29 =	vadd.s32 v2, v5;
	v30 =	vld [tilespmem:s11+$0x20];
	v11 =	vmul.f32 $8.000000000e+00, v59  }
0x64: {  	v38 =	vadd.s32 v2, v4;
	v63 =	vld [tilespmem:s11+$0xFFFFFFE0];
	v31 =	vmul.f32 $8.000000000e+00, v56;
	[tilespmem:v57+s19+$0x0] =	vst.idx.msk $0xffff, v16  }
0x65: {  	v35 =	vadd.s32 v2, v7;
	v34 =	vmul.f32 $8.000000000e+00, v19;
	v36 =	vld [tilespmem:s15+$0x60];
	[tilespmem:v28+s19+$0x0] =	vst.idx.msk $0xffff, v11  }
0x66: {  	v33 =	vadd.s32 v2, v6;
	v37 =	vmul.f32 $8.000000000e+00, v61;
	[tilespmem:v60+s19+$0x0] =	vst.idx.msk $0xffff, v31;
	v43 =	vld [tilespmem:s15+$0xFFFFFFA0]  }
0x67: {  	v40 =	vadd.s32 v2, v22;
	v14 =	vmul.f32 $8.000000000e+00, v32;
	[tilespmem:v62+s19+$0x0] =	vst.idx.msk $0xffff, v34;
	v39 =	vld [tilespmem:s15+$0xFFFFFFE0]  }
0x68: {  	v48 =	vadd.s32 v2, v9;
	[tilespmem:v29+s19+$0x0] =	vst.idx.msk $0xffff, v37;
	v42 =	vmul.f32 $8.000000000e+00, v30;
	v41 =	vld [tilespmem:s15+$0x20]  }
0x69: {  	v44 =	vadd.s32 v2, v23;
	v15 =	vmul.f32 $8.000000000e+00, v63;
	[tilespmem:v38+s19+$0x0] =	vst.idx.msk $0xffff, v14;
	v45 =	vld [tilespmem:s11+$0x70]  }
0x6a: {  	v46 =	vadd.s32 v2, v26;
	v14 =	vld [tilespmem:s11+$0xFFFFFFB0];
	[tilespmem:v35+s19+$0x0] =	vst.idx.msk $0xffff, v42;
	v47 =	vmul.f32 $8.000000000e+00, v36  }
0x6b: {  	v5 =	vadd.s32 v3, v5;
	[tilespmem:v33+s19+$0x0] =	vst.idx.msk $0xffff, v15;
	v49 =	vld [tilespmem:s11+$0x30];
	v53 =	vmul.f32 $8.000000000e+00, v43  }
0x6c: {  	v4 =	vadd.s32 v3, v4;
	v21 =	vld [tilespmem:s11+$0xFFFFFFF0];
	v12 =	vmul.f32 $8.000000000e+00, v39;
	[tilespmem:v40+s19+$0x0] =	vst.idx.msk $0xffff, v47  }
0x6d: {  	v52 =	vadd.s32 v3, v7;
	v51 =	vmul.f32 $8.000000000e+00, v41;
	v10 =	vld [tilespmem:s15+$0x70];
	[tilespmem:v48+s19+$0x0] =	vst.idx.msk $0xffff, v53  }
0x6e: {  	v50 =	vadd.s32 v3, v6;
	v54 =	vmul.f32 $8.000000000e+00, v45;
	[tilespmem:v44+s19+$0x0] =	vst.idx.msk $0xffff, v12;
	v59 =	vld [tilespmem:s15+$0xFFFFFFB0]  }
0x6f: {  	v57 =	vadd.s32 v3, v22;
	v14 =	vmul.f32 $8.000000000e+00, v14;
	[tilespmem:v46+s19+$0x0] =	vst.idx.msk $0xffff, v51;
	v55 =	vld [tilespmem:s15+$0xFFFFFFF0]  }
0x70: {  	v62 =	vadd.s32 v3, v9;
	[tilespmem:v5+s19+$0x0] =	vst.idx.msk $0xffff, v54;
	v5 =	vmul.f32 $8.000000000e+00, v49;
	v58 =	vld [tilespmem:s15+$0x30]  }
0x71: {  	v56 =	vmul.f32 $8.000000000e+00, v21;
	v60 =	vadd.s32 v3, v23;
	[tilespmem:v4+s19+$0x0] =	vst.idx.msk $0xffff, v14  }
0x72: {  	v61 =	vadd.s32 v3, v26;
	[tilespmem:v52+s19+$0x0] =	vst.idx.msk $0xffff, v5;
	v5 =	vmul.f32 $8.000000000e+00, v10  }
0x73: {  	[tilespmem:v50+s19+$0x0] =	vst.idx.msk $0xffff, v56;
	v63 =	vmul.f32 $8.000000000e+00, v59  }
0x74: {  	s18 =	sshll.u32 s0, $0x14;
	v4 =	vmul.f32 $8.000000000e+00, v55;
	[tilespmem:v57+s19+$0x0] =	vst.idx.msk $0xffff, v5  }
0x75: {  	s5 =	sor.u32 s6, s18;
	v5 =	vmul.f32 $8.000000000e+00, v58;
	[tilespmem:v62+s19+$0x0] =	vst.idx.msk $0xffff, v63  }
0x76: {  	s11 =	sshrl.u32 s5, $0x3;
	[tilespmem:v60+s19+$0x0] =	vst.idx.msk $0xffff, v4  }
0x77: {  	s9 =	simm.s32 $0xE400;
	s15 =	sadd.s32 s2, s11;
	[tilespmem:v61+s19+$0x0] =	vst.idx.msk $0xffff, v5  }
0x78: {  	[hbm4b:s15+s3] =	stream.linear.scatter [tilespmem:s9], [sflag:$0x5], $0x80, $0x38;
	[tilespmem:$0x16C00] =	vst v63  }
0x79: {  	s12 =	simm.s32 $0xE488;
	s9 =	sadd.s32 $0x10, s15  }
0x7a: {  	[hbm4b:s9+s3] =	stream.linear.scatter [tilespmem:s12], [sflag:$0x5], $0x80, $0x38;
	[tilespmem:$0x16C00] =	vst v63  }
0x7b: {  	s17 =	simm.s32 $0xE510;
	s18 =	sadd.s32 $0x20, s15  }
0x7c: {  	[hbm4b:s18+s3] =	stream.linear.scatter [tilespmem:s17], [sflag:$0x5], $0x80, $0x38;
	[tilespmem:$0x16C00] =	vst v63  }
0x7d: {  	s9 =	simm.s32 $0xE598;
	s12 =	sadd.s32 $0x30, s15  }
0x7e: {  	[hbm4b:s12+s3] =	stream.linear.scatter [tilespmem:s9], [sflag:$0x5], $0x80, $0x38;
	[tilespmem:$0x16C00] =	vst v63  }
0x7f: {  	s17 =	simm.s32 $0xE620;
	s18 =	sadd.s32 $0x40, s15  }
0x80: {  	[hbm4b:s18+s3] =	stream.linear.scatter [tilespmem:s17], [sflag:$0x5], $0x80, $0x38;
	[tilespmem:$0x16C00] =	vst v63  }
0x81: {  	s5 =	simm.s32 $0x440;
	s9 =	simm.s32 $0xE6A8;
	s12 =	sadd.s32 $0x50, s15  }
0x82: {  	[hbm4b:s12+s3] =	stream.linear.scatter [tilespmem:s9], [sflag:$0x5], $0x80, $0x38;
	[tilespmem:$0x16C00] =	vst v63  }
0x83: {  	s17 =	simm.s32 $0xE730;
	s18 =	sadd.s32 $0x60, s15;
	s9 =	sadd.s32 $0x70, s15  }
0x84: {  	[hbm4b:s18+s3] =	stream.linear.scatter [tilespmem:s17], [sflag:$0x5], $0x80, $0x38;
	[tilespmem:$0x16C00] =	vst v63  }
0x85: {  	s15 =	sadd.s32 $0x1000, s15;
	s17 =	simm.s32 $0x2200;
	s18 =	simm.s32 $0xE7B8  }
.LBB2_5:
0x86: {  	[hbm4b:s9+s3] =	stream.linear.scatter [tilespmem:s18], [sflag:$0x5], $0x80, $0x38;
	[tilespmem:$0x16C00] =	vst v63  }
0x87: {  	s9 =	smov.u32 s5;
	s5 =	smov.u32 s17  }
0x88: {  	s12 =	sadd.s32 $0x1100, s17;
	s5 =	sshra.s32 s5, $0x2;
	s18 =	sadd.s32 $0xE400, s9  }
0x89: {  	[hbm4b:s15+s3] =	stream.linear.scatter [tilespmem:s18], [sflag:$0x5], $0x80, $0x38;
	[tilespmem:$0x16C00] =	vst v63  }
0x8a: {  	p1 =	sne.s32 s17, $0x7700;
	s17 =	sadd.s32 $0xE488, s9;
	s18 =	sadd.s32 $0x10, s15  }
0x8b: {  	[hbm4b:s18+s3] =	stream.linear.scatter [tilespmem:s17], [sflag:$0x5], $0x80, $0x38;
	[tilespmem:$0x16C00] =	vst v63  }
0x8c: {  	s17 =	sadd.s32 $0xE510, s9;
	s18 =	sadd.s32 $0x20, s15  }
0x8d: {  	[hbm4b:s18+s3] =	stream.linear.scatter [tilespmem:s17], [sflag:$0x5], $0x80, $0x38;
	[tilespmem:$0x16C00] =	vst v63  }
0x8e: {  	s17 =	sadd.s32 $0xE598, s9;
	s18 =	sadd.s32 $0x30, s15  }
0x8f: {  	[hbm4b:s18+s3] =	stream.linear.scatter [tilespmem:s17], [sflag:$0x5], $0x80, $0x38;
	[tilespmem:$0x16C00] =	vst v63  }
0x90: {  	s17 =	sadd.s32 $0xE620, s9;
	s18 =	sadd.s32 $0x40, s15  }
0x91: {  	[hbm4b:s18+s3] =	stream.linear.scatter [tilespmem:s17], [sflag:$0x5], $0x80, $0x38;
	[tilespmem:$0x16C00] =	vst v63  }
0x92: {  	s17 =	sadd.s32 $0xE6A8, s9;
	s18 =	sadd.s32 $0x50, s15  }
0x93: {  	[hbm4b:s18+s3] =	stream.linear.scatter [tilespmem:s17], [sflag:$0x5], $0x80, $0x38;
	[tilespmem:$0x16C00] =	vst v63  }
.Ltmp1:
0x94: {  	_ = 	snop;
	(pc) =	sbr.rel @p1 .LBB2_5-.Ltmp1, $4  }
0x95: {  	s17 =	sadd.s32 $0xE730, s9;
	s18 =	sadd.s32 $0x60, s15  }
0x96: {  	[hbm4b:s18+s3] =	stream.linear.scatter [tilespmem:s17], [sflag:$0x5], $0x80, $0x38;
	[tilespmem:$0x16C00] =	vst v63  }
0x97: {  	s18 =	sadd.s32 $0xE7B8, s9  }
0x98: {  	s9 =	sadd.s32 $0x70, s15;
	s15 =	sadd.s32 $0x1000, s15;
	s17 =	smov.u32 s12  }
0x99: {  	[hbm4b:s9+s3] =	stream.linear.scatter [tilespmem:s18], [sflag:$0x5], $0x80, $0x38;
	[tilespmem:$0x16C00] =	vst v63  }
0x9a: {  	s17 =	sadd.s32 $0xE400, s5  }
0x9b: {  	[hbm4b:s15+s3] =	stream.linear.scatter [tilespmem:s17], [sflag:$0x5], $0x80, $0x38;
	[tilespmem:$0x16C00] =	vst v63  }
0x9c: {  	s18 =	sadd.s32 $0xE488, s5;
	s12 =	sadd.s32 $0x10, s15  }
0x9d: {  	[hbm4b:s12+s3] =	stream.linear.scatter [tilespmem:s18], [sflag:$0x5], $0x80, $0x38;
	[tilespmem:$0x16C00] =	vst v63  }
0x9e: {  	s17 =	sadd.s32 $0xE510, s5;
	s18 =	sadd.s32 $0x20, s15  }
0x9f: {  	[hbm4b:s18+s3] =	stream.linear.scatter [tilespmem:s17], [sflag:$0x5], $0x80, $0x38;
	[tilespmem:$0x16C00] =	vst v63  }
0xa0: {  	s17 =	sadd.s32 $0xE598, s5;
	s18 =	sadd.s32 $0x30, s15  }
0xa1: {  	[hbm4b:s18+s3] =	stream.linear.scatter [tilespmem:s17], [sflag:$0x5], $0x80, $0x38;
	[tilespmem:$0x16C00] =	vst v63  }
0xa2: {  	s17 =	sadd.s32 $0xE620, s5;
	s18 =	sadd.s32 $0x40, s15  }
0xa3: {  	[hbm4b:s18+s3] =	stream.linear.scatter [tilespmem:s17], [sflag:$0x5], $0x80, $0x38;
	[tilespmem:$0x16C00] =	vst v63  }
0xa4: {  	p1 =	sne.s32 s0, $0x31;
	s17 =	sadd.s32 $0xE6A8, s5;
	s18 =	sadd.s32 $0x50, s15  }
0xa5: {  	[hbm4b:s18+s3] =	stream.linear.scatter [tilespmem:s17], [sflag:$0x5], $0x80, $0x38;
	[tilespmem:$0x16C00] =	vst v63  }
.Ltmp2:
0xa6: {  	_ = 	snop;
	(pc) =	sbr.rel @p1 .LBB2_8-.Ltmp2, $4  }
0xa7: {  	s17 =	sadd.s32 $0xE730, s5;
	s18 =	sadd.s32 $0x60, s15  }
0xa8: {  	[hbm4b:s18+s3] =	stream.linear.scatter [tilespmem:s17], [sflag:$0x5], $0x80, $0x38;
	[tilespmem:$0x16C00] =	vst v63  }
0xa9: {  	s17 =	sadd.s32 $0xE7B8, s5;
	s18 =	sadd.s32 $0x70, s15  }
0xaa: {  	[hbm4b:s18+s3] =	stream.linear.scatter [tilespmem:s17], [sflag:$0x5], $0x80, $0x38;
	[tilespmem:$0x16C00] =	vst v63  }
.Ltmp3:
0xab: {  	(pc) =	sbr.rel .LBB2_9-.Ltmp3, $4  }
0xac: {  	_ = 	snop  }
0xad: {  	_ =	swait.ge [sflag:s20], $0x2000  }
0xae: {  	[sflag:s20] =	ssyncset.done $0x0  }
0xaf: {  	[sflag:s20] =	ssyncadd.s32 $0xFFFFE000  }
.LBB2_8:
0xb0: {  	s5 =	sshll.u32 s0, $0x9  }
0xb1: {  	s5 =	sand.u32 $0x3FFFFE00, s5  }
.Ltmp4:
0xb2: {  	s5 =	sadd.s32 $0x200, s5;
	(pc) =	sbr.rel @p0 .LBB2_10-.Ltmp4, $4  }
0xb3: {  	[tilespmem:s13], [sflag:$0x1] =	stream.indirect.gather [hbm4b:s4+s10], $0x40, s5, s10, $0xb8;
	[tilespmem:$0x16C00] =	vst v63  }
0xb4: {  	_ =	swait.ge [sflag:s20], $0x2000  }
0xb5: {  	[sflag:s20] =	ssyncset.done $0x0  }
0xb6: {  	[sflag:s20] =	ssyncadd.s32 $0xFFFFE000  }
.LBB2_9:
0xb7: {  	_ =	swait.ge [sflag:s21], $0x2000  }
0xb8: {  	[sflag:s21] =	ssyncset.done $0x0  }
0xb9: {  	[sflag:s21] =	ssyncadd.s32 $0xFFFFE000  }
.LBB2_10:
0xba: {  	s5 =	simm.s32 $0x84F0;
	s9 =	simm.s32 $0x3  }
0xbb: {  	v4 =	vmov s9;
	v5 =	vld [tilespmem:s5+$0xFFFFFFD0]  }
0xbc: {  	v9 =	vand.u32 $0x7F, v4  }
0xbd: {  	s12 =	simm.s32 $0x0;
	v4 =	vadd.s32 v0, v9  }
0xbe: {  	s15 =	simm.s32 $0x1;
	v6 =	vmov s12;
	v7 =	vld [tilespmem:s5+$0xFFFFFF10];
	s12 =	simm.s32 $0x2  }
0xbf: {  	v10 =	vld [tilespmem:s5+$0xFFFFFF50];
	v8 =	vand.u32 $0x7C, v6;
	v6 =	vmov s15;
	v11 =	vmov s12  }
0xc0: {  	v12 =	vadd.s32 v0, v8;
	v15 =	vand.u32 $0x7D, v6;
	v6 =	vld [tilespmem:s5+$0xFFFFFF90];
	v5 =	vmul.f32 $8.000000000e+00, v5  }
0xc1: {  	v17 =	vand.u32 $0x7E, v11;
	v13 =	vadd.s32 v0, v15  }
0xc2: {  	v11 =	vadd.s32 v0, v17;
	[tilespmem:v4+s22+$0x0] =	vst.idx.msk $0xffff, v5  }
0xc3: {  	v4 =	vmul.f32 $8.000000000e+00, v7;
	v5 =	vld [tilespmem:s5+$0xFFFFFFE0]  }
0xc4: {  	v7 =	vmul.f32 $8.000000000e+00, v10  }
0xc5: {  	[tilespmem:v12+s22+$0x0] =	vst.idx.msk $0xffff, v4;
	v4 =	vmul.f32 $8.000000000e+00, v6;
	v6 =	vadd.s32 v1, v9  }
0xc6: {  	[tilespmem:v13+s22+$0x0] =	vst.idx.msk $0xffff, v7;
	v10 =	vld [tilespmem:s5+$0xFFFFFF20]  }
0xc7: {  	v7 =	vld [tilespmem:s5+$0xFFFFFF60];
	[tilespmem:v11+s22+$0x0] =	vst.idx.msk $0xffff, v4  }
0xc8: {  	v11 =	vld [tilespmem:s5+$0xFFFFFFA0];
	v4 =	vmul.f32 $8.000000000e+00, v5  }
0xc9: {  	s17 =	simm.s32 $0x4;
	s18 =	simm.s32 $0x7;
	s15 =	simm.s32 $0x85F0;
	v12 =	vadd.s32 v1, v15  }
0xca: {  	v14 =	vld [tilespmem:s15+$0xFFFFFFD0];
	v13 =	vadd.s32 v1, v17;
	v5 =	vmov s17;
	[tilespmem:v6+s22+$0x0] =	vst.idx.msk $0xffff, v4;
	v6 =	vmov s18  }
0xcb: {  	v16 =	vadd.s32 v1, v8;
	v4 =	vand.u32 $0x7C, v5;
	v5 =	vand.u32 $0x7F, v6;
	v18 =	vld [tilespmem:s5+$0xFFFFFFF0]  }
0xcc: {  	v19 =	vld [tilespmem:s15+$0xFFFFFF10];
	v22 =	vadd.s32 v2, v9;
	s17 =	simm.s32 $0x5;
	v6 =	vmul.f32 $8.000000000e+00, v7;
	v20 =	vadd.s32 v0, v5  }
0xcd: {  	v21 =	vld [tilespmem:s15+$0xFFFFFF50];
	v10 =	vmul.f32 $8.000000000e+00, v10;
	s18 =	simm.s32 $0x6;
	v7 =	vmul.f32 $8.000000000e+00, v11;
	v11 =	vmov s17  }
0xce: {  	v23 =	vadd.s32 v0, v4;
	[tilespmem:v12+s22+$0x0] =	vst.idx.msk $0xffff, v6;
	v12 =	vmov s18;
	v6 =	vand.u32 $0x7D, v11;
	v11 =	vld [tilespmem:s15+$0xFFFFFF90]  }
0xcf: {  	[tilespmem:v13+s22+$0x0] =	vst.idx.msk $0xffff, v7;
	v13 =	vadd.s32 v0, v6;
	v7 =	vand.u32 $0x7E, v12;
	v12 =	vmul.f32 $8.000000000e+00, v14;
	v14 =	vld [tilespmem:s5+$0xFFFFFF70]  }
0xd0: {  	[tilespmem:v16+s22+$0x0] =	vst.idx.msk $0xffff, v10;
	v10 =	vadd.s32 v0, v7;
	v16 =	vld [tilespmem:s5+$0xFFFFFFB0];
	v18 =	vmul.f32 $8.000000000e+00, v18  }
0xd1: {  	v19 =	vmul.f32 $8.000000000e+00, v19;
	[tilespmem:v20+s22+$0x0] =	vst.idx.msk $0xffff, v12;
	v12 =	vld [tilespmem:s5+$0xFFFFFF30];
	v20 =	vadd.s32 v2, v15  }
0xd2: {  	v25 =	vadd.s32 v2, v17;
	v21 =	vmul.f32 $8.000000000e+00, v21;
	v24 =	vld [tilespmem:s15+$0xFFFFFFE0];
	[tilespmem:v22+s22+$0x0] =	vst.idx.msk $0xffff, v18  }
0xd3: {  	[tilespmem:v23+s22+$0x0] =	vst.idx.msk $0xffff, v19;
	v19 =	vadd.s32 v2, v8;
	v11 =	vmul.f32 $8.000000000e+00, v11;
	v22 =	vld [tilespmem:s5+$0x0]  }
0xd4: {  	v23 =	vld [tilespmem:s15+$0xFFFFFF20];
	[tilespmem:v13+s22+$0x0] =	vst.idx.msk $0xffff, v21;
	v21 =	vadd.s32 v1, v5;
	v14 =	vmul.f32 $8.000000000e+00, v14  }
0xd5: {  	v27 =	vadd.s32 v3, v9;
	v26 =	vld [tilespmem:s15+$0xFFFFFF60];
	[tilespmem:v10+s22+$0x0] =	vst.idx.msk $0xffff, v11;
	v10 =	vmul.f32 $8.000000000e+00, v16  }
0xd6: {  	v18 =	vadd.s32 v1, v4;
	v13 =	vld [tilespmem:s15+$0xFFFFFFA0];
	v9 =	vmul.f32 $8.000000000e+00, v12;
	[tilespmem:v20+s22+$0x0] =	vst.idx.msk $0xffff, v14  }
0xd7: {  	s18 =	simm.s32 $0x8;
	v16 =	vadd.s32 v1, v6;
	[tilespmem:v25+s22+$0x0] =	vst.idx.msk $0xffff, v10;
	v14 =	vmul.f32 $8.000000000e+00, v24;
	v12 =	vld [tilespmem:s5+$0xFFFFFF80]  }
0xd8: {  	v20 =	vmov s18;
	v10 =	vadd.s32 v1, v7;
	v11 =	vld [tilespmem:s5+$0xFFFFFFC0];
	[tilespmem:v19+s22+$0x0] =	vst.idx.msk $0xffff, v9;
	v63 =	vmul.f32 $8.000000000e+00, v22  }
0xd9: {  	s12 =	simm.s32 $0xB;
	s17 =	simm.s32 $0x86F0;
	v15 =	vadd.s32 v3, v15;
	v9 =	vand.u32 $0x7C, v20;
	v20 =	vmul.f32 $8.000000000e+00, v23;
	[tilespmem:v21+s22+$0x0] =	vst.idx.msk $0xffff, v14;
	v14 =	vld [tilespmem:s5+$0xFFFFFF40]  }
0xda: {  	v17 =	vadd.s32 v3, v17;
	v22 =	vmov s12;
	v19 =	vld [tilespmem:s17+$0xFFFFFFD0];
	s5 =	simm.s32 $0xC;
	v21 =	vmul.f32 $8.000000000e+00, v26;
	[tilespmem:v27+s22+$0x0] =	vst.idx.msk $0xffff, v63  }
.LBB2_11:
0xdb: {  	p2 =	slt.u32 s5, $0x7C;
	s9 =	sadd.s32 $0x1, s18;
	v22 =	vand.u32 $0x7F, v22;
	[tilespmem:v18+s22+$0x0] =	vst.idx.msk $0xffff, v20;
	v13 =	vmul.f32 $8.000000000e+00, v13;
	v18 =	vld [tilespmem:s15+$0xFFFFFFF0];
	v20 =	vadd.s32 v3, v8;
	v8 =	vmovc v4  }
0xdc: {  	v4 =	vmovc v9;
	v23 =	vld [tilespmem:s17+$0xFFFFFF10];
	v24 =	vmov s9;
	s9 =	sadd.s32 $0x2, s18;
	v25 =	vadd.s32 v0, v22;
	[tilespmem:v16+s22+$0x0] =	vst.idx.msk $0xffff, v21;
	v12 =	vmul.f32 $8.000000000e+00, v12;
	s18 =	smov.u32 s5  }
0xdd: {  	v9 =	vld [tilespmem:s17+$0xFFFFFF50];
	v16 =	vmov s9;
	[tilespmem:v10+s22+$0x0] =	vst.idx.msk $0xffff, v13;
	v10 =	vadd.s32 v2, v5;
	v11 =	vmul.f32 $8.000000000e+00, v11  }
0xde: {  	v13 =	vadd.s32 v0, v4;
	v21 =	vand.u32 $0x7D, v24;
	v24 =	vld [tilespmem:s17+$0xFFFFFF90];
	v14 =	vmul.f32 $8.000000000e+00, v14;
	[tilespmem:v15+s22+$0x0] =	vst.idx.msk $0xffff, v12  }
0xdf: {  	v12 =	vadd.s32 v0, v21;
	v26 =	vand.u32 $0x7E, v16;
	v15 =	vmul.f32 $8.000000000e+00, v19;
	v16 =	vld [tilespmem:s15+$0xFFFFFF70];
	[tilespmem:v17+s22+$0x0] =	vst.idx.msk $0xffff, v11  }
0xe0: {  	v11 =	vadd.s32 v0, v26;
	v17 =	vld [tilespmem:s15+$0xFFFFFFB0];
	v18 =	vmul.f32 $8.000000000e+00, v18;
	[tilespmem:v20+s22+$0x0] =	vst.idx.msk $0xffff, v14  }
0xe1: {  	v19 =	vadd.s32 v2, v6;
	v14 =	vmul.f32 $8.000000000e+00, v23;
	[tilespmem:v25+s22+$0x0] =	vst.idx.msk $0xffff, v15;
	v15 =	vld [tilespmem:s15+$0xFFFFFF30]  }
0xe2: {  	v23 =	vadd.s32 v2, v7;
	v9 =	vmul.f32 $8.000000000e+00, v9;
	v20 =	vld [tilespmem:s17+$0xFFFFFFE0];
	[tilespmem:v10+s22+$0x0] =	vst.idx.msk $0xffff, v18  }
0xe3: {  	[tilespmem:v13+s22+$0x0] =	vst.idx.msk $0xffff, v14;
	v10 =	vmul.f32 $8.000000000e+00, v24;
	v14 =	vadd.s32 v2, v8;
	v24 =	vld [tilespmem:s15+$0x0]  }
0xe4: {  	v27 =	vadd.s32 v1, v22;
	v25 =	vld [tilespmem:s17+$0xFFFFFF20];
	[tilespmem:v12+s22+$0x0] =	vst.idx.msk $0xffff, v9;
	v9 =	vmul.f32 $8.000000000e+00, v16  }
0xe5: {  	v29 =	vadd.s32 v3, v5;
	v5 =	vmov v22;
	v28 =	vld [tilespmem:s17+$0xFFFFFF60];
	[tilespmem:v11+s22+$0x0] =	vst.idx.msk $0xffff, v10;
	v10 =	vmul.f32 $8.000000000e+00, v17  }
.Ltmp5:
0xe6: {  	v18 =	vadd.s32 v1, v4;
	v13 =	vld [tilespmem:s17+$0xFFFFFFA0];
	v11 =	vmul.f32 $8.000000000e+00, v15;
	[tilespmem:v19+s22+$0x0] =	vst.idx.msk $0xffff, v9;
	(pc) =	sbr.rel @p2 .LBB2_11-.Ltmp5, $4  }
0xe7: {  	v16 =	vadd.s32 v1, v21;
	v15 =	vmul.f32 $8.000000000e+00, v20;
	v12 =	vld [tilespmem:s15+$0xFFFFFF80];
	[tilespmem:v23+s22+$0x0] =	vst.idx.msk $0xffff, v10  }
0xe8: {  	v9 =	vmov s5;
	v10 =	vadd.s32 v1, v26;
	[tilespmem:v14+s22+$0x0] =	vst.idx.msk $0xffff, v11;
	v11 =	vld [tilespmem:s15+$0xFFFFFFC0];
	v23 =	vmul.f32 $8.000000000e+00, v24  }
0xe9: {  	s9 =	sadd.s32 $0x3, s5;
	v9 =	vand.u32 $0x7C, v9;
	v20 =	vmul.f32 $8.000000000e+00, v25;
	[tilespmem:v27+s22+$0x0] =	vst.idx.msk $0xffff, v15;
	v14 =	vld [tilespmem:s15+$0xFFFFFF40];
	v15 =	vadd.s32 v3, v6;
	v6 =	vmovc v21;
	s15 =	smov.u32 s17;
	s17 =	sadd.s32 $0x100, s17  }
0xea: {  	v22 =	vmov s9;
	v17 =	vadd.s32 v3, v7;
	v7 =	vmovc v26;
	s5 =	sadd.s32 $0x4, s5;
	v19 =	vld [tilespmem:s17+$0xFFFFFFD0];
	v21 =	vmul.f32 $8.000000000e+00, v28;
	[tilespmem:v29+s22+$0x0] =	vst.idx.msk $0xffff, v23  }
0xeb: {  	s5 =	sadd.s32 $0x1, s18;
	v22 =	vand.u32 $0x7F, v22;
	v28 =	vld [tilespmem:s17+$0xFFFFFF10]  }
0xec: {  	s18 =	sadd.s32 $0x2, s18;
	v24 =	vld [tilespmem:s17+$0xFFFFFF50];
	v23 =	vmov s5;
	v25 =	vadd.s32 v0, v22  }
0xed: {  	v27 =	vld [tilespmem:s17+$0xFFFFFF90];
	v51 =	vadd.s32 v0, v9;
	v26 =	vmov s18;
	v23 =	vand.u32 $0x7D, v23  }
0xee: {  	v26 =	vand.u32 $0x7E, v26;
	v29 =	vadd.s32 v0, v23  }
0xef: {  	[tilespmem:v18+s22+$0x0] =	vst.idx.msk $0xffff, v20;
	v30 =	vadd.s32 v0, v26;
	v19 =	vmul.f32 $8.000000000e+00, v19  }
0xf0: {  	[tilespmem:v16+s22+$0x0] =	vst.idx.msk $0xffff, v21;
	v54 =	vmul.f32 $8.000000000e+00, v28  }
0xf1: {  	v52 =	vmul.f32 $8.000000000e+00, v24;
	[tilespmem:v25+s22+$0x0] =	vst.idx.msk $0xffff, v19  }
0xf2: {  	v53 =	vmul.f32 $8.000000000e+00, v27;
	v55 =	vld [tilespmem:s17+$0xFFFFFFE0];
	[tilespmem:v51+s22+$0x0] =	vst.idx.msk $0xffff, v54  }
0xf3: {  	v13 =	vmul.f32 $8.000000000e+00, v13;
	v8 =	vadd.s32 v3, v8;
	[tilespmem:v29+s22+$0x0] =	vst.idx.msk $0xffff, v52;
	v59 =	vld [tilespmem:s17+$0xFFFFFF20]  }
0xf4: {  	v12 =	vmul.f32 $8.000000000e+00, v12;
	v57 =	vadd.s32 v1, v22;
	[tilespmem:v30+s22+$0x0] =	vst.idx.msk $0xffff, v53;
	v56 =	vld [tilespmem:s17+$0xFFFFFF60]  }
0xf5: {  	[tilespmem:v10+s22+$0x0] =	vst.idx.msk $0xffff, v13;
	v58 =	vmul.f32 $8.000000000e+00, v11;
	v28 =	vadd.s32 v1, v9;
	v19 =	vld [tilespmem:s17+$0xFFFFFFA0]  }
0xf6: {  	v61 =	vld [tilespmem:s15+$0xFFFFFFF0];
	v60 =	vadd.s32 v1, v23;
	v14 =	vmul.f32 $8.000000000e+00, v14;
	[tilespmem:v15+s22+$0x0] =	vst.idx.msk $0xffff, v12  }
0xf7: {  	v32 =	vld [tilespmem:s15+$0xFFFFFF30];
	v62 =	vadd.s32 v1, v26;
	[tilespmem:v17+s22+$0x0] =	vst.idx.msk $0xffff, v58;
	v16 =	vmul.f32 $8.000000000e+00, v55  }
0xf8: {  	[tilespmem:v8+s22+$0x0] =	vst.idx.msk $0xffff, v14;
	v29 =	vadd.s32 v2, v5;
	v30 =	vld [tilespmem:s15+$0xFFFFFFB0];
	v11 =	vmul.f32 $8.000000000e+00, v59  }
0xf9: {  	v38 =	vadd.s32 v2, v4;
	v63 =	vld [tilespmem:s15+$0xFFFFFF70];
	v31 =	vmul.f32 $8.000000000e+00, v56;
	[tilespmem:v57+s22+$0x0] =	vst.idx.msk $0xffff, v16  }
0xfa: {  	v35 =	vadd.s32 v2, v7;
	v34 =	vmul.f32 $8.000000000e+00, v19;
	v36 =	vld [tilespmem:s17+$0xFFFFFFF0];
	[tilespmem:v28+s22+$0x0] =	vst.idx.msk $0xffff, v11  }
0xfb: {  	v33 =	vadd.s32 v2, v6;
	v37 =	vmul.f32 $8.000000000e+00, v61;
	[tilespmem:v60+s22+$0x0] =	vst.idx.msk $0xffff, v31;
	v43 =	vld [tilespmem:s17+$0xFFFFFF30]  }
0xfc: {  	v40 =	vadd.s32 v2, v22;
	v14 =	vmul.f32 $8.000000000e+00, v32;
	[tilespmem:v62+s22+$0x0] =	vst.idx.msk $0xffff, v34;
	v39 =	vld [tilespmem:s17+$0xFFFFFF70]  }
0xfd: {  	v48 =	vadd.s32 v2, v9;
	[tilespmem:v29+s22+$0x0] =	vst.idx.msk $0xffff, v37;
	v42 =	vmul.f32 $8.000000000e+00, v30;
	v41 =	vld [tilespmem:s17+$0xFFFFFFB0]  }
0xfe: {  	v44 =	vadd.s32 v2, v23;
	v15 =	vmul.f32 $8.000000000e+00, v63;
	[tilespmem:v38+s22+$0x0] =	vst.idx.msk $0xffff, v14;
	v45 =	vld [tilespmem:s15+$0x0]  }
0xff: {  	v46 =	vadd.s32 v2, v26;
	v14 =	vld [tilespmem:s15+$0xFFFFFF40];
	[tilespmem:v35+s22+$0x0] =	vst.idx.msk $0xffff, v42;
	v47 =	vmul.f32 $8.000000000e+00, v36  }
0x100: {  	v5 =	vadd.s32 v3, v5;
	[tilespmem:v33+s22+$0x0] =	vst.idx.msk $0xffff, v15;
	v49 =	vld [tilespmem:s15+$0xFFFFFFC0];
	v53 =	vmul.f32 $8.000000000e+00, v43  }
0x101: {  	v4 =	vadd.s32 v3, v4;
	v21 =	vld [tilespmem:s15+$0xFFFFFF80];
	v12 =	vmul.f32 $8.000000000e+00, v39;
	[tilespmem:v40+s22+$0x0] =	vst.idx.msk $0xffff, v47  }
0x102: {  	v52 =	vadd.s32 v3, v7;
	v51 =	vmul.f32 $8.000000000e+00, v41;
	v10 =	vld [tilespmem:s17+$0x0];
	[tilespmem:v48+s22+$0x0] =	vst.idx.msk $0xffff, v53  }
0x103: {  	v50 =	vadd.s32 v3, v6;
	v54 =	vmul.f32 $8.000000000e+00, v45;
	[tilespmem:v44+s22+$0x0] =	vst.idx.msk $0xffff, v12;
	v59 =	vld [tilespmem:s17+$0xFFFFFF40]  }
0x104: {  	v57 =	vadd.s32 v3, v22;
	v14 =	vmul.f32 $8.000000000e+00, v14;
	[tilespmem:v46+s22+$0x0] =	vst.idx.msk $0xffff, v51;
	v55 =	vld [tilespmem:s17+$0xFFFFFF80]  }
0x105: {  	v62 =	vadd.s32 v3, v9;
	[tilespmem:v5+s22+$0x0] =	vst.idx.msk $0xffff, v54;
	v5 =	vmul.f32 $8.000000000e+00, v49;
	v58 =	vld [tilespmem:s17+$0xFFFFFFC0]  }
0x106: {  	v56 =	vmul.f32 $8.000000000e+00, v21;
	v60 =	vadd.s32 v3, v23;
	[tilespmem:v4+s22+$0x0] =	vst.idx.msk $0xffff, v14  }
0x107: {  	v61 =	vadd.s32 v3, v26;
	[tilespmem:v52+s22+$0x0] =	vst.idx.msk $0xffff, v5;
	v5 =	vmul.f32 $8.000000000e+00, v10  }
0x108: {  	[tilespmem:v50+s22+$0x0] =	vst.idx.msk $0xffff, v56;
	v63 =	vmul.f32 $8.000000000e+00, v59  }
0x109: {  	v4 =	vmul.f32 $8.000000000e+00, v55;
	[tilespmem:v57+s22+$0x0] =	vst.idx.msk $0xffff, v5  }
0x10a: {  	v5 =	vmul.f32 $8.000000000e+00, v58;
	[tilespmem:v62+s22+$0x0] =	vst.idx.msk $0xffff, v63  }
0x10b: {  	[tilespmem:v60+s22+$0x0] =	vst.idx.msk $0xffff, v4  }
0x10c: {  	s12 =	sadd.s32 s11, s7;
	s9 =	simm.s32 $0x10600;
	[tilespmem:v61+s22+$0x0] =	vst.idx.msk $0xffff, v5  }
0x10d: {  	[hbm4b:s12+s3] =	stream.linear.scatter [tilespmem:s9], [sflag:$0x6], $0x80, $0x38;
	[tilespmem:$0x16C00] =	vst v63  }
0x10e: {  	s15 =	simm.s32 $0x10688;
	s9 =	sadd.s32 $0x10, s12  }
0x10f: {  	[hbm4b:s9+s3] =	stream.linear.scatter [tilespmem:s15], [sflag:$0x6], $0x80, $0x38;
	[tilespmem:$0x16C00] =	vst v63  }
0x110: {  	s18 =	sadd.s32 $0x20, s12;
	s17 =	simm.s32 $0x10710  }
0x111: {  	[hbm4b:s18+s3] =	stream.linear.scatter [tilespmem:s17], [sflag:$0x6], $0x80, $0x38;
	[tilespmem:$0x16C00] =	vst v63  }
0x112: {  	s9 =	simm.s32 $0x10798;
	s15 =	sadd.s32 $0x30, s12  }
0x113: {  	[hbm4b:s15+s3] =	stream.linear.scatter [tilespmem:s9], [sflag:$0x6], $0x80, $0x38;
	[tilespmem:$0x16C00] =	vst v63  }
0x114: {  	s17 =	simm.s32 $0x10820;
	s18 =	sadd.s32 $0x40, s12  }
0x115: {  	[hbm4b:s18+s3] =	stream.linear.scatter [tilespmem:s17], [sflag:$0x6], $0x80, $0x38;
	[tilespmem:$0x16C00] =	vst v63  }
0x116: {  	s5 =	simm.s32 $0x440;
	s9 =	simm.s32 $0x108A8;
	s15 =	sadd.s32 $0x50, s12  }
0x117: {  	[hbm4b:s15+s3] =	stream.linear.scatter [tilespmem:s9], [sflag:$0x6], $0x80, $0x38;
	[tilespmem:$0x16C00] =	vst v63  }
0x118: {  	s17 =	simm.s32 $0x10930;
	s18 =	sadd.s32 $0x60, s12;
	s9 =	sadd.s32 $0x70, s12  }
0x119: {  	[hbm4b:s18+s3] =	stream.linear.scatter [tilespmem:s17], [sflag:$0x6], $0x80, $0x38;
	[tilespmem:$0x16C00] =	vst v63  }
0x11a: {  	s15 =	sadd.s32 $0x1000, s12;
	s17 =	simm.s32 $0x2200;
	s18 =	simm.s32 $0x109B8  }
.LBB2_13:
0x11b: {  	[hbm4b:s9+s3] =	stream.linear.scatter [tilespmem:s18], [sflag:$0x6], $0x80, $0x38;
	[tilespmem:$0x16C00] =	vst v63  }
0x11c: {  	s9 =	smov.u32 s5;
	s5 =	smov.u32 s17  }
0x11d: {  	s12 =	sadd.s32 $0x1100, s17;
	s5 =	sshra.s32 s5, $0x2;
	s18 =	sadd.s32 $0x10600, s9  }
0x11e: {  	[hbm4b:s15+s3] =	stream.linear.scatter [tilespmem:s18], [sflag:$0x6], $0x80, $0x38;
	[tilespmem:$0x16C00] =	vst v63  }
0x11f: {  	p2 =	sne.s32 s17, $0x7700;
	s17 =	sadd.s32 $0x10688, s9;
	s18 =	sadd.s32 $0x10, s15  }
0x120: {  	[hbm4b:s18+s3] =	stream.linear.scatter [tilespmem:s17], [sflag:$0x6], $0x80, $0x38;
	[tilespmem:$0x16C00] =	vst v63  }
0x121: {  	s17 =	sadd.s32 $0x10710, s9;
	s18 =	sadd.s32 $0x20, s15  }
0x122: {  	[hbm4b:s18+s3] =	stream.linear.scatter [tilespmem:s17], [sflag:$0x6], $0x80, $0x38;
	[tilespmem:$0x16C00] =	vst v63  }
0x123: {  	s17 =	sadd.s32 $0x10798, s9;
	s18 =	sadd.s32 $0x30, s15  }
0x124: {  	[hbm4b:s18+s3] =	stream.linear.scatter [tilespmem:s17], [sflag:$0x6], $0x80, $0x38;
	[tilespmem:$0x16C00] =	vst v63  }
0x125: {  	s17 =	sadd.s32 $0x10820, s9;
	s18 =	sadd.s32 $0x40, s15  }
0x126: {  	[hbm4b:s18+s3] =	stream.linear.scatter [tilespmem:s17], [sflag:$0x6], $0x80, $0x38;
	[tilespmem:$0x16C00] =	vst v63  }
0x127: {  	s17 =	sadd.s32 $0x108A8, s9;
	s18 =	sadd.s32 $0x50, s15  }
0x128: {  	[hbm4b:s18+s3] =	stream.linear.scatter [tilespmem:s17], [sflag:$0x6], $0x80, $0x38;
	[tilespmem:$0x16C00] =	vst v63  }
.Ltmp6:
0x129: {  	_ = 	snop;
	(pc) =	sbr.rel @p2 .LBB2_13-.Ltmp6, $4  }
0x12a: {  	s17 =	sadd.s32 $0x10930, s9;
	s18 =	sadd.s32 $0x60, s15  }
0x12b: {  	[hbm4b:s18+s3] =	stream.linear.scatter [tilespmem:s17], [sflag:$0x6], $0x80, $0x38;
	[tilespmem:$0x16C00] =	vst v63  }
0x12c: {  	s18 =	sadd.s32 $0x109B8, s9  }
0x12d: {  	s9 =	sadd.s32 $0x70, s15;
	s15 =	sadd.s32 $0x1000, s15;
	s17 =	smov.u32 s12  }
0x12e: {  	[hbm4b:s9+s3] =	stream.linear.scatter [tilespmem:s18], [sflag:$0x6], $0x80, $0x38;
	[tilespmem:$0x16C00] =	vst v63  }
0x12f: {  	s17 =	sadd.s32 $0x10600, s5  }
0x130: {  	[hbm4b:s15+s3] =	stream.linear.scatter [tilespmem:s17], [sflag:$0x6], $0x80, $0x38;
	[tilespmem:$0x16C00] =	vst v63  }
0x131: {  	s18 =	sadd.s32 $0x10688, s5;
	s12 =	sadd.s32 $0x10, s15  }
0x132: {  	[hbm4b:s12+s3] =	stream.linear.scatter [tilespmem:s18], [sflag:$0x6], $0x80, $0x38;
	[tilespmem:$0x16C00] =	vst v63  }
0x133: {  	s17 =	sadd.s32 $0x10710, s5;
	s18 =	sadd.s32 $0x20, s15  }
0x134: {  	[hbm4b:s18+s3] =	stream.linear.scatter [tilespmem:s17], [sflag:$0x6], $0x80, $0x38;
	[tilespmem:$0x16C00] =	vst v63  }
0x135: {  	s17 =	sadd.s32 $0x10798, s5;
	s18 =	sadd.s32 $0x30, s15  }
0x136: {  	[hbm4b:s18+s3] =	stream.linear.scatter [tilespmem:s17], [sflag:$0x6], $0x80, $0x38;
	[tilespmem:$0x16C00] =	vst v63  }
0x137: {  	s17 =	sadd.s32 $0x10820, s5;
	s18 =	sadd.s32 $0x40, s15  }
0x138: {  	[hbm4b:s18+s3] =	stream.linear.scatter [tilespmem:s17], [sflag:$0x6], $0x80, $0x38;
	[tilespmem:$0x16C00] =	vst v63  }
0x139: {  	s17 =	sadd.s32 $0x108A8, s5;
	s18 =	sadd.s32 $0x50, s15  }
0x13a: {  	[hbm4b:s18+s3] =	stream.linear.scatter [tilespmem:s17], [sflag:$0x6], $0x80, $0x38;
	[tilespmem:$0x16C00] =	vst v63  }
.Ltmp7:
0x13b: {  	_ = 	snop;
	(pc) =	sbr.rel @p1 .LBB2_16-.Ltmp7, $4  }
0x13c: {  	s17 =	sadd.s32 $0x10930, s5;
	s18 =	sadd.s32 $0x60, s15  }
0x13d: {  	[hbm4b:s18+s3] =	stream.linear.scatter [tilespmem:s17], [sflag:$0x6], $0x80, $0x38;
	[tilespmem:$0x16C00] =	vst v63  }
0x13e: {  	s17 =	sadd.s32 $0x109B8, s5;
	s18 =	sadd.s32 $0x70, s15  }
0x13f: {  	[hbm4b:s18+s3] =	stream.linear.scatter [tilespmem:s17], [sflag:$0x6], $0x80, $0x38;
	[tilespmem:$0x16C00] =	vst v63  }
.Ltmp8:
0x140: {  	(pc) =	sbr.rel .LBB2_17-.Ltmp8, $4  }
0x141: {  	_ = 	snop  }
0x142: {  	_ =	swait.ge [sflag:s23], $0x2000  }
0x143: {  	[sflag:s23] =	ssyncset.done $0x0  }
0x144: {  	[sflag:s23] =	ssyncadd.s32 $0xFFFFE000  }
.LBB2_16:
0x145: {  	s5 =	sshll.u32 s0, $0x9  }
0x146: {  	s5 =	sand.u32 $0x3FFFFE00, s5  }
.Ltmp9:
0x147: {  	s5 =	sadd.s32 $0x280, s5;
	(pc) =	sbr.rel @p0 .LBB2_18-.Ltmp9, $4  }
0x148: {  	[tilespmem:s14], [sflag:$0x2] =	stream.indirect.gather [hbm4b:s4+s10], $0x40, s5, s10, $0xb8;
	[tilespmem:$0x16C00] =	vst v63  }
0x149: {  	_ =	swait.ge [sflag:s23], $0x2000  }
0x14a: {  	[sflag:s23] =	ssyncset.done $0x0  }
0x14b: {  	[sflag:s23] =	ssyncadd.s32 $0xFFFFE000  }
.LBB2_17:
0x14c: {  	_ =	swait.ge [sflag:s24], $0x2000  }
0x14d: {  	[sflag:s24] =	ssyncset.done $0x0  }
0x14e: {  	[sflag:s24] =	ssyncadd.s32 $0xFFFFE000  }
.LBB2_18:
0x14f: {  	s5 =	simm.s32 $0xA4F0;
	s9 =	simm.s32 $0x3  }
0x150: {  	v4 =	vmov s9;
	v5 =	vld [tilespmem:s5+$0xFFFFFFD0]  }
0x151: {  	v9 =	vand.u32 $0x7F, v4  }
0x152: {  	s12 =	simm.s32 $0x0;
	v4 =	vadd.s32 v0, v9  }
0x153: {  	s15 =	simm.s32 $0x1;
	v6 =	vmov s12;
	v7 =	vld [tilespmem:s5+$0xFFFFFF10];
	s12 =	simm.s32 $0x2  }
0x154: {  	v10 =	vld [tilespmem:s5+$0xFFFFFF50];
	v8 =	vand.u32 $0x7C, v6;
	v6 =	vmov s15;
	v11 =	vmov s12  }
0x155: {  	v12 =	vadd.s32 v0, v8;
	v15 =	vand.u32 $0x7D, v6;
	v6 =	vld [tilespmem:s5+$0xFFFFFF90];
	v5 =	vmul.f32 $8.000000000e+00, v5  }
0x156: {  	v17 =	vand.u32 $0x7E, v11;
	v13 =	vadd.s32 v0, v15  }
0x157: {  	v11 =	vadd.s32 v0, v17;
	[tilespmem:v4+s25+$0x0] =	vst.idx.msk $0xffff, v5  }
0x158: {  	v4 =	vmul.f32 $8.000000000e+00, v7;
	v5 =	vld [tilespmem:s5+$0xFFFFFFE0]  }
0x159: {  	v7 =	vmul.f32 $8.000000000e+00, v10  }
0x15a: {  	[tilespmem:v12+s25+$0x0] =	vst.idx.msk $0xffff, v4;
	v4 =	vmul.f32 $8.000000000e+00, v6;
	v6 =	vadd.s32 v1, v9  }
0x15b: {  	[tilespmem:v13+s25+$0x0] =	vst.idx.msk $0xffff, v7;
	v10 =	vld [tilespmem:s5+$0xFFFFFF20]  }
0x15c: {  	v7 =	vld [tilespmem:s5+$0xFFFFFF60];
	[tilespmem:v11+s25+$0x0] =	vst.idx.msk $0xffff, v4  }
0x15d: {  	v11 =	vld [tilespmem:s5+$0xFFFFFFA0];
	v4 =	vmul.f32 $8.000000000e+00, v5  }
0x15e: {  	s17 =	simm.s32 $0x4;
	s18 =	simm.s32 $0x7;
	s15 =	simm.s32 $0xA5F0;
	v12 =	vadd.s32 v1, v15  }
0x15f: {  	v14 =	vld [tilespmem:s15+$0xFFFFFFD0];
	v13 =	vadd.s32 v1, v17;
	v5 =	vmov s17;
	[tilespmem:v6+s25+$0x0] =	vst.idx.msk $0xffff, v4;
	v6 =	vmov s18  }
0x160: {  	v16 =	vadd.s32 v1, v8;
	v4 =	vand.u32 $0x7C, v5;
	v5 =	vand.u32 $0x7F, v6;
	v18 =	vld [tilespmem:s5+$0xFFFFFFF0]  }
0x161: {  	v19 =	vld [tilespmem:s15+$0xFFFFFF10];
	v22 =	vadd.s32 v2, v9;
	s17 =	simm.s32 $0x5;
	v6 =	vmul.f32 $8.000000000e+00, v7;
	v20 =	vadd.s32 v0, v5  }
0x162: {  	v21 =	vld [tilespmem:s15+$0xFFFFFF50];
	v10 =	vmul.f32 $8.000000000e+00, v10;
	s18 =	simm.s32 $0x6;
	v7 =	vmul.f32 $8.000000000e+00, v11;
	v11 =	vmov s17  }
0x163: {  	v23 =	vadd.s32 v0, v4;
	[tilespmem:v12+s25+$0x0] =	vst.idx.msk $0xffff, v6;
	v12 =	vmov s18;
	v6 =	vand.u32 $0x7D, v11;
	v11 =	vld [tilespmem:s15+$0xFFFFFF90]  }
0x164: {  	[tilespmem:v13+s25+$0x0] =	vst.idx.msk $0xffff, v7;
	v13 =	vadd.s32 v0, v6;
	v7 =	vand.u32 $0x7E, v12;
	v12 =	vmul.f32 $8.000000000e+00, v14;
	v14 =	vld [tilespmem:s5+$0xFFFFFF70]  }
0x165: {  	[tilespmem:v16+s25+$0x0] =	vst.idx.msk $0xffff, v10;
	v10 =	vadd.s32 v0, v7;
	v16 =	vld [tilespmem:s5+$0xFFFFFFB0];
	v18 =	vmul.f32 $8.000000000e+00, v18  }
0x166: {  	v19 =	vmul.f32 $8.000000000e+00, v19;
	[tilespmem:v20+s25+$0x0] =	vst.idx.msk $0xffff, v12;
	v12 =	vld [tilespmem:s5+$0xFFFFFF30];
	v20 =	vadd.s32 v2, v15  }
0x167: {  	v25 =	vadd.s32 v2, v17;
	v21 =	vmul.f32 $8.000000000e+00, v21;
	v24 =	vld [tilespmem:s15+$0xFFFFFFE0];
	[tilespmem:v22+s25+$0x0] =	vst.idx.msk $0xffff, v18  }
0x168: {  	[tilespmem:v23+s25+$0x0] =	vst.idx.msk $0xffff, v19;
	v19 =	vadd.s32 v2, v8;
	v11 =	vmul.f32 $8.000000000e+00, v11;
	v22 =	vld [tilespmem:s5+$0x0]  }
0x169: {  	v23 =	vld [tilespmem:s15+$0xFFFFFF20];
	[tilespmem:v13+s25+$0x0] =	vst.idx.msk $0xffff, v21;
	v21 =	vadd.s32 v1, v5;
	v14 =	vmul.f32 $8.000000000e+00, v14  }
0x16a: {  	v27 =	vadd.s32 v3, v9;
	v26 =	vld [tilespmem:s15+$0xFFFFFF60];
	[tilespmem:v10+s25+$0x0] =	vst.idx.msk $0xffff, v11;
	v10 =	vmul.f32 $8.000000000e+00, v16  }
0x16b: {  	v18 =	vadd.s32 v1, v4;
	v13 =	vld [tilespmem:s15+$0xFFFFFFA0];
	v9 =	vmul.f32 $8.000000000e+00, v12;
	[tilespmem:v20+s25+$0x0] =	vst.idx.msk $0xffff, v14  }
0x16c: {  	s18 =	simm.s32 $0x8;
	v16 =	vadd.s32 v1, v6;
	[tilespmem:v25+s25+$0x0] =	vst.idx.msk $0xffff, v10;
	v14 =	vmul.f32 $8.000000000e+00, v24;
	v12 =	vld [tilespmem:s5+$0xFFFFFF80]  }
0x16d: {  	v20 =	vmov s18;
	v10 =	vadd.s32 v1, v7;
	v11 =	vld [tilespmem:s5+$0xFFFFFFC0];
	[tilespmem:v19+s25+$0x0] =	vst.idx.msk $0xffff, v9;
	v63 =	vmul.f32 $8.000000000e+00, v22  }
0x16e: {  	s12 =	simm.s32 $0xB;
	s17 =	simm.s32 $0xA6F0;
	v15 =	vadd.s32 v3, v15;
	v9 =	vand.u32 $0x7C, v20;
	v20 =	vmul.f32 $8.000000000e+00, v23;
	[tilespmem:v21+s25+$0x0] =	vst.idx.msk $0xffff, v14;
	v14 =	vld [tilespmem:s5+$0xFFFFFF40]  }
0x16f: {  	v17 =	vadd.s32 v3, v17;
	v22 =	vmov s12;
	v19 =	vld [tilespmem:s17+$0xFFFFFFD0];
	s5 =	simm.s32 $0xC;
	v21 =	vmul.f32 $8.000000000e+00, v26;
	[tilespmem:v27+s25+$0x0] =	vst.idx.msk $0xffff, v63  }
.LBB2_19:
0x170: {  	p2 =	slt.u32 s5, $0x7C;
	s9 =	sadd.s32 $0x1, s18;
	v22 =	vand.u32 $0x7F, v22;
	[tilespmem:v18+s25+$0x0] =	vst.idx.msk $0xffff, v20;
	v13 =	vmul.f32 $8.000000000e+00, v13;
	v18 =	vld [tilespmem:s15+$0xFFFFFFF0];
	v20 =	vadd.s32 v3, v8;
	v8 =	vmovc v4  }
0x171: {  	v4 =	vmovc v9;
	v23 =	vld [tilespmem:s17+$0xFFFFFF10];
	v24 =	vmov s9;
	s9 =	sadd.s32 $0x2, s18;
	v25 =	vadd.s32 v0, v22;
	[tilespmem:v16+s25+$0x0] =	vst.idx.msk $0xffff, v21;
	v12 =	vmul.f32 $8.000000000e+00, v12;
	s18 =	smov.u32 s5  }
0x172: {  	v9 =	vld [tilespmem:s17+$0xFFFFFF50];
	v16 =	vmov s9;
	[tilespmem:v10+s25+$0x0] =	vst.idx.msk $0xffff, v13;
	v10 =	vadd.s32 v2, v5;
	v11 =	vmul.f32 $8.000000000e+00, v11  }
0x173: {  	v13 =	vadd.s32 v0, v4;
	v21 =	vand.u32 $0x7D, v24;
	v24 =	vld [tilespmem:s17+$0xFFFFFF90];
	v14 =	vmul.f32 $8.000000000e+00, v14;
	[tilespmem:v15+s25+$0x0] =	vst.idx.msk $0xffff, v12  }
0x174: {  	v12 =	vadd.s32 v0, v21;
	v26 =	vand.u32 $0x7E, v16;
	v15 =	vmul.f32 $8.000000000e+00, v19;
	v16 =	vld [tilespmem:s15+$0xFFFFFF70];
	[tilespmem:v17+s25+$0x0] =	vst.idx.msk $0xffff, v11  }
0x175: {  	v11 =	vadd.s32 v0, v26;
	v17 =	vld [tilespmem:s15+$0xFFFFFFB0];
	v18 =	vmul.f32 $8.000000000e+00, v18;
	[tilespmem:v20+s25+$0x0] =	vst.idx.msk $0xffff, v14  }
0x176: {  	v19 =	vadd.s32 v2, v6;
	v14 =	vmul.f32 $8.000000000e+00, v23;
	[tilespmem:v25+s25+$0x0] =	vst.idx.msk $0xffff, v15;
	v15 =	vld [tilespmem:s15+$0xFFFFFF30]  }
0x177: {  	v23 =	vadd.s32 v2, v7;
	v9 =	vmul.f32 $8.000000000e+00, v9;
	v20 =	vld [tilespmem:s17+$0xFFFFFFE0];
	[tilespmem:v10+s25+$0x0] =	vst.idx.msk $0xffff, v18  }
0x178: {  	[tilespmem:v13+s25+$0x0] =	vst.idx.msk $0xffff, v14;
	v10 =	vmul.f32 $8.000000000e+00, v24;
	v14 =	vadd.s32 v2, v8;
	v24 =	vld [tilespmem:s15+$0x0]  }
0x179: {  	v27 =	vadd.s32 v1, v22;
	v25 =	vld [tilespmem:s17+$0xFFFFFF20];
	[tilespmem:v12+s25+$0x0] =	vst.idx.msk $0xffff, v9;
	v9 =	vmul.f32 $8.000000000e+00, v16  }
0x17a: {  	v29 =	vadd.s32 v3, v5;
	v5 =	vmov v22;
	v28 =	vld [tilespmem:s17+$0xFFFFFF60];
	[tilespmem:v11+s25+$0x0] =	vst.idx.msk $0xffff, v10;
	v10 =	vmul.f32 $8.000000000e+00, v17  }
.Ltmp10:
0x17b: {  	v18 =	vadd.s32 v1, v4;
	v13 =	vld [tilespmem:s17+$0xFFFFFFA0];
	v11 =	vmul.f32 $8.000000000e+00, v15;
	[tilespmem:v19+s25+$0x0] =	vst.idx.msk $0xffff, v9;
	(pc) =	sbr.rel @p2 .LBB2_19-.Ltmp10, $4  }
0x17c: {  	v16 =	vadd.s32 v1, v21;
	v15 =	vmul.f32 $8.000000000e+00, v20;
	v12 =	vld [tilespmem:s15+$0xFFFFFF80];
	[tilespmem:v23+s25+$0x0] =	vst.idx.msk $0xffff, v10  }
0x17d: {  	v9 =	vmov s5;
	v10 =	vadd.s32 v1, v26;
	[tilespmem:v14+s25+$0x0] =	vst.idx.msk $0xffff, v11;
	v11 =	vld [tilespmem:s15+$0xFFFFFFC0];
	v23 =	vmul.f32 $8.000000000e+00, v24  }
0x17e: {  	s9 =	sadd.s32 $0x3, s5;
	v9 =	vand.u32 $0x7C, v9;
	v20 =	vmul.f32 $8.000000000e+00, v25;
	[tilespmem:v27+s25+$0x0] =	vst.idx.msk $0xffff, v15;
	v14 =	vld [tilespmem:s15+$0xFFFFFF40];
	v15 =	vadd.s32 v3, v6;
	v6 =	vmovc v21;
	s15 =	smov.u32 s17;
	s17 =	sadd.s32 $0x100, s17  }
0x17f: {  	v22 =	vmov s9;
	v17 =	vadd.s32 v3, v7;
	v7 =	vmovc v26;
	s5 =	sadd.s32 $0x4, s5;
	v19 =	vld [tilespmem:s17+$0xFFFFFFD0];
	v21 =	vmul.f32 $8.000000000e+00, v28;
	[tilespmem:v29+s25+$0x0] =	vst.idx.msk $0xffff, v23  }
0x180: {  	s5 =	sadd.s32 $0x1, s18;
	v22 =	vand.u32 $0x7F, v22;
	v28 =	vld [tilespmem:s17+$0xFFFFFF10]  }
0x181: {  	s9 =	sadd.s32 $0x2, s18;
	v24 =	vld [tilespmem:s17+$0xFFFFFF50];
	v23 =	vmov s5;
	v25 =	vadd.s32 v0, v22  }
0x182: {  	v27 =	vld [tilespmem:s17+$0xFFFFFF90];
	v51 =	vadd.s32 v0, v9;
	v26 =	vmov s9;
	v23 =	vand.u32 $0x7D, v23  }
0x183: {  	v26 =	vand.u32 $0x7E, v26;
	v29 =	vadd.s32 v0, v23  }
0x184: {  	[tilespmem:v18+s25+$0x0] =	vst.idx.msk $0xffff, v20;
	v30 =	vadd.s32 v0, v26;
	v19 =	vmul.f32 $8.000000000e+00, v19  }
0x185: {  	[tilespmem:v16+s25+$0x0] =	vst.idx.msk $0xffff, v21;
	v54 =	vmul.f32 $8.000000000e+00, v28  }
0x186: {  	v52 =	vmul.f32 $8.000000000e+00, v24;
	[tilespmem:v25+s25+$0x0] =	vst.idx.msk $0xffff, v19  }
0x187: {  	v53 =	vmul.f32 $8.000000000e+00, v27;
	v55 =	vld [tilespmem:s17+$0xFFFFFFE0];
	[tilespmem:v51+s25+$0x0] =	vst.idx.msk $0xffff, v54  }
0x188: {  	v13 =	vmul.f32 $8.000000000e+00, v13;
	v8 =	vadd.s32 v3, v8;
	[tilespmem:v29+s25+$0x0] =	vst.idx.msk $0xffff, v52;
	v59 =	vld [tilespmem:s17+$0xFFFFFF20]  }
0x189: {  	v12 =	vmul.f32 $8.000000000e+00, v12;
	v57 =	vadd.s32 v1, v22;
	[tilespmem:v30+s25+$0x0] =	vst.idx.msk $0xffff, v53;
	v56 =	vld [tilespmem:s17+$0xFFFFFF60]  }
0x18a: {  	[tilespmem:v10+s25+$0x0] =	vst.idx.msk $0xffff, v13;
	v58 =	vmul.f32 $8.000000000e+00, v11;
	v28 =	vadd.s32 v1, v9;
	v19 =	vld [tilespmem:s17+$0xFFFFFFA0]  }
0x18b: {  	v61 =	vld [tilespmem:s15+$0xFFFFFFF0];
	v60 =	vadd.s32 v1, v23;
	v14 =	vmul.f32 $8.000000000e+00, v14;
	[tilespmem:v15+s25+$0x0] =	vst.idx.msk $0xffff, v12  }
0x18c: {  	v32 =	vld [tilespmem:s15+$0xFFFFFF30];
	v62 =	vadd.s32 v1, v26;
	[tilespmem:v17+s25+$0x0] =	vst.idx.msk $0xffff, v58;
	v16 =	vmul.f32 $8.000000000e+00, v55  }
0x18d: {  	[tilespmem:v8+s25+$0x0] =	vst.idx.msk $0xffff, v14;
	v29 =	vadd.s32 v2, v5;
	v30 =	vld [tilespmem:s15+$0xFFFFFFB0];
	v11 =	vmul.f32 $8.000000000e+00, v59  }
0x18e: {  	v38 =	vadd.s32 v2, v4;
	v63 =	vld [tilespmem:s15+$0xFFFFFF70];
	v31 =	vmul.f32 $8.000000000e+00, v56;
	[tilespmem:v57+s25+$0x0] =	vst.idx.msk $0xffff, v16  }
0x18f: {  	v35 =	vadd.s32 v2, v7;
	v34 =	vmul.f32 $8.000000000e+00, v19;
	v36 =	vld [tilespmem:s17+$0xFFFFFFF0];
	[tilespmem:v28+s25+$0x0] =	vst.idx.msk $0xffff, v11  }
0x190: {  	v33 =	vadd.s32 v2, v6;
	v37 =	vmul.f32 $8.000000000e+00, v61;
	[tilespmem:v60+s25+$0x0] =	vst.idx.msk $0xffff, v31;
	v43 =	vld [tilespmem:s17+$0xFFFFFF30]  }
0x191: {  	v40 =	vadd.s32 v2, v22;
	v14 =	vmul.f32 $8.000000000e+00, v32;
	[tilespmem:v62+s25+$0x0] =	vst.idx.msk $0xffff, v34;
	v39 =	vld [tilespmem:s17+$0xFFFFFF70]  }
0x192: {  	v48 =	vadd.s32 v2, v9;
	[tilespmem:v29+s25+$0x0] =	vst.idx.msk $0xffff, v37;
	v42 =	vmul.f32 $8.000000000e+00, v30;
	v41 =	vld [tilespmem:s17+$0xFFFFFFB0]  }
0x193: {  	v44 =	vadd.s32 v2, v23;
	v15 =	vmul.f32 $8.000000000e+00, v63;
	[tilespmem:v38+s25+$0x0] =	vst.idx.msk $0xffff, v14;
	v45 =	vld [tilespmem:s15+$0x0]  }
0x194: {  	v46 =	vadd.s32 v2, v26;
	v14 =	vld [tilespmem:s15+$0xFFFFFF40];
	[tilespmem:v35+s25+$0x0] =	vst.idx.msk $0xffff, v42;
	v47 =	vmul.f32 $8.000000000e+00, v36  }
0x195: {  	v5 =	vadd.s32 v3, v5;
	[tilespmem:v33+s25+$0x0] =	vst.idx.msk $0xffff, v15;
	v49 =	vld [tilespmem:s15+$0xFFFFFFC0];
	v53 =	vmul.f32 $8.000000000e+00, v43  }
0x196: {  	v4 =	vadd.s32 v3, v4;
	v21 =	vld [tilespmem:s15+$0xFFFFFF80];
	v12 =	vmul.f32 $8.000000000e+00, v39;
	[tilespmem:v40+s25+$0x0] =	vst.idx.msk $0xffff, v47  }
0x197: {  	v52 =	vadd.s32 v3, v7;
	v51 =	vmul.f32 $8.000000000e+00, v41;
	v10 =	vld [tilespmem:s17+$0x0];
	[tilespmem:v48+s25+$0x0] =	vst.idx.msk $0xffff, v53  }
0x198: {  	v50 =	vadd.s32 v3, v6;
	v54 =	vmul.f32 $8.000000000e+00, v45;
	[tilespmem:v44+s25+$0x0] =	vst.idx.msk $0xffff, v12;
	v59 =	vld [tilespmem:s17+$0xFFFFFF40]  }
0x199: {  	v57 =	vadd.s32 v3, v22;
	v14 =	vmul.f32 $8.000000000e+00, v14;
	[tilespmem:v46+s25+$0x0] =	vst.idx.msk $0xffff, v51;
	v55 =	vld [tilespmem:s17+$0xFFFFFF80]  }
0x19a: {  	v62 =	vadd.s32 v3, v9;
	[tilespmem:v5+s25+$0x0] =	vst.idx.msk $0xffff, v54;
	v5 =	vmul.f32 $8.000000000e+00, v49;
	v58 =	vld [tilespmem:s17+$0xFFFFFFC0]  }
0x19b: {  	v56 =	vmul.f32 $8.000000000e+00, v21;
	v60 =	vadd.s32 v3, v23;
	[tilespmem:v4+s25+$0x0] =	vst.idx.msk $0xffff, v14  }
0x19c: {  	v61 =	vadd.s32 v3, v26;
	[tilespmem:v52+s25+$0x0] =	vst.idx.msk $0xffff, v5;
	v5 =	vmul.f32 $8.000000000e+00, v10  }
0x19d: {  	[tilespmem:v50+s25+$0x0] =	vst.idx.msk $0xffff, v56;
	v63 =	vmul.f32 $8.000000000e+00, v59  }
0x19e: {  	v4 =	vmul.f32 $8.000000000e+00, v55;
	[tilespmem:v57+s25+$0x0] =	vst.idx.msk $0xffff, v5  }
0x19f: {  	v5 =	vmul.f32 $8.000000000e+00, v58;
	[tilespmem:v62+s25+$0x0] =	vst.idx.msk $0xffff, v63  }
0x1a0: {  	[tilespmem:v60+s25+$0x0] =	vst.idx.msk $0xffff, v4  }
0x1a1: {  	s11 =	sadd.s32 s11, s8;
	s12 =	simm.s32 $0x12800;
	[tilespmem:v61+s25+$0x0] =	vst.idx.msk $0xffff, v5  }
0x1a2: {  	[hbm4b:s11+s3] =	stream.linear.scatter [tilespmem:s12], [sflag:$0x7], $0x80, $0x38;
	[tilespmem:$0x16C00] =	vst v63  }
0x1a3: {  	s9 =	sadd.s32 $0x10, s11;
	s15 =	simm.s32 $0x12888  }
0x1a4: {  	[hbm4b:s9+s3] =	stream.linear.scatter [tilespmem:s15], [sflag:$0x7], $0x80, $0x38;
	[tilespmem:$0x16C00] =	vst v63  }
0x1a5: {  	s18 =	sadd.s32 $0x20, s11;
	s17 =	simm.s32 $0x12910  }
0x1a6: {  	[hbm4b:s18+s3] =	stream.linear.scatter [tilespmem:s17], [sflag:$0x7], $0x80, $0x38;
	[tilespmem:$0x16C00] =	vst v63  }
0x1a7: {  	s12 =	simm.s32 $0x12998;
	s15 =	sadd.s32 $0x30, s11  }
0x1a8: {  	[hbm4b:s15+s3] =	stream.linear.scatter [tilespmem:s12], [sflag:$0x7], $0x80, $0x38;
	[tilespmem:$0x16C00] =	vst v63  }
0x1a9: {  	s17 =	simm.s32 $0x12A20;
	s18 =	sadd.s32 $0x40, s11  }
0x1aa: {  	[hbm4b:s18+s3] =	stream.linear.scatter [tilespmem:s17], [sflag:$0x7], $0x80, $0x38;
	[tilespmem:$0x16C00] =	vst v63  }
0x1ab: {  	s5 =	simm.s32 $0x440;
	s12 =	simm.s32 $0x12AA8;
	s15 =	sadd.s32 $0x50, s11  }
0x1ac: {  	[hbm4b:s15+s3] =	stream.linear.scatter [tilespmem:s12], [sflag:$0x7], $0x80, $0x38;
	[tilespmem:$0x16C00] =	vst v63  }
0x1ad: {  	s9 =	sadd.s32 $0x70, s11;
	s17 =	simm.s32 $0x12B30;
	s18 =	sadd.s32 $0x60, s11  }
0x1ae: {  	[hbm4b:s18+s3] =	stream.linear.scatter [tilespmem:s17], [sflag:$0x7], $0x80, $0x38;
	[tilespmem:$0x16C00] =	vst v63  }
0x1af: {  	s11 =	sadd.s32 $0x1000, s11;
	s15 =	simm.s32 $0x2200;
	s17 =	simm.s32 $0x12BB8  }
.LBB2_21:
0x1b0: {  	[hbm4b:s9+s3] =	stream.linear.scatter [tilespmem:s17], [sflag:$0x7], $0x80, $0x38;
	[tilespmem:$0x16C00] =	vst v63  }
0x1b1: {  	s9 =	smov.u32 s5;
	s5 =	smov.u32 s15  }
0x1b2: {  	s12 =	sadd.s32 $0x1100, s15;
	s5 =	sshra.s32 s5, $0x2;
	s17 =	sadd.s32 $0x12800, s9  }
0x1b3: {  	[hbm4b:s11+s3] =	stream.linear.scatter [tilespmem:s17], [sflag:$0x7], $0x80, $0x38;
	[tilespmem:$0x16C00] =	vst v63  }
0x1b4: {  	p2 =	sne.s32 s15, $0x7700;
	s15 =	sadd.s32 $0x12888, s9;
	s17 =	sadd.s32 $0x10, s11  }
0x1b5: {  	[hbm4b:s17+s3] =	stream.linear.scatter [tilespmem:s15], [sflag:$0x7], $0x80, $0x38;
	[tilespmem:$0x16C00] =	vst v63  }
0x1b6: {  	s15 =	sadd.s32 $0x12910, s9;
	s17 =	sadd.s32 $0x20, s11  }
0x1b7: {  	[hbm4b:s17+s3] =	stream.linear.scatter [tilespmem:s15], [sflag:$0x7], $0x80, $0x38;
	[tilespmem:$0x16C00] =	vst v63  }
0x1b8: {  	s15 =	sadd.s32 $0x12998, s9;
	s17 =	sadd.s32 $0x30, s11  }
0x1b9: {  	[hbm4b:s17+s3] =	stream.linear.scatter [tilespmem:s15], [sflag:$0x7], $0x80, $0x38;
	[tilespmem:$0x16C00] =	vst v63  }
0x1ba: {  	s15 =	sadd.s32 $0x12A20, s9;
	s17 =	sadd.s32 $0x40, s11  }
0x1bb: {  	[hbm4b:s17+s3] =	stream.linear.scatter [tilespmem:s15], [sflag:$0x7], $0x80, $0x38;
	[tilespmem:$0x16C00] =	vst v63  }
0x1bc: {  	s15 =	sadd.s32 $0x12AA8, s9;
	s17 =	sadd.s32 $0x50, s11  }
0x1bd: {  	[hbm4b:s17+s3] =	stream.linear.scatter [tilespmem:s15], [sflag:$0x7], $0x80, $0x38;
	[tilespmem:$0x16C00] =	vst v63  }
.Ltmp11:
0x1be: {  	_ = 	snop;
	(pc) =	sbr.rel @p2 .LBB2_21-.Ltmp11, $4  }
0x1bf: {  	s15 =	sadd.s32 $0x12B30, s9;
	s17 =	sadd.s32 $0x60, s11  }
0x1c0: {  	[hbm4b:s17+s3] =	stream.linear.scatter [tilespmem:s15], [sflag:$0x7], $0x80, $0x38;
	[tilespmem:$0x16C00] =	vst v63  }
0x1c1: {  	s17 =	sadd.s32 $0x12BB8, s9  }
0x1c2: {  	s9 =	sadd.s32 $0x70, s11;
	s11 =	sadd.s32 $0x1000, s11;
	s15 =	smov.u32 s12  }
0x1c3: {  	[hbm4b:s9+s3] =	stream.linear.scatter [tilespmem:s17], [sflag:$0x7], $0x80, $0x38;
	[tilespmem:$0x16C00] =	vst v63  }
0x1c4: {  	s17 =	sadd.s32 $0x12800, s5  }
0x1c5: {  	[hbm4b:s11+s3] =	stream.linear.scatter [tilespmem:s17], [sflag:$0x7], $0x80, $0x38;
	[tilespmem:$0x16C00] =	vst v63  }
0x1c6: {  	s18 =	sadd.s32 $0x12888, s5;
	s12 =	sadd.s32 $0x10, s11  }
0x1c7: {  	[hbm4b:s12+s3] =	stream.linear.scatter [tilespmem:s18], [sflag:$0x7], $0x80, $0x38;
	[tilespmem:$0x16C00] =	vst v63  }
0x1c8: {  	s15 =	sadd.s32 $0x20, s11;
	s12 =	sadd.s32 $0x12910, s5  }
0x1c9: {  	[hbm4b:s15+s3] =	stream.linear.scatter [tilespmem:s12], [sflag:$0x7], $0x80, $0x38;
	[tilespmem:$0x16C00] =	vst v63  }
0x1ca: {  	s17 =	sadd.s32 $0x12998, s5;
	s18 =	sadd.s32 $0x30, s11  }
0x1cb: {  	[hbm4b:s18+s3] =	stream.linear.scatter [tilespmem:s17], [sflag:$0x7], $0x80, $0x38;
	[tilespmem:$0x16C00] =	vst v63  }
0x1cc: {  	s12 =	sadd.s32 $0x12A20, s5;
	s15 =	sadd.s32 $0x40, s11  }
0x1cd: {  	[hbm4b:s15+s3] =	stream.linear.scatter [tilespmem:s12], [sflag:$0x7], $0x80, $0x38;
	[tilespmem:$0x16C00] =	vst v63  }
0x1ce: {  	s17 =	sadd.s32 $0x12AA8, s5;
	s18 =	sadd.s32 $0x50, s11  }
0x1cf: {  	[hbm4b:s18+s3] =	stream.linear.scatter [tilespmem:s17], [sflag:$0x7], $0x80, $0x38;
	[tilespmem:$0x16C00] =	vst v63  }
.Ltmp12:
0x1d0: {  	_ = 	snop;
	(pc) =	sbr.rel @p1 .LBB2_24-.Ltmp12, $4  }
0x1d1: {  	s12 =	sadd.s32 $0x12B30, s5;
	s15 =	sadd.s32 $0x60, s11  }
0x1d2: {  	[hbm4b:s15+s3] =	stream.linear.scatter [tilespmem:s12], [sflag:$0x7], $0x80, $0x38;
	[tilespmem:$0x16C00] =	vst v63  }
0x1d3: {  	s17 =	sadd.s32 $0x12BB8, s5;
	s18 =	sadd.s32 $0x70, s11  }
0x1d4: {  	[hbm4b:s18+s3] =	stream.linear.scatter [tilespmem:s17], [sflag:$0x7], $0x80, $0x38;
	[tilespmem:$0x16C00] =	vst v63  }
.Ltmp13:
0x1d5: {  	(pc) =	sbr.rel .LBB2_25-.Ltmp13, $4  }
0x1d6: {  	_ = 	snop  }
0x1d7: {  	_ =	swait.ge [sflag:s26], $0x2000  }
0x1d8: {  	[sflag:s26] =	ssyncset.done $0x0  }
0x1d9: {  	[sflag:s26] =	ssyncadd.s32 $0xFFFFE000  }
.LBB2_24:
0x1da: {  	s5 =	sshll.u32 s0, $0x9  }
0x1db: {  	s5 =	sand.u32 $0x3FFFFE00, s5  }
.Ltmp14:
0x1dc: {  	s5 =	sadd.s32 $0x300, s5;
	(pc) =	sbr.rel @p0 .LBB2_26-.Ltmp14, $4  }
0x1dd: {  	[tilespmem:s16], [sflag:$0x3] =	stream.indirect.gather [hbm4b:s4+s10], $0x40, s5, s10, $0xb8;
	[tilespmem:$0x16C00] =	vst v63  }
0x1de: {  	_ =	swait.ge [sflag:s26], $0x2000  }
0x1df: {  	[sflag:s26] =	ssyncset.done $0x0  }
0x1e0: {  	[sflag:s26] =	ssyncadd.s32 $0xFFFFE000  }
.LBB2_25:
0x1e1: {  	_ =	swait.ge [sflag:s28], $0x2000  }
0x1e2: {  	[sflag:s28] =	ssyncset.done $0x0  }
0x1e3: {  	[sflag:s28] =	ssyncadd.s32 $0xFFFFE000  }
.LBB2_26:
0x1e4: {  	s5 =	simm.s32 $0xC4F0;
	s9 =	simm.s32 $0x3  }
0x1e5: {  	v4 =	vmov s9;
	v5 =	vld [tilespmem:s5+$0xFFFFFFD0]  }
0x1e6: {  	v9 =	vand.u32 $0x7F, v4  }
0x1e7: {  	s15 =	simm.s32 $0x0;
	v4 =	vadd.s32 v0, v9  }
0x1e8: {  	s17 =	simm.s32 $0x1;
	s11 =	simm.s32 $0x2;
	v6 =	vmov s15;
	v7 =	vld [tilespmem:s5+$0xFFFFFF10]  }
0x1e9: {  	v10 =	vld [tilespmem:s5+$0xFFFFFF50];
	v11 =	vmov s11;
	v8 =	vand.u32 $0x7C, v6;
	v6 =	vmov s17  }
0x1ea: {  	v12 =	vadd.s32 v0, v8;
	v15 =	vand.u32 $0x7D, v6;
	v6 =	vld [tilespmem:s5+$0xFFFFFF90];
	v5 =	vmul.f32 $8.000000000e+00, v5  }
0x1eb: {  	v17 =	vand.u32 $0x7E, v11;
	v13 =	vadd.s32 v0, v15  }
0x1ec: {  	v11 =	vadd.s32 v0, v17;
	[tilespmem:v4+s29+$0x0] =	vst.idx.msk $0xffff, v5  }
0x1ed: {  	v4 =	vmul.f32 $8.000000000e+00, v7;
	v5 =	vld [tilespmem:s5+$0xFFFFFFE0]  }
0x1ee: {  	v7 =	vmul.f32 $8.000000000e+00, v10  }
0x1ef: {  	[tilespmem:v12+s29+$0x0] =	vst.idx.msk $0xffff, v4;
	v4 =	vmul.f32 $8.000000000e+00, v6;
	v6 =	vadd.s32 v1, v9  }
0x1f0: {  	[tilespmem:v13+s29+$0x0] =	vst.idx.msk $0xffff, v7;
	v10 =	vld [tilespmem:s5+$0xFFFFFF20]  }
0x1f1: {  	v7 =	vld [tilespmem:s5+$0xFFFFFF60];
	[tilespmem:v11+s29+$0x0] =	vst.idx.msk $0xffff, v4  }
0x1f2: {  	v11 =	vld [tilespmem:s5+$0xFFFFFFA0];
	v4 =	vmul.f32 $8.000000000e+00, v5  }
0x1f3: {  	s18 =	simm.s32 $0x4;
	s12 =	simm.s32 $0x7;
	s11 =	simm.s32 $0xC5F0;
	v12 =	vadd.s32 v1, v15  }
0x1f4: {  	v14 =	vld [tilespmem:s11+$0xFFFFFFD0];
	v13 =	vadd.s32 v1, v17;
	v5 =	vmov s18;
	[tilespmem:v6+s29+$0x0] =	vst.idx.msk $0xffff, v4;
	v6 =	vmov s12  }
0x1f5: {  	v16 =	vadd.s32 v1, v8;
	v4 =	vand.u32 $0x7C, v5;
	v5 =	vand.u32 $0x7F, v6;
	v18 =	vld [tilespmem:s5+$0xFFFFFFF0]  }
0x1f6: {  	s15 =	simm.s32 $0x5;
	v19 =	vld [tilespmem:s11+$0xFFFFFF10];
	v22 =	vadd.s32 v2, v9;
	v6 =	vmul.f32 $8.000000000e+00, v7;
	v20 =	vadd.s32 v0, v5  }
0x1f7: {  	s17 =	simm.s32 $0x6;
	v21 =	vld [tilespmem:s11+$0xFFFFFF50];
	v10 =	vmul.f32 $8.000000000e+00, v10;
	v7 =	vmul.f32 $8.000000000e+00, v11;
	v11 =	vmov s15  }
0x1f8: {  	v23 =	vadd.s32 v0, v4;
	[tilespmem:v12+s29+$0x0] =	vst.idx.msk $0xffff, v6;
	v12 =	vmov s17;
	v6 =	vand.u32 $0x7D, v11;
	v11 =	vld [tilespmem:s11+$0xFFFFFF90]  }
0x1f9: {  	[tilespmem:v13+s29+$0x0] =	vst.idx.msk $0xffff, v7;
	v13 =	vadd.s32 v0, v6;
	v7 =	vand.u32 $0x7E, v12;
	v12 =	vmul.f32 $8.000000000e+00, v14;
	v14 =	vld [tilespmem:s5+$0xFFFFFF70]  }
0x1fa: {  	[tilespmem:v16+s29+$0x0] =	vst.idx.msk $0xffff, v10;
	v10 =	vadd.s32 v0, v7;
	v16 =	vld [tilespmem:s5+$0xFFFFFFB0];
	v18 =	vmul.f32 $8.000000000e+00, v18  }
0x1fb: {  	v19 =	vmul.f32 $8.000000000e+00, v19;
	[tilespmem:v20+s29+$0x0] =	vst.idx.msk $0xffff, v12;
	v12 =	vld [tilespmem:s5+$0xFFFFFF30];
	v20 =	vadd.s32 v2, v15  }
0x1fc: {  	v25 =	vadd.s32 v2, v17;
	v21 =	vmul.f32 $8.000000000e+00, v21;
	v24 =	vld [tilespmem:s11+$0xFFFFFFE0];
	[tilespmem:v22+s29+$0x0] =	vst.idx.msk $0xffff, v18  }
0x1fd: {  	[tilespmem:v23+s29+$0x0] =	vst.idx.msk $0xffff, v19;
	v19 =	vadd.s32 v2, v8;
	v11 =	vmul.f32 $8.000000000e+00, v11;
	v22 =	vld [tilespmem:s5+$0x0]  }
0x1fe: {  	v23 =	vld [tilespmem:s11+$0xFFFFFF20];
	[tilespmem:v13+s29+$0x0] =	vst.idx.msk $0xffff, v21;
	v21 =	vadd.s32 v1, v5;
	v14 =	vmul.f32 $8.000000000e+00, v14  }
0x1ff: {  	v27 =	vadd.s32 v3, v9;
	v26 =	vld [tilespmem:s11+$0xFFFFFF60];
	[tilespmem:v10+s29+$0x0] =	vst.idx.msk $0xffff, v11;
	v10 =	vmul.f32 $8.000000000e+00, v16  }
0x200: {  	v18 =	vadd.s32 v1, v4;
	v13 =	vld [tilespmem:s11+$0xFFFFFFA0];
	v9 =	vmul.f32 $8.000000000e+00, v12;
	[tilespmem:v20+s29+$0x0] =	vst.idx.msk $0xffff, v14  }
0x201: {  	s17 =	simm.s32 $0x8;
	v16 =	vadd.s32 v1, v6;
	[tilespmem:v25+s29+$0x0] =	vst.idx.msk $0xffff, v10;
	v14 =	vmul.f32 $8.000000000e+00, v24;
	v12 =	vld [tilespmem:s5+$0xFFFFFF80]  }
0x202: {  	v20 =	vmov s17;
	v10 =	vadd.s32 v1, v7;
	v11 =	vld [tilespmem:s5+$0xFFFFFFC0];
	[tilespmem:v19+s29+$0x0] =	vst.idx.msk $0xffff, v9;
	v63 =	vmul.f32 $8.000000000e+00, v22  }
0x203: {  	s18 =	simm.s32 $0xB;
	s15 =	simm.s32 $0xC6F0;
	v15 =	vadd.s32 v3, v15;
	v9 =	vand.u32 $0x7C, v20;
	v20 =	vmul.f32 $8.000000000e+00, v23;
	[tilespmem:v21+s29+$0x0] =	vst.idx.msk $0xffff, v14;
	v14 =	vld [tilespmem:s5+$0xFFFFFF40]  }
0x204: {  	v17 =	vadd.s32 v3, v17;
	v22 =	vmov s18;
	v19 =	vld [tilespmem:s15+$0xFFFFFFD0];
	s5 =	simm.s32 $0xC;
	v21 =	vmul.f32 $8.000000000e+00, v26;
	[tilespmem:v27+s29+$0x0] =	vst.idx.msk $0xffff, v63  }
.LBB2_27:
0x205: {  	p0 =	slt.u32 s5, $0x7C;
	s9 =	sadd.s32 $0x1, s17;
	v22 =	vand.u32 $0x7F, v22;
	[tilespmem:v18+s29+$0x0] =	vst.idx.msk $0xffff, v20;
	v13 =	vmul.f32 $8.000000000e+00, v13;
	v18 =	vld [tilespmem:s11+$0xFFFFFFF0];
	v20 =	vadd.s32 v3, v8;
	v8 =	vmovc v4  }
0x206: {  	v4 =	vmovc v9;
	v23 =	vld [tilespmem:s15+$0xFFFFFF10];
	v24 =	vmov s9;
	s9 =	sadd.s32 $0x2, s17;
	v25 =	vadd.s32 v0, v22;
	[tilespmem:v16+s29+$0x0] =	vst.idx.msk $0xffff, v21;
	v12 =	vmul.f32 $8.000000000e+00, v12;
	s17 =	smov.u32 s5  }
0x207: {  	v9 =	vld [tilespmem:s15+$0xFFFFFF50];
	v16 =	vmov s9;
	[tilespmem:v10+s29+$0x0] =	vst.idx.msk $0xffff, v13;
	v10 =	vadd.s32 v2, v5;
	v11 =	vmul.f32 $8.000000000e+00, v11  }
0x208: {  	v13 =	vadd.s32 v0, v4;
	v21 =	vand.u32 $0x7D, v24;
	v24 =	vld [tilespmem:s15+$0xFFFFFF90];
	v14 =	vmul.f32 $8.000000000e+00, v14;
	[tilespmem:v15+s29+$0x0] =	vst.idx.msk $0xffff, v12  }
0x209: {  	v12 =	vadd.s32 v0, v21;
	v26 =	vand.u32 $0x7E, v16;
	v15 =	vmul.f32 $8.000000000e+00, v19;
	v16 =	vld [tilespmem:s11+$0xFFFFFF70];
	[tilespmem:v17+s29+$0x0] =	vst.idx.msk $0xffff, v11  }
0x20a: {  	v11 =	vadd.s32 v0, v26;
	v17 =	vld [tilespmem:s11+$0xFFFFFFB0];
	v18 =	vmul.f32 $8.000000000e+00, v18;
	[tilespmem:v20+s29+$0x0] =	vst.idx.msk $0xffff, v14  }
0x20b: {  	v19 =	vadd.s32 v2, v6;
	v14 =	vmul.f32 $8.000000000e+00, v23;
	[tilespmem:v25+s29+$0x0] =	vst.idx.msk $0xffff, v15;
	v15 =	vld [tilespmem:s11+$0xFFFFFF30]  }
0x20c: {  	v23 =	vadd.s32 v2, v7;
	v9 =	vmul.f32 $8.000000000e+00, v9;
	v20 =	vld [tilespmem:s15+$0xFFFFFFE0];
	[tilespmem:v10+s29+$0x0] =	vst.idx.msk $0xffff, v18  }
0x20d: {  	[tilespmem:v13+s29+$0x0] =	vst.idx.msk $0xffff, v14;
	v10 =	vmul.f32 $8.000000000e+00, v24;
	v14 =	vadd.s32 v2, v8;
	v24 =	vld [tilespmem:s11+$0x0]  }
0x20e: {  	v27 =	vadd.s32 v1, v22;
	v25 =	vld [tilespmem:s15+$0xFFFFFF20];
	[tilespmem:v12+s29+$0x0] =	vst.idx.msk $0xffff, v9;
	v9 =	vmul.f32 $8.000000000e+00, v16  }
0x20f: {  	v29 =	vadd.s32 v3, v5;
	v5 =	vmov v22;
	v28 =	vld [tilespmem:s15+$0xFFFFFF60];
	[tilespmem:v11+s29+$0x0] =	vst.idx.msk $0xffff, v10;
	v10 =	vmul.f32 $8.000000000e+00, v17  }
.Ltmp15:
0x210: {  	v18 =	vadd.s32 v1, v4;
	v13 =	vld [tilespmem:s15+$0xFFFFFFA0];
	v11 =	vmul.f32 $8.000000000e+00, v15;
	[tilespmem:v19+s29+$0x0] =	vst.idx.msk $0xffff, v9;
	(pc) =	sbr.rel @p0 .LBB2_27-.Ltmp15, $4  }
0x211: {  	v16 =	vadd.s32 v1, v21;
	v15 =	vmul.f32 $8.000000000e+00, v20;
	v12 =	vld [tilespmem:s11+$0xFFFFFF80];
	[tilespmem:v23+s29+$0x0] =	vst.idx.msk $0xffff, v10  }
0x212: {  	v9 =	vmov s5;
	v10 =	vadd.s32 v1, v26;
	[tilespmem:v14+s29+$0x0] =	vst.idx.msk $0xffff, v11;
	v11 =	vld [tilespmem:s11+$0xFFFFFFC0];
	v23 =	vmul.f32 $8.000000000e+00, v24  }
0x213: {  	s9 =	sadd.s32 $0x3, s5;
	v9 =	vand.u32 $0x7C, v9;
	v20 =	vmul.f32 $8.000000000e+00, v25;
	[tilespmem:v27+s29+$0x0] =	vst.idx.msk $0xffff, v15;
	v14 =	vld [tilespmem:s11+$0xFFFFFF40];
	v15 =	vadd.s32 v3, v6;
	v6 =	vmovc v21;
	s11 =	smov.u32 s15;
	s15 =	sadd.s32 $0x100, s15  }
0x214: {  	v22 =	vmov s9;
	v17 =	vadd.s32 v3, v7;
	v7 =	vmovc v26;
	s5 =	sadd.s32 $0x4, s5;
	v19 =	vld [tilespmem:s15+$0xFFFFFFD0];
	v21 =	vmul.f32 $8.000000000e+00, v28;
	[tilespmem:v29+s29+$0x0] =	vst.idx.msk $0xffff, v23  }
0x215: {  	s5 =	sadd.s32 $0x1, s17;
	v22 =	vand.u32 $0x7F, v22;
	v28 =	vld [tilespmem:s15+$0xFFFFFF10]  }
0x216: {  	s18 =	sadd.s32 $0x2, s17;
	v24 =	vld [tilespmem:s15+$0xFFFFFF50];
	v23 =	vmov s5;
	v25 =	vadd.s32 v0, v22  }
0x217: {  	v27 =	vld [tilespmem:s15+$0xFFFFFF90];
	v51 =	vadd.s32 v0, v9;
	v26 =	vmov s18;
	v23 =	vand.u32 $0x7D, v23  }
0x218: {  	v26 =	vand.u32 $0x7E, v26;
	v29 =	vadd.s32 v0, v23  }
0x219: {  	[tilespmem:v18+s29+$0x0] =	vst.idx.msk $0xffff, v20;
	v30 =	vadd.s32 v0, v26;
	v19 =	vmul.f32 $8.000000000e+00, v19  }
0x21a: {  	[tilespmem:v16+s29+$0x0] =	vst.idx.msk $0xffff, v21;
	v54 =	vmul.f32 $8.000000000e+00, v28  }
0x21b: {  	v52 =	vmul.f32 $8.000000000e+00, v24;
	[tilespmem:v25+s29+$0x0] =	vst.idx.msk $0xffff, v19  }
0x21c: {  	v53 =	vmul.f32 $8.000000000e+00, v27;
	v55 =	vld [tilespmem:s15+$0xFFFFFFE0];
	[tilespmem:v51+s29+$0x0] =	vst.idx.msk $0xffff, v54  }
0x21d: {  	v13 =	vmul.f32 $8.000000000e+00, v13;
	v8 =	vadd.s32 v3, v8;
	[tilespmem:v29+s29+$0x0] =	vst.idx.msk $0xffff, v52;
	v59 =	vld [tilespmem:s15+$0xFFFFFF20]  }
0x21e: {  	v12 =	vmul.f32 $8.000000000e+00, v12;
	v57 =	vadd.s32 v1, v22;
	[tilespmem:v30+s29+$0x0] =	vst.idx.msk $0xffff, v53;
	v56 =	vld [tilespmem:s15+$0xFFFFFF60]  }
0x21f: {  	[tilespmem:v10+s29+$0x0] =	vst.idx.msk $0xffff, v13;
	v58 =	vmul.f32 $8.000000000e+00, v11;
	v28 =	vadd.s32 v1, v9;
	v19 =	vld [tilespmem:s15+$0xFFFFFFA0]  }
0x220: {  	v61 =	vld [tilespmem:s11+$0xFFFFFFF0];
	v60 =	vadd.s32 v1, v23;
	v14 =	vmul.f32 $8.000000000e+00, v14;
	[tilespmem:v15+s29+$0x0] =	vst.idx.msk $0xffff, v12  }
0x221: {  	v32 =	vld [tilespmem:s11+$0xFFFFFF30];
	v62 =	vadd.s32 v1, v26;
	[tilespmem:v17+s29+$0x0] =	vst.idx.msk $0xffff, v58;
	v16 =	vmul.f32 $8.000000000e+00, v55  }
0x222: {  	[tilespmem:v8+s29+$0x0] =	vst.idx.msk $0xffff, v14;
	v29 =	vadd.s32 v2, v5;
	v30 =	vld [tilespmem:s11+$0xFFFFFFB0];
	v11 =	vmul.f32 $8.000000000e+00, v59  }
0x223: {  	v38 =	vadd.s32 v2, v4;
	v63 =	vld [tilespmem:s11+$0xFFFFFF70];
	v31 =	vmul.f32 $8.000000000e+00, v56;
	[tilespmem:v57+s29+$0x0] =	vst.idx.msk $0xffff, v16  }
0x224: {  	v35 =	vadd.s32 v2, v7;
	v34 =	vmul.f32 $8.000000000e+00, v19;
	v36 =	vld [tilespmem:s15+$0xFFFFFFF0];
	[tilespmem:v28+s29+$0x0] =	vst.idx.msk $0xffff, v11  }
0x225: {  	v33 =	vadd.s32 v2, v6;
	v37 =	vmul.f32 $8.000000000e+00, v61;
	[tilespmem:v60+s29+$0x0] =	vst.idx.msk $0xffff, v31;
	v43 =	vld [tilespmem:s15+$0xFFFFFF30]  }
0x226: {  	v40 =	vadd.s32 v2, v22;
	v14 =	vmul.f32 $8.000000000e+00, v32;
	[tilespmem:v62+s29+$0x0] =	vst.idx.msk $0xffff, v34;
	v39 =	vld [tilespmem:s15+$0xFFFFFF70]  }
0x227: {  	v48 =	vadd.s32 v2, v9;
	[tilespmem:v29+s29+$0x0] =	vst.idx.msk $0xffff, v37;
	v42 =	vmul.f32 $8.000000000e+00, v30;
	v41 =	vld [tilespmem:s15+$0xFFFFFFB0]  }
0x228: {  	v44 =	vadd.s32 v2, v23;
	v15 =	vmul.f32 $8.000000000e+00, v63;
	[tilespmem:v38+s29+$0x0] =	vst.idx.msk $0xffff, v14;
	v45 =	vld [tilespmem:s11+$0x0]  }
0x229: {  	v46 =	vadd.s32 v2, v26;
	v14 =	vld [tilespmem:s11+$0xFFFFFF40];
	[tilespmem:v35+s29+$0x0] =	vst.idx.msk $0xffff, v42;
	v47 =	vmul.f32 $8.000000000e+00, v36  }
0x22a: {  	v5 =	vadd.s32 v3, v5;
	[tilespmem:v33+s29+$0x0] =	vst.idx.msk $0xffff, v15;
	v49 =	vld [tilespmem:s11+$0xFFFFFFC0];
	v53 =	vmul.f32 $8.000000000e+00, v43  }
0x22b: {  	v4 =	vadd.s32 v3, v4;
	v21 =	vld [tilespmem:s11+$0xFFFFFF80];
	v12 =	vmul.f32 $8.000000000e+00, v39;
	[tilespmem:v40+s29+$0x0] =	vst.idx.msk $0xffff, v47  }
0x22c: {  	v52 =	vadd.s32 v3, v7;
	v51 =	vmul.f32 $8.000000000e+00, v41;
	v10 =	vld [tilespmem:s15+$0x0];
	[tilespmem:v48+s29+$0x0] =	vst.idx.msk $0xffff, v53  }
0x22d: {  	v50 =	vadd.s32 v3, v6;
	v54 =	vmul.f32 $8.000000000e+00, v45;
	[tilespmem:v44+s29+$0x0] =	vst.idx.msk $0xffff, v12;
	v59 =	vld [tilespmem:s15+$0xFFFFFF40]  }
0x22e: {  	v57 =	vadd.s32 v3, v22;
	v14 =	vmul.f32 $8.000000000e+00, v14;
	[tilespmem:v46+s29+$0x0] =	vst.idx.msk $0xffff, v51;
	v55 =	vld [tilespmem:s15+$0xFFFFFF80]  }
0x22f: {  	v62 =	vadd.s32 v3, v9;
	[tilespmem:v5+s29+$0x0] =	vst.idx.msk $0xffff, v54;
	v5 =	vmul.f32 $8.000000000e+00, v49;
	v58 =	vld [tilespmem:s15+$0xFFFFFFC0]  }
0x230: {  	v56 =	vmul.f32 $8.000000000e+00, v21;
	v60 =	vadd.s32 v3, v23;
	[tilespmem:v4+s29+$0x0] =	vst.idx.msk $0xffff, v14  }
0x231: {  	v61 =	vadd.s32 v3, v26;
	[tilespmem:v52+s29+$0x0] =	vst.idx.msk $0xffff, v5;
	v5 =	vmul.f32 $8.000000000e+00, v10  }
0x232: {  	[tilespmem:v50+s29+$0x0] =	vst.idx.msk $0xffff, v56;
	v63 =	vmul.f32 $8.000000000e+00, v59  }
0x233: {  	s1 =	sshll.u32 s1, $0x12;
	v4 =	vmul.f32 $8.000000000e+00, v55;
	[tilespmem:v57+s29+$0x0] =	vst.idx.msk $0xffff, v5  }
0x234: {  	s1 =	sor.u32 s6, s1;
	v5 =	vmul.f32 $8.000000000e+00, v58;
	[tilespmem:v62+s29+$0x0] =	vst.idx.msk $0xffff, v63  }
0x235: {  	s1 =	sshrl.u32 s1, $0x3;
	[tilespmem:v60+s29+$0x0] =	vst.idx.msk $0xffff, v4  }
0x236: {  	s9 =	simm.s32 $0x14A00;
	s5 =	sadd.s32 s2, s1;
	[tilespmem:v61+s29+$0x0] =	vst.idx.msk $0xffff, v5  }
0x237: {  	[hbm4b:s5+s3] =	stream.linear.scatter [tilespmem:s9], [sflag:$0x8], $0x80, $0x38;
	[tilespmem:$0x16C00] =	vst v63  }
0x238: {  	s11 =	simm.s32 $0x14A88;
	s9 =	sadd.s32 $0x10, s5  }
0x239: {  	[hbm4b:s9+s3] =	stream.linear.scatter [tilespmem:s11], [sflag:$0x8], $0x80, $0x38;
	[tilespmem:$0x16C00] =	vst v63  }
0x23a: {  	s12 =	simm.s32 $0x14B10;
	s17 =	simm.s32 $0x14B98;
	s15 =	sadd.s32 $0x20, s5  }
0x23b: {  	[hbm4b:s15+s3] =	stream.linear.scatter [tilespmem:s12], [sflag:$0x8], $0x80, $0x38;
	[tilespmem:$0x16C00] =	vst v63  }
0x23c: {  	s1 =	simm.s32 $0x440;
	s18 =	sadd.s32 $0x30, s5;
	s9 =	simm.s32 $0x14C20  }
0x23d: {  	[hbm4b:s18+s3] =	stream.linear.scatter [tilespmem:s17], [sflag:$0x8], $0x80, $0x38;
	[tilespmem:$0x16C00] =	vst v63  }
0x23e: {  	s11 =	sadd.s32 $0x40, s5;
	s12 =	simm.s32 $0x14CA8;
	s15 =	sadd.s32 $0x50, s5  }
0x23f: {  	[hbm4b:s11+s3] =	stream.linear.scatter [tilespmem:s9], [sflag:$0x8], $0x80, $0x38;
	[tilespmem:$0x16C00] =	vst v63  }
0x240: {  	s17 =	simm.s32 $0x14D30;
	s18 =	sadd.s32 $0x60, s5;
	s11 =	simm.s32 $0x2200  }
0x241: {  	[hbm4b:s15+s3] =	stream.linear.scatter [tilespmem:s12], [sflag:$0x8], $0x80, $0x38;
	[tilespmem:$0x16C00] =	vst v63  }
0x242: {  	s9 =	sadd.s32 $0x70, s5;
	s5 =	sadd.s32 $0x1000, s5;
	s15 =	simm.s32 $0x14DB8  }
0x243: {  	[hbm4b:s18+s3] =	stream.linear.scatter [tilespmem:s17], [sflag:$0x8], $0x80, $0x38;
	[tilespmem:$0x16C00] =	vst v63  }
.LBB2_29:
0x244: {  	[hbm4b:s9+s3] =	stream.linear.scatter [tilespmem:s15], [sflag:$0x8], $0x80, $0x38;
	[tilespmem:$0x16C00] =	vst v63  }
0x245: {  	s9 =	smov.u32 s1;
	s1 =	smov.u32 s11  }
0x246: {  	s12 =	sadd.s32 $0x1100, s11;
	s1 =	sshra.s32 s1, $0x2;
	s15 =	sadd.s32 $0x14A00, s9  }
0x247: {  	[hbm4b:s5+s3] =	stream.linear.scatter [tilespmem:s15], [sflag:$0x8], $0x80, $0x38;
	[tilespmem:$0x16C00] =	vst v63  }
0x248: {  	p0 =	sne.s32 s11, $0x7700;
	s11 =	sadd.s32 $0x14A88, s9;
	s15 =	sadd.s32 $0x10, s5  }
0x249: {  	[hbm4b:s15+s3] =	stream.linear.scatter [tilespmem:s11], [sflag:$0x8], $0x80, $0x38;
	[tilespmem:$0x16C00] =	vst v63  }
0x24a: {  	s11 =	sadd.s32 $0x14B10, s9;
	s15 =	sadd.s32 $0x20, s5  }
0x24b: {  	[hbm4b:s15+s3] =	stream.linear.scatter [tilespmem:s11], [sflag:$0x8], $0x80, $0x38;
	[tilespmem:$0x16C00] =	vst v63  }
0x24c: {  	s11 =	sadd.s32 $0x14B98, s9;
	s15 =	sadd.s32 $0x30, s5  }
0x24d: {  	[hbm4b:s15+s3] =	stream.linear.scatter [tilespmem:s11], [sflag:$0x8], $0x80, $0x38;
	[tilespmem:$0x16C00] =	vst v63  }
0x24e: {  	s11 =	sadd.s32 $0x14C20, s9;
	s15 =	sadd.s32 $0x40, s5  }
0x24f: {  	[hbm4b:s15+s3] =	stream.linear.scatter [tilespmem:s11], [sflag:$0x8], $0x80, $0x38;
	[tilespmem:$0x16C00] =	vst v63  }
0x250: {  	s11 =	sadd.s32 $0x14CA8, s9;
	s15 =	sadd.s32 $0x50, s5  }
0x251: {  	[hbm4b:s15+s3] =	stream.linear.scatter [tilespmem:s11], [sflag:$0x8], $0x80, $0x38;
	[tilespmem:$0x16C00] =	vst v63  }
.Ltmp16:
0x252: {  	_ = 	snop;
	(pc) =	sbr.rel @p0 .LBB2_29-.Ltmp16, $4  }
0x253: {  	s11 =	sadd.s32 $0x14D30, s9;
	s15 =	sadd.s32 $0x60, s5  }
0x254: {  	[hbm4b:s15+s3] =	stream.linear.scatter [tilespmem:s11], [sflag:$0x8], $0x80, $0x38;
	[tilespmem:$0x16C00] =	vst v63  }
0x255: {  	s15 =	sadd.s32 $0x14DB8, s9  }
0x256: {  	s9 =	sadd.s32 $0x70, s5;
	s5 =	sadd.s32 $0x1000, s5;
	s11 =	smov.u32 s12  }
0x257: {  	[hbm4b:s9+s3] =	stream.linear.scatter [tilespmem:s15], [sflag:$0x8], $0x80, $0x38;
	[tilespmem:$0x16C00] =	vst v63  }
0x258: {  	s17 =	sadd.s32 $0x14A00, s1  }
0x259: {  	[hbm4b:s5+s3] =	stream.linear.scatter [tilespmem:s17], [sflag:$0x8], $0x80, $0x38;
	[tilespmem:$0x16C00] =	vst v63  }
0x25a: {  	s18 =	sadd.s32 $0x14A88, s1;
	s11 =	sadd.s32 $0x10, s5  }
0x25b: {  	[hbm4b:s11+s3] =	stream.linear.scatter [tilespmem:s18], [sflag:$0x8], $0x80, $0x38;
	[tilespmem:$0x16C00] =	vst v63  }
0x25c: {  	s12 =	sadd.s32 $0x14B10, s1;
	s15 =	sadd.s32 $0x20, s5  }
0x25d: {  	[hbm4b:s15+s3] =	stream.linear.scatter [tilespmem:s12], [sflag:$0x8], $0x80, $0x38;
	[tilespmem:$0x16C00] =	vst v63  }
0x25e: {  	s17 =	sadd.s32 $0x14B98, s1;
	s18 =	sadd.s32 $0x30, s5  }
0x25f: {  	[hbm4b:s18+s3] =	stream.linear.scatter [tilespmem:s17], [sflag:$0x8], $0x80, $0x38;
	[tilespmem:$0x16C00] =	vst v63  }
0x260: {  	s0 =	sadd.s32 $0x1, s0;
	s12 =	sadd.s32 $0x14C20, s1;
	s15 =	sadd.s32 $0x40, s5  }
0x261: {  	[hbm4b:s15+s3] =	stream.linear.scatter [tilespmem:s12], [sflag:$0x8], $0x80, $0x38;
	[tilespmem:$0x16C00] =	vst v63  }
0x262: {  	p0 =	sne.s32 s0, $0x32;
	s17 =	sadd.s32 $0x14CA8, s1;
	s18 =	sadd.s32 $0x50, s5  }
0x263: {  	[hbm4b:s18+s3] =	stream.linear.scatter [tilespmem:s17], [sflag:$0x8], $0x80, $0x38;
	[tilespmem:$0x16C00] =	vst v63  }
.Ltmp17:
0x264: {  	_ = 	snop;
	(pc) =	sbr.rel @p0 .LBB2_2-.Ltmp17, $4  }
0x265: {  	s12 =	sadd.s32 $0x14D30, s1;
	s15 =	sadd.s32 $0x60, s5  }
0x266: {  	[hbm4b:s15+s3] =	stream.linear.scatter [tilespmem:s12], [sflag:$0x8], $0x80, $0x38;
	[tilespmem:$0x16C00] =	vst v63  }
0x267: {  	s17 =	sadd.s32 $0x14DB8, s1;
	s18 =	sadd.s32 $0x70, s5  }
0x268: {  	[hbm4b:s18+s3] =	stream.linear.scatter [tilespmem:s17], [sflag:$0x8], $0x80, $0x38;
	[tilespmem:$0x16C00] =	vst v63  }
0x269: {  	_ =	swait.ge [sflag:s30], $0x2000  }
0x26a: {  	[sflag:s30] =	ssyncset.done $0x0  }
0x26b: {  	[sflag:s30] =	ssyncadd.s32 $0xFFFFE000  }
0x26c: {  	_ =	swait.ge [sflag:s21], $0x2000  }
0x26d: {  	[sflag:s21] =	ssyncset.done $0x0  }
0x26e: {  	[sflag:s21] =	ssyncadd.s32 $0xFFFFE000  }
0x26f: {  	_ =	swait.ge [sflag:s24], $0x2000  }
0x270: {  	[sflag:s24] =	ssyncset.done $0x0  }
0x271: {  	[sflag:s24] =	ssyncadd.s32 $0xFFFFE000  }
0x272: {  	_ =	swait.ge [sflag:s28], $0x2000  }
0x273: {  	s31 =	sadd.s32 $0x1, s31;
	s0 =	rddreg [dreg:$0x4]  }
0x274: {  	p0 =	sne.s32 s31, s0  }
.Ltmp18:
0x275: {  	_ = 	snop;
	(pc) =	sbr.rel @p0 .LBB2_1-.Ltmp18, $3  }
0x276: {  	_ =	sdelay $0x1  }
0x277: {  	[sflag:s28] =	ssyncset.done $0x0  }
0x278: {  	[sflag:s28] =	ssyncadd.s32 $0xFFFFE000  }
0x279: {  	_ =	sfence.sel $0x180000  }
0x27a: {  	[bflag:$0x0] =	sbarrier.arrive $0xFFFF  }
0x27b: {  	_ =	strace $0x90000047  }
0x27c: {  	s0 =	stileid.u32;
	[bflag:$0x2] =	sbarrier.arrive $0xFFFF  }
0x27d: {  	p0 =	sne.s32 s0, $0x0;
	s0 =	rddreg [dreg:$0x2]  }
0x27e: {  	s0 =	sadd.s32 @!p0 $0x100000, s0  }
0x27f: {  	[sflag:s0] =	ssyncadd.tile.s32 @!p0 $0x1;
	_ =	shalt  }
.Lfunc_end2:
_tile_overlayer_lowered:
.L_overlay_start_2:
0x280: {  	(tag) =	ssettag $0x2  }
0x281: {  	s0 =	rddreg [dreg:$0x0];
	s2 =	stileid.u32  }
0x282: {  	s1 =	rddreg [dreg:$0x1];
	p0 =	sne.s32 s2, $0x0  }
0x283: {  	s3 =	rddreg [dreg:$0x2];
	[bflag:$0x3] =	sbarrier.arrive $0xFFFF;
	s2 =	simm.s32 @!p0 $0x1C09  }
0x284: {  	[timem:s3], [sflag:s2] =	dma.local @!p0 [hbm:s0], s1  }
0x285: {  	s0 =	simm.s32 @!p0 $0x9  }
0x286: {  	_ =	swait.ge @!p0 [sflag:s0], s1  }
0x287: {  	s1 =	ssub.s32 @!p0 $0x0, s1;
	[sflag:s0] =	ssyncset.done @!p0 $0x0  }
0x288: {  	[sflag:s0] =	ssyncadd.s32 @!p0 s1  }
0x289: {  	[bflag:$0x3] =	sbarrier.arrive $0xFFFF  }
0x28a: {  	_ =	shalt  }

</sc_bundles>
